<compile_context>
chip_gen: v7x
topology: tpu7x:2x2x1
jax: 0.10.2.dev20260603
libtpu: 0.0.44.dev20260713+nightly
codegen_flags: <defaults>
</compile_context>

<pallas_src>
import functools

import jax
import jax.numpy as jnp
from jax import lax
from jax.experimental import pallas as pl
from jax.experimental.pallas import tpu as pltpu
from jax.experimental.pallas import tpu_sc as plsc

VOCAB = 1000000
EMBED = 64
B = 16384
P = 20
N = 100

NC = 2
NS = 16
L = 16
NW = NC * NS
BW = B // NW
BC = 8
NCHUNK = BW // BC
CTX = P + N
NG = 8


def _sc_dots():
    mesh = plsc.VectorSubcoreMesh(core_axis_name="c", subcore_axis_name="s")

    @functools.partial(
        pl.kernel,
        mesh=mesh,
        out_type=jax.ShapeDtypeStruct((B, 128), jnp.float32),
        compiler_params=pltpu.CompilerParams(
            needs_layout_passes=False, use_tc_tiling_on_sc=False),
        scratch_types=[
            pltpu.VMEM((BC,), jnp.int32),
            pltpu.VMEM((BC,), jnp.int32),
            pltpu.VMEM((BC, P), jnp.int32),
            pltpu.VMEM((BC, P), jnp.int32),
            pltpu.VMEM((BC, N), jnp.int32),
            pltpu.VMEM((BC, N), jnp.int32),
            pltpu.VMEM((BC, EMBED), jnp.float32),
            pltpu.VMEM((BC, EMBED), jnp.float32),
            pltpu.VMEM((BC * CTX + 8, EMBED), jnp.float32),
            pltpu.VMEM((BC * CTX + 8, EMBED), jnp.float32),
            pltpu.VMEM((BC, 128), jnp.float32),
            pltpu.VMEM((BC, 128), jnp.float32),
            pltpu.SemaphoreType.DMA,
            pltpu.SemaphoreType.DMA,
            pltpu.SemaphoreType.DMA,
            pltpu.SemaphoreType.DMA,
            pltpu.SemaphoreType.DMA,
            pltpu.SemaphoreType.DMA,
        ],
    )
    def k(input_hbm, pos_hbm, neg_hbm, ine_hbm, oute_hbm, dots_hbm,
          inb0, inb1, pb0, pb1, nb0, nb1, ub0, ub1, rw0, rw1, os0, os1,
          sg0, sg1, so0, so1, si0, si1):
        inb, pb, nb, ub, rw, osb = (inb0, inb1), (pb0, pb1), (nb0, nb1), \
            (ub0, ub1), (rw0, rw1), (os0, os1)
        sg, so, si = (sg0, sg1), (so0, so1), (si0, si1)
        wid = lax.axis_index("s") * NC + lax.axis_index("c")
        lane = lax.iota(jnp.int32, L)

        def stage_idx(ci, kb):
            b0 = wid * BW + ci * BC
            pltpu.async_copy(input_hbm.at[pl.ds(b0, BC)], inb[kb], si[kb])
            pltpu.async_copy(pos_hbm.at[pl.ds(b0, BC)], pb[kb], si[kb])
            pltpu.async_copy(neg_hbm.at[pl.ds(b0, BC)], nb[kb], si[kb])

        def wait_idx(kb):
            pltpu.make_async_copy(
                input_hbm.at[pl.ds(0, BC)], inb[kb], si[kb]).wait()
            pltpu.make_async_copy(
                pos_hbm.at[pl.ds(0, BC)], pb[kb], si[kb]).wait()
            pltpu.make_async_copy(
                neg_hbm.at[pl.ds(0, BC)], nb[kb], si[kb]).wait()

        def fire_gathers(kb):
            pltpu.async_copy(ine_hbm.at[inb[kb]], ub[kb], sg[kb])
            for b in range(BC):
                pltpu.async_copy(oute_hbm.at[pb[kb].at[b]],
                                 rw[kb].at[pl.ds(b * CTX, P)], sg[kb])
                pltpu.async_copy(oute_hbm.at[nb[kb].at[b]],
                                 rw[kb].at[pl.ds(b * CTX + P, N)], sg[kb])

        def wait_gathers(kb):
            pltpu.make_async_copy(
                ine_hbm.at[pl.ds(0, BC)], ub[kb], sg[kb]).wait()
            pltpu.make_async_copy(
                oute_hbm.at[pl.ds(0, BC * CTX)],
                rw[kb].at[pl.ds(0, BC * CTX)], sg[kb]).wait()

        def compute(kb):
            rows, ubuf, ostage = rw[kb], ub[kb], osb[kb]

            def b_body(b, _):
                u0 = ubuf[b, pl.ds(0, L)]
                u1 = ubuf[b, pl.ds(L, L)]
                u2 = ubuf[b, pl.ds(2 * L, L)]
                u3 = ubuf[b, pl.ds(3 * L, L)]

                def g_body(g, _):
                    r0 = b * CTX + g * L
                    acc = jnp.zeros((L,), jnp.float32)
                    for c in range(L):
                        r = r0 + c
                        p = ((rows[r, pl.ds(0, L)] * u0
                              + rows[r, pl.ds(L, L)] * u1)
                             + (rows[r, pl.ds(2 * L, L)] * u2
                                + rows[r, pl.ds(3 * L, L)] * u3))
                        acc = jnp.where(lane == c, jnp.sum(p), acc)
                    ostage[b, pl.ds(g * L, L)] = acc
                    return 0

                lax.fori_loop(0, NG, g_body, 0)
                return 0

            lax.fori_loop(0, BC, b_body, 0)

        stage_idx(0, 0)
        stage_idx(1, 1)
        wait_idx(0)
        fire_gathers(0)

        def loop_body(i, _):
            for kb in range(2):
                ci = 2 * i + kb

                @pl.when(ci + 1 < NCHUNK)
                def _():
                    wait_idx(1 - kb)
                    fire_gathers(1 - kb)

                wait_gathers(kb)

                @pl.when(ci + 2 < NCHUNK)
                def _():
                    stage_idx(ci + 2, kb)

                @pl.when(ci >= 2)
                def _():
                    b0_old = wid * BW + (ci - 2) * BC
                    pltpu.make_async_copy(
                        osb[kb], dots_hbm.at[pl.ds(b0_old, BC)],
                        so[kb]).wait()

                compute(kb)
                b0 = wid * BW + ci * BC
                pltpu.async_copy(osb[kb], dots_hbm.at[pl.ds(b0, BC)], so[kb])
            return 0

        lax.fori_loop(0, NCHUNK // 2, loop_body, 0)
        for kb in range(2):
            b0_last = wid * BW + (NCHUNK - 2 + kb) * BC
            pltpu.make_async_copy(
                osb[kb], dots_hbm.at[pl.ds(b0_last, BC)], so[kb]).wait()

    return k


def _tc_loss(dots):
    def body(d_ref, o_ref):
        x = d_ref[...]
        col = lax.broadcasted_iota(jnp.int32, x.shape, 1)
        s = jnp.where(col < P, x, -x)
        ls = jnp.where(col < CTX, jax.nn.log_sigmoid(s), 0.0)
        o_ref[...] = -jnp.sum(ls, axis=1)

    blk = 512
    return pl.pallas_call(
        body,
        grid=(B // blk,),
        in_specs=[pl.BlockSpec((blk, 128), lambda i: (i, 0))],
        out_specs=pl.BlockSpec((blk,), lambda i: (i,)),
        out_shape=jax.ShapeDtypeStruct((B,), jnp.float32),
    )(dots)


def kernel(input_labels, pos_labels, neg_labels, in_embed, out_embed):
    dots = _sc_dots()(
        input_labels.astype(jnp.int32),
        pos_labels.astype(jnp.int32),
        neg_labels.astype(jnp.int32),
        in_embed,
        out_embed,
    )
    return _tc_loss(dots)

# --- scband reference (transcript-rebuilt; emitter-appended) ---
"""Pipeline reference for scband-embedding-model-1168231105018 (READ-ONLY COPY).

The authoritative reference and input builder live on the scoring server;
editing this copy changes nothing except your own understanding.
"""

import jax, jax.numpy as jnp
import numpy as np

VOCAB = 1000000
EMBED = 64
B = 16384
P = 20
N = 100

def setup_inputs(seed: int = 0) -> dict:
    key = jax.random.key(seed)
    k1, k2, k3, k4, k5 = jax.random.split(key, 5)
    input_labels = jax.random.randint(k1, (B,), 0, VOCAB, dtype=jnp.int64) if jax.config.jax_enable_x64 else jax.random.randint(k1, (B,), 0, VOCAB).astype(jnp.int32)
    pos_labels = jax.random.randint(k2, (B, P), 0, VOCAB).astype(input_labels.dtype)
    neg_labels = jax.random.randint(k3, (B, N), 0, VOCAB).astype(input_labels.dtype)
    in_embed = jax.random.normal(k4, (VOCAB, EMBED), dtype=jnp.float32) * 0.1
    out_embed = jax.random.normal(k5, (VOCAB, EMBED), dtype=jnp.float32) * 0.1
    return {
        "input_labels": input_labels,
        "pos_labels": pos_labels,
        "neg_labels": neg_labels,
        "in_embed": in_embed,
        "out_embed": out_embed,
    }

def reference(input_labels, pos_labels, neg_labels, in_embed, out_embed):
    # gather center-word embeddings: [B, d]
    input_embedding = jnp.take(in_embed, input_labels, axis=0)
    # gather context embeddings: [B, P, d] and [B, N, d]
    pos_embedding = jnp.take(out_embed, pos_labels, axis=0)
    neg_embedding = jnp.take(out_embed, neg_labels, axis=0)
    # bmm(pos_embedding, input_embedding.unsqueeze(2)).squeeze(2) == batched dot
    pos_dot = jnp.einsum('bpd,bd->bp', pos_embedding, input_embedding)
    neg_dot = jnp.einsum('bnd,bd->bn', neg_embedding, -input_embedding)
    log_pos = jax.nn.log_sigmoid(pos_dot).sum(axis=1)
    log_neg = jax.nn.log_sigmoid(neg_dot).sum(axis=1)
    loss = log_pos + log_neg
    return -loss

if False:  # reference __main__ guard neutralized (emitter)
    out = reference(**setup_inputs())
    print(out.shape, out.dtype)

if __name__ == "__main__":
    import jax
    _d = setup_inputs()
    print(jax.jit(kernel)(*tuple(_d.values())))

</pallas_src>

<mosaic_0001>
#map = affine_map<(d0, d1) -> (0)>
#map1 = affine_map<(d0, d1) -> (0, 0)>
module attributes {stable_mosaic.version = 14 : i64} {
  func.func @k(%arg0: i32, %arg1: i32, %arg2: memref<16384xi32, #tpu.memory_space<hbm>>, %arg3: memref<16384x20xi32, #tpu.memory_space<hbm>>, %arg4: memref<16384x100xi32, #tpu.memory_space<hbm>>, %arg5: memref<1000000x64xf32, #tpu.memory_space<hbm>>, %arg6: memref<1000000x64xf32, #tpu.memory_space<hbm>>, %arg7: memref<16384x128xf32, #tpu.memory_space<hbm>>, %arg8: memref<8xi32, #tpu.memory_space<vmem>>, %arg9: memref<8xi32, #tpu.memory_space<vmem>>, %arg10: memref<8x20xi32, #tpu.memory_space<vmem>>, %arg11: memref<8x20xi32, #tpu.memory_space<vmem>>, %arg12: memref<8x100xi32, #tpu.memory_space<vmem>>, %arg13: memref<8x100xi32, #tpu.memory_space<vmem>>, %arg14: memref<8x64xf32, #tpu.memory_space<vmem>>, %arg15: memref<8x64xf32, #tpu.memory_space<vmem>>, %arg16: memref<968x64xf32, #tpu.memory_space<vmem>>, %arg17: memref<968x64xf32, #tpu.memory_space<vmem>>, %arg18: memref<8x128xf32, #tpu.memory_space<vmem>>, %arg19: memref<8x128xf32, #tpu.memory_space<vmem>>, %arg20: memref<!tpu.dma_semaphore, #tpu.memory_space<semaphore_mem>>, %arg21: memref<!tpu.dma_semaphore, #tpu.memory_space<semaphore_mem>>, %arg22: memref<!tpu.dma_semaphore, #tpu.memory_space<semaphore_mem>>, %arg23: memref<!tpu.dma_semaphore, #tpu.memory_space<semaphore_mem>>, %arg24: memref<!tpu.dma_semaphore, #tpu.memory_space<semaphore_mem>>, %arg25: memref<!tpu.dma_semaphore, #tpu.memory_space<semaphore_mem>>) attributes {dimension_semantics = [#tpu.dimension_semantics<core_parallel>, #tpu.dimension_semantics<subcore_parallel>], iteration_bounds = array<i64: 2, 16>, scalar_prefetch = 0 : i64, scratch_operands = 18 : i64, tpu.core_type = #tpu.core_type<sc_vector_subcore>, window_params = [{transform_indices = #map}, {transform_indices = #map1}, {transform_indices = #map1}, {transform_indices = #map1}, {transform_indices = #map1}, {transform_indices = #map1}]} {
    %mul3A = arith.constant 2 : i32
    %mul3A_0 = arith.muli %arg1, %mul3A : i32
    %add3A = arith.addi %mul3A_0, %arg0 : i32
    %iota3A = tpu.iota {dimensions = array<i32: 0>} : vector<16xi32>
    %mul3A_1 = arith.constant 512 : i32
    %mul3A_2 = arith.muli %add3A, %mul3A_1 : i32
    %add3A_3 = arith.constant 0 : i32
    %add3A_4 = arith.addi %mul3A_2, %add3A_3 : i32
    %dma_start3A = tpu.memref_slice %arg2[%add3A_4] : memref<16384xi32, #tpu.memory_space<hbm>> -> memref<8xi32, #tpu.memory_space<hbm>>
    %dma_start3A_5 = tpu.memref_slice %arg2[%add3A_4] : memref<16384xi32, #tpu.memory_space<hbm>> -> memref<8xi32, #tpu.memory_space<hbm>>
    tpu.enqueue_dma source(%dma_start3A_5 : memref<8xi32, #tpu.memory_space<hbm>>) target(%arg8 : memref<8xi32, #tpu.memory_space<vmem>>) target_semaphore(%arg24 : memref<!tpu.dma_semaphore, #tpu.memory_space<semaphore_mem>>)
    %dma_start3A_6 = arith.constant 0 : i32
    %dma_start3A_7 = tpu.memref_slice %arg3[%add3A_4, %dma_start3A_6] : memref<16384x20xi32, #tpu.memory_space<hbm>> -> memref<8x20xi32, #tpu.memory_space<hbm>>
    %dma_start3A_8 = arith.constant 0 : i32
    %dma_start3A_9 = tpu.memref_slice %arg3[%add3A_4, %dma_start3A_8] : memref<16384x20xi32, #tpu.memory_space<hbm>> -> memref<8x20xi32, #tpu.memory_space<hbm>>
    tpu.enqueue_dma source(%dma_start3A_9 : memref<8x20xi32, #tpu.memory_space<hbm>>) target(%arg10 : memref<8x20xi32, #tpu.memory_space<vmem>>) target_semaphore(%arg24 : memref<!tpu.dma_semaphore, #tpu.memory_space<semaphore_mem>>)
    %dma_start3A_10 = arith.constant 0 : i32
    %dma_start3A_11 = tpu.memref_slice %arg4[%add3A_4, %dma_start3A_10] : memref<16384x100xi32, #tpu.memory_space<hbm>> -> memref<8x100xi32, #tpu.memory_space<hbm>>
    %dma_start3A_12 = arith.constant 0 : i32
    %dma_start3A_13 = tpu.memref_slice %arg4[%add3A_4, %dma_start3A_12] : memref<16384x100xi32, #tpu.memory_space<hbm>> -> memref<8x100xi32, #tpu.memory_space<hbm>>
    tpu.enqueue_dma source(%dma_start3A_13 : memref<8x100xi32, #tpu.memory_space<hbm>>) target(%arg12 : memref<8x100xi32, #tpu.memory_space<vmem>>) target_semaphore(%arg24 : memref<!tpu.dma_semaphore, #tpu.memory_space<semaphore_mem>>)
    %mul3A_14 = arith.constant 512 : i32
    %mul3A_15 = arith.muli %add3A, %mul3A_14 : i32
    %add3A_16 = arith.constant 8 : i32
    %add3A_17 = arith.addi %mul3A_15, %add3A_16 : i32
    %dma_start3A_18 = tpu.memref_slice %arg2[%add3A_17] : memref<16384xi32, #tpu.memory_space<hbm>> -> memref<8xi32, #tpu.memory_space<hbm>>
    %dma_start3A_19 = tpu.memref_slice %arg2[%add3A_17] : memref<16384xi32, #tpu.memory_space<hbm>> -> memref<8xi32, #tpu.memory_space<hbm>>
    tpu.enqueue_dma source(%dma_start3A_19 : memref<8xi32, #tpu.memory_space<hbm>>) target(%arg9 : memref<8xi32, #tpu.memory_space<vmem>>) target_semaphore(%arg25 : memref<!tpu.dma_semaphore, #tpu.memory_space<semaphore_mem>>)
    %dma_start3A_20 = arith.constant 0 : i32
    %dma_start3A_21 = tpu.memref_slice %arg3[%add3A_17, %dma_start3A_20] : memref<16384x20xi32, #tpu.memory_space<hbm>> -> memref<8x20xi32, #tpu.memory_space<hbm>>
    %dma_start3A_22 = arith.constant 0 : i32
    %dma_start3A_23 = tpu.memref_slice %arg3[%add3A_17, %dma_start3A_22] : memref<16384x20xi32, #tpu.memory_space<hbm>> -> memref<8x20xi32, #tpu.memory_space<hbm>>
    tpu.enqueue_dma source(%dma_start3A_23 : memref<8x20xi32, #tpu.memory_space<hbm>>) target(%arg11 : memref<8x20xi32, #tpu.memory_space<vmem>>) target_semaphore(%arg25 : memref<!tpu.dma_semaphore, #tpu.memory_space<semaphore_mem>>)
    %dma_start3A_24 = arith.constant 0 : i32
    %dma_start3A_25 = tpu.memref_slice %arg4[%add3A_17, %dma_start3A_24] : memref<16384x100xi32, #tpu.memory_space<hbm>> -> memref<8x100xi32, #tpu.memory_space<hbm>>
    %dma_start3A_26 = arith.constant 0 : i32
    %dma_start3A_27 = tpu.memref_slice %arg4[%add3A_17, %dma_start3A_26] : memref<16384x100xi32, #tpu.memory_space<hbm>> -> memref<8x100xi32, #tpu.memory_space<hbm>>
    tpu.enqueue_dma source(%dma_start3A_27 : memref<8x100xi32, #tpu.memory_space<hbm>>) target(%arg13 : memref<8x100xi32, #tpu.memory_space<vmem>>) target_semaphore(%arg25 : memref<!tpu.dma_semaphore, #tpu.memory_space<semaphore_mem>>)
    %dma_wait3A = arith.constant 0 : i32
    %dma_wait3A_28 = tpu.memref_slice %arg2[%dma_wait3A] : memref<16384xi32, #tpu.memory_space<hbm>> -> memref<8xi32, #tpu.memory_space<hbm>>
    %dma_wait3A_29 = arith.constant 0 : i32
    %dma_wait3A_30 = tpu.memref_slice %arg2[%dma_wait3A_29] : memref<16384xi32, #tpu.memory_space<hbm>> -> memref<8xi32, #tpu.memory_space<hbm>>
    tpu.wait_dma2 semaphore(%arg24 : memref<!tpu.dma_semaphore, #tpu.memory_space<semaphore_mem>>) src(%dma_wait3A_30 : memref<8xi32, #tpu.memory_space<hbm>>) dst(%arg8 : memref<8xi32, #tpu.memory_space<vmem>>)
    %dma_wait3A_31 = arith.constant 0 : i32
    %dma_wait3A_32 = arith.constant 0 : i32
    %dma_wait3A_33 = tpu.memref_slice %arg3[%dma_wait3A_31, %dma_wait3A_32] : memref<16384x20xi32, #tpu.memory_space<hbm>> -> memref<8x20xi32, #tpu.memory_space<hbm>>
    %dma_wait3A_34 = arith.constant 0 : i32
    %dma_wait3A_35 = arith.constant 0 : i32
    %dma_wait3A_36 = tpu.memref_slice %arg3[%dma_wait3A_34, %dma_wait3A_35] : memref<16384x20xi32, #tpu.memory_space<hbm>> -> memref<8x20xi32, #tpu.memory_space<hbm>>
    tpu.wait_dma2 semaphore(%arg24 : memref<!tpu.dma_semaphore, #tpu.memory_space<semaphore_mem>>) src(%dma_wait3A_36 : memref<8x20xi32, #tpu.memory_space<hbm>>) dst(%arg10 : memref<8x20xi32, #tpu.memory_space<vmem>>)
    %dma_wait3A_37 = arith.constant 0 : i32
    %dma_wait3A_38 = arith.constant 0 : i32
    %dma_wait3A_39 = tpu.memref_slice %arg4[%dma_wait3A_37, %dma_wait3A_38] : memref<16384x100xi32, #tpu.memory_space<hbm>> -> memref<8x100xi32, #tpu.memory_space<hbm>>
    %dma_wait3A_40 = arith.constant 0 : i32
    %dma_wait3A_41 = arith.constant 0 : i32
    %dma_wait3A_42 = tpu.memref_slice %arg4[%dma_wait3A_40, %dma_wait3A_41] : memref<16384x100xi32, #tpu.memory_space<hbm>> -> memref<8x100xi32, #tpu.memory_space<hbm>>
    tpu.wait_dma2 semaphore(%arg24 : memref<!tpu.dma_semaphore, #tpu.memory_space<semaphore_mem>>) src(%dma_wait3A_42 : memref<8x100xi32, #tpu.memory_space<hbm>>) dst(%arg12 : memref<8x100xi32, #tpu.memory_space<vmem>>)
    %dma_start3A_43 = arith.constant 0 : i32
    %dma_start3A_44 = arith.constant 0 : i32
    %dma_start3A_45 = tpu.memref_slice %arg5[%dma_start3A_43, %dma_start3A_44] : memref<1000000x64xf32, #tpu.memory_space<hbm>> -> memref<1000000x64xf32, #tpu.memory_space<hbm>>
    tpu.enqueue_indirect_dma source(%dma_start3A_45 : memref<1000000x64xf32, #tpu.memory_space<hbm>>) target(%arg14 : memref<8x64xf32, #tpu.memory_space<vmem>>) offsets(%arg8 : memref<8xi32, #tpu.memory_space<vmem>>) semaphore(%arg20 : memref<!tpu.dma_semaphore, #tpu.memory_space<semaphore_mem>>)
    %dma_start3A_46 = arith.constant 0 : i32
    %dma_start3A_47 = arith.constant 0 : i32
    %dma_start3A_48 = arith.constant 0 : i32
    %dma_start3A_49 = tpu.memref_slice %arg16[%dma_start3A_47, %dma_start3A_48] : memref<968x64xf32, #tpu.memory_space<vmem>> -> memref<20x64xf32, #tpu.memory_space<vmem>>
    %dma_start3A_50 = arith.constant 0 : i32
    %dma_start3A_51 = tpu.memref_slice %arg10[%dma_start3A_46, %dma_start3A_50] : memref<8x20xi32, #tpu.memory_space<vmem>> -> memref<1x20xi32, #tpu.memory_space<vmem>>
    %dma_start3A_52 = tpu.memref_squeeze %dma_start3A_51 : memref<1x20xi32, #tpu.memory_space<vmem>> -> memref<20xi32, #tpu.memory_space<vmem>>
    %dma_start3A_53 = arith.constant 0 : i32
    %dma_start3A_54 = arith.constant 0 : i32
    %dma_start3A_55 = tpu.memref_slice %arg6[%dma_start3A_53, %dma_start3A_54] : memref<1000000x64xf32, #tpu.memory_space<hbm>> -> memref<1000000x64xf32, #tpu.memory_space<hbm>>
    tpu.enqueue_indirect_dma source(%dma_start3A_55 : memref<1000000x64xf32, #tpu.memory_space<hbm>>) target(%dma_start3A_49 : memref<20x64xf32, #tpu.memory_space<vmem>>) offsets(%dma_start3A_52 : memref<20xi32, #tpu.memory_space<vmem>>) semaphore(%arg20 : memref<!tpu.dma_semaphore, #tpu.memory_space<semaphore_mem>>)
    %dma_start3A_56 = arith.constant 0 : i32
    %dma_start3A_57 = arith.constant 20 : i32
    %dma_start3A_58 = arith.constant 0 : i32
    %dma_start3A_59 = tpu.memref_slice %arg16[%dma_start3A_57, %dma_start3A_58] : memref<968x64xf32, #tpu.memory_space<vmem>> -> memref<100x64xf32, #tpu.memory_space<vmem>>
    %dma_start3A_60 = arith.constant 0 : i32
    %dma_start3A_61 = tpu.memref_slice %arg12[%dma_start3A_56, %dma_start3A_60] : memref<8x100xi32, #tpu.memory_space<vmem>> -> memref<1x100xi32, #tpu.memory_space<vmem>>
    %dma_start3A_62 = tpu.memref_squeeze %dma_start3A_61 : memref<1x100xi32, #tpu.memory_space<vmem>> -> memref<100xi32, #tpu.memory_space<vmem>>
    %dma_start3A_63 = arith.constant 0 : i32
    %dma_start3A_64 = arith.constant 0 : i32
    %dma_start3A_65 = tpu.memref_slice %arg6[%dma_start3A_63, %dma_start3A_64] : memref<1000000x64xf32, #tpu.memory_space<hbm>> -> memref<1000000x64xf32, #tpu.memory_space<hbm>>
    tpu.enqueue_indirect_dma source(%dma_start3A_65 : memref<1000000x64xf32, #tpu.memory_space<hbm>>) target(%dma_start3A_59 : memref<100x64xf32, #tpu.memory_space<vmem>>) offsets(%dma_start3A_62 : memref<100xi32, #tpu.memory_space<vmem>>) semaphore(%arg20 : memref<!tpu.dma_semaphore, #tpu.memory_space<semaphore_mem>>)
    %dma_start3A_66 = arith.constant 1 : i32
    %dma_start3A_67 = arith.constant 120 : i32
    %dma_start3A_68 = arith.constant 0 : i32
    %dma_start3A_69 = tpu.memref_slice %arg16[%dma_start3A_67, %dma_start3A_68] : memref<968x64xf32, #tpu.memory_space<vmem>> -> memref<20x64xf32, #tpu.memory_space<vmem>>
    %dma_start3A_70 = arith.constant 0 : i32
    %dma_start3A_71 = tpu.memref_slice %arg10[%dma_start3A_66, %dma_start3A_70] : memref<8x20xi32, #tpu.memory_space<vmem>> -> memref<1x20xi32, #tpu.memory_space<vmem>>
    %dma_start3A_72 = tpu.memref_squeeze %dma_start3A_71 : memref<1x20xi32, #tpu.memory_space<vmem>> -> memref<20xi32, #tpu.memory_space<vmem>>
    %dma_start3A_73 = arith.constant 0 : i32
    %dma_start3A_74 = arith.constant 0 : i32
    %dma_start3A_75 = tpu.memref_slice %arg6[%dma_start3A_73, %dma_start3A_74] : memref<1000000x64xf32, #tpu.memory_space<hbm>> -> memref<1000000x64xf32, #tpu.memory_space<hbm>>
    tpu.enqueue_indirect_dma source(%dma_start3A_75 : memref<1000000x64xf32, #tpu.memory_space<hbm>>) target(%dma_start3A_69 : memref<20x64xf32, #tpu.memory_space<vmem>>) offsets(%dma_start3A_72 : memref<20xi32, #tpu.memory_space<vmem>>) semaphore(%arg20 : memref<!tpu.dma_semaphore, #tpu.memory_space<semaphore_mem>>)
    %dma_start3A_76 = arith.constant 1 : i32
    %dma_start3A_77 = arith.constant 140 : i32
    %dma_start3A_78 = arith.constant 0 : i32
    %dma_start3A_79 = tpu.memref_slice %arg16[%dma_start3A_77, %dma_start3A_78] : memref<968x64xf32, #tpu.memory_space<vmem>> -> memref<100x64xf32, #tpu.memory_space<vmem>>
    %dma_start3A_80 = arith.constant 0 : i32
    %dma_start3A_81 = tpu.memref_slice %arg12[%dma_start3A_76, %dma_start3A_80] : memref<8x100xi32, #tpu.memory_space<vmem>> -> memref<1x100xi32, #tpu.memory_space<vmem>>
    %dma_start3A_82 = tpu.memref_squeeze %dma_start3A_81 : memref<1x100xi32, #tpu.memory_space<vmem>> -> memref<100xi32, #tpu.memory_space<vmem>>
    %dma_start3A_83 = arith.constant 0 : i32
    %dma_start3A_84 = arith.constant 0 : i32
    %dma_start3A_85 = tpu.memref_slice %arg6[%dma_start3A_83, %dma_start3A_84] : memref<1000000x64xf32, #tpu.memory_space<hbm>> -> memref<1000000x64xf32, #tpu.memory_space<hbm>>
    tpu.enqueue_indirect_dma source(%dma_start3A_85 : memref<1000000x64xf32, #tpu.memory_space<hbm>>) target(%dma_start3A_79 : memref<100x64xf32, #tpu.memory_space<vmem>>) offsets(%dma_start3A_82 : memref<100xi32, #tpu.memory_space<vmem>>) semaphore(%arg20 : memref<!tpu.dma_semaphore, #tpu.memory_space<semaphore_mem>>)
    %dma_start3A_86 = arith.constant 2 : i32
    %dma_start3A_87 = arith.constant 240 : i32
    %dma_start3A_88 = arith.constant 0 : i32
    %dma_start3A_89 = tpu.memref_slice %arg16[%dma_start3A_87, %dma_start3A_88] : memref<968x64xf32, #tpu.memory_space<vmem>> -> memref<20x64xf32, #tpu.memory_space<vmem>>
    %dma_start3A_90 = arith.constant 0 : i32
    %dma_start3A_91 = tpu.memref_slice %arg10[%dma_start3A_86, %dma_start3A_90] : memref<8x20xi32, #tpu.memory_space<vmem>> -> memref<1x20xi32, #tpu.memory_space<vmem>>
    %dma_start3A_92 = tpu.memref_squeeze %dma_start3A_91 : memref<1x20xi32, #tpu.memory_space<vmem>> -> memref<20xi32, #tpu.memory_space<vmem>>
    %dma_start3A_93 = arith.constant 0 : i32
    %dma_start3A_94 = arith.constant 0 : i32
    %dma_start3A_95 = tpu.memref_slice %arg6[%dma_start3A_93, %dma_start3A_94] : memref<1000000x64xf32, #tpu.memory_space<hbm>> -> memref<1000000x64xf32, #tpu.memory_space<hbm>>
    tpu.enqueue_indirect_dma source(%dma_start3A_95 : memref<1000000x64xf32, #tpu.memory_space<hbm>>) target(%dma_start3A_89 : memref<20x64xf32, #tpu.memory_space<vmem>>) offsets(%dma_start3A_92 : memref<20xi32, #tpu.memory_space<vmem>>) semaphore(%arg20 : memref<!tpu.dma_semaphore, #tpu.memory_space<semaphore_mem>>)
    %dma_start3A_96 = arith.constant 2 : i32
    %dma_start3A_97 = arith.constant 260 : i32
    %dma_start3A_98 = arith.constant 0 : i32
    %dma_start3A_99 = tpu.memref_slice %arg16[%dma_start3A_97, %dma_start3A_98] : memref<968x64xf32, #tpu.memory_space<vmem>> -> memref<100x64xf32, #tpu.memory_space<vmem>>
    %dma_start3A_100 = arith.constant 0 : i32
    %dma_start3A_101 = tpu.memref_slice %arg12[%dma_start3A_96, %dma_start3A_100] : memref<8x100xi32, #tpu.memory_space<vmem>> -> memref<1x100xi32, #tpu.memory_space<vmem>>
    %dma_start3A_102 = tpu.memref_squeeze %dma_start3A_101 : memref<1x100xi32, #tpu.memory_space<vmem>> -> memref<100xi32, #tpu.memory_space<vmem>>
    %dma_start3A_103 = arith.constant 0 : i32
    %dma_start3A_104 = arith.constant 0 : i32
    %dma_start3A_105 = tpu.memref_slice %arg6[%dma_start3A_103, %dma_start3A_104] : memref<1000000x64xf32, #tpu.memory_space<hbm>> -> memref<1000000x64xf32, #tpu.memory_space<hbm>>
    tpu.enqueue_indirect_dma source(%dma_start3A_105 : memref<1000000x64xf32, #tpu.memory_space<hbm>>) target(%dma_start3A_99 : memref<100x64xf32, #tpu.memory_space<vmem>>) offsets(%dma_start3A_102 : memref<100xi32, #tpu.memory_space<vmem>>) semaphore(%arg20 : memref<!tpu.dma_semaphore, #tpu.memory_space<semaphore_mem>>)
    %dma_start3A_106 = arith.constant 3 : i32
    %dma_start3A_107 = arith.constant 360 : i32
    %dma_start3A_108 = arith.constant 0 : i32
    %dma_start3A_109 = tpu.memref_slice %arg16[%dma_start3A_107, %dma_start3A_108] : memref<968x64xf32, #tpu.memory_space<vmem>> -> memref<20x64xf32, #tpu.memory_space<vmem>>
    %dma_start3A_110 = arith.constant 0 : i32
    %dma_start3A_111 = tpu.memref_slice %arg10[%dma_start3A_106, %dma_start3A_110] : memref<8x20xi32, #tpu.memory_space<vmem>> -> memref<1x20xi32, #tpu.memory_space<vmem>>
    %dma_start3A_112 = tpu.memref_squeeze %dma_start3A_111 : memref<1x20xi32, #tpu.memory_space<vmem>> -> memref<20xi32, #tpu.memory_space<vmem>>
    %dma_start3A_113 = arith.constant 0 : i32
    %dma_start3A_114 = arith.constant 0 : i32
    %dma_start3A_115 = tpu.memref_slice %arg6[%dma_start3A_113, %dma_start3A_114] : memref<1000000x64xf32, #tpu.memory_space<hbm>> -> memref<1000000x64xf32, #tpu.memory_space<hbm>>
    tpu.enqueue_indirect_dma source(%dma_start3A_115 : memref<1000000x64xf32, #tpu.memory_space<hbm>>) target(%dma_start3A_109 : memref<20x64xf32, #tpu.memory_space<vmem>>) offsets(%dma_start3A_112 : memref<20xi32, #tpu.memory_space<vmem>>) semaphore(%arg20 : memref<!tpu.dma_semaphore, #tpu.memory_space<semaphore_mem>>)
    %dma_start3A_116 = arith.constant 3 : i32
    %dma_start3A_117 = arith.constant 380 : i32
    %dma_start3A_118 = arith.constant 0 : i32
    %dma_start3A_119 = tpu.memref_slice %arg16[%dma_start3A_117, %dma_start3A_118] : memref<968x64xf32, #tpu.memory_space<vmem>> -> memref<100x64xf32, #tpu.memory_space<vmem>>
    %dma_start3A_120 = arith.constant 0 : i32
    %dma_start3A_121 = tpu.memref_slice %arg12[%dma_start3A_116, %dma_start3A_120] : memref<8x100xi32, #tpu.memory_space<vmem>> -> memref<1x100xi32, #tpu.memory_space<vmem>>
    %dma_start3A_122 = tpu.memref_squeeze %dma_start3A_121 : memref<1x100xi32, #tpu.memory_space<vmem>> -> memref<100xi32, #tpu.memory_space<vmem>>
    %dma_start3A_123 = arith.constant 0 : i32
    %dma_start3A_124 = arith.constant 0 : i32
    %dma_start3A_125 = tpu.memref_slice %arg6[%dma_start3A_123, %dma_start3A_124] : memref<1000000x64xf32, #tpu.memory_space<hbm>> -> memref<1000000x64xf32, #tpu.memory_space<hbm>>
    tpu.enqueue_indirect_dma source(%dma_start3A_125 : memref<1000000x64xf32, #tpu.memory_space<hbm>>) target(%dma_start3A_119 : memref<100x64xf32, #tpu.memory_space<vmem>>) offsets(%dma_start3A_122 : memref<100xi32, #tpu.memory_space<vmem>>) semaphore(%arg20 : memref<!tpu.dma_semaphore, #tpu.memory_space<semaphore_mem>>)
    %dma_start3A_126 = arith.constant 4 : i32
    %dma_start3A_127 = arith.constant 480 : i32
    %dma_start3A_128 = arith.constant 0 : i32
    %dma_start3A_129 = tpu.memref_slice %arg16[%dma_start3A_127, %dma_start3A_128] : memref<968x64xf32, #tpu.memory_space<vmem>> -> memref<20x64xf32, #tpu.memory_space<vmem>>
    %dma_start3A_130 = arith.constant 0 : i32
    %dma_start3A_131 = tpu.memref_slice %arg10[%dma_start3A_126, %dma_start3A_130] : memref<8x20xi32, #tpu.memory_space<vmem>> -> memref<1x20xi32, #tpu.memory_space<vmem>>
    %dma_start3A_132 = tpu.memref_squeeze %dma_start3A_131 : memref<1x20xi32, #tpu.memory_space<vmem>> -> memref<20xi32, #tpu.memory_space<vmem>>
    %dma_start3A_133 = arith.constant 0 : i32
    %dma_start3A_134 = arith.constant 0 : i32
    %dma_start3A_135 = tpu.memref_slice %arg6[%dma_start3A_133, %dma_start3A_134] : memref<1000000x64xf32, #tpu.memory_space<hbm>> -> memref<1000000x64xf32, #tpu.memory_space<hbm>>
    tpu.enqueue_indirect_dma source(%dma_start3A_135 : memref<1000000x64xf32, #tpu.memory_space<hbm>>) target(%dma_start3A_129 : memref<20x64xf32, #tpu.memory_space<vmem>>) offsets(%dma_start3A_132 : memref<20xi32, #tpu.memory_space<vmem>>) semaphore(%arg20 : memref<!tpu.dma_semaphore, #tpu.memory_space<semaphore_mem>>)
    %dma_start3A_136 = arith.constant 4 : i32
    %dma_start3A_137 = arith.constant 500 : i32
    %dma_start3A_138 = arith.constant 0 : i32
    %dma_start3A_139 = tpu.memref_slice %arg16[%dma_start3A_137, %dma_start3A_138] : memref<968x64xf32, #tpu.memory_space<vmem>> -> memref<100x64xf32, #tpu.memory_space<vmem>>
    %dma_start3A_140 = arith.constant 0 : i32
    %dma_start3A_141 = tpu.memref_slice %arg12[%dma_start3A_136, %dma_start3A_140] : memref<8x100xi32, #tpu.memory_space<vmem>> -> memref<1x100xi32, #tpu.memory_space<vmem>>
    %dma_start3A_142 = tpu.memref_squeeze %dma_start3A_141 : memref<1x100xi32, #tpu.memory_space<vmem>> -> memref<100xi32, #tpu.memory_space<vmem>>
    %dma_start3A_143 = arith.constant 0 : i32
    %dma_start3A_144 = arith.constant 0 : i32
    %dma_start3A_145 = tpu.memref_slice %arg6[%dma_start3A_143, %dma_start3A_144] : memref<1000000x64xf32, #tpu.memory_space<hbm>> -> memref<1000000x64xf32, #tpu.memory_space<hbm>>
    tpu.enqueue_indirect_dma source(%dma_start3A_145 : memref<1000000x64xf32, #tpu.memory_space<hbm>>) target(%dma_start3A_139 : memref<100x64xf32, #tpu.memory_space<vmem>>) offsets(%dma_start3A_142 : memref<100xi32, #tpu.memory_space<vmem>>) semaphore(%arg20 : memref<!tpu.dma_semaphore, #tpu.memory_space<semaphore_mem>>)
    %dma_start3A_146 = arith.constant 5 : i32
    %dma_start3A_147 = arith.constant 600 : i32
    %dma_start3A_148 = arith.constant 0 : i32
    %dma_start3A_149 = tpu.memref_slice %arg16[%dma_start3A_147, %dma_start3A_148] : memref<968x64xf32, #tpu.memory_space<vmem>> -> memref<20x64xf32, #tpu.memory_space<vmem>>
    %dma_start3A_150 = arith.constant 0 : i32
    %dma_start3A_151 = tpu.memref_slice %arg10[%dma_start3A_146, %dma_start3A_150] : memref<8x20xi32, #tpu.memory_space<vmem>> -> memref<1x20xi32, #tpu.memory_space<vmem>>
    %dma_start3A_152 = tpu.memref_squeeze %dma_start3A_151 : memref<1x20xi32, #tpu.memory_space<vmem>> -> memref<20xi32, #tpu.memory_space<vmem>>
    %dma_start3A_153 = arith.constant 0 : i32
    %dma_start3A_154 = arith.constant 0 : i32
    %dma_start3A_155 = tpu.memref_slice %arg6[%dma_start3A_153, %dma_start3A_154] : memref<1000000x64xf32, #tpu.memory_space<hbm>> -> memref<1000000x64xf32, #tpu.memory_space<hbm>>
    tpu.enqueue_indirect_dma source(%dma_start3A_155 : memref<1000000x64xf32, #tpu.memory_space<hbm>>) target(%dma_start3A_149 : memref<20x64xf32, #tpu.memory_space<vmem>>) offsets(%dma_start3A_152 : memref<20xi32, #tpu.memory_space<vmem>>) semaphore(%arg20 : memref<!tpu.dma_semaphore, #tpu.memory_space<semaphore_mem>>)
    %dma_start3A_156 = arith.constant 5 : i32
    %dma_start3A_157 = arith.constant 620 : i32
    %dma_start3A_158 = arith.constant 0 : i32
    %dma_start3A_159 = tpu.memref_slice %arg16[%dma_start3A_157, %dma_start3A_158] : memref<968x64xf32, #tpu.memory_space<vmem>> -> memref<100x64xf32, #tpu.memory_space<vmem>>
    %dma_start3A_160 = arith.constant 0 : i32
    %dma_start3A_161 = tpu.memref_slice %arg12[%dma_start3A_156, %dma_start3A_160] : memref<8x100xi32, #tpu.memory_space<vmem>> -> memref<1x100xi32, #tpu.memory_space<vmem>>
    %dma_start3A_162 = tpu.memref_squeeze %dma_start3A_161 : memref<1x100xi32, #tpu.memory_space<vmem>> -> memref<100xi32, #tpu.memory_space<vmem>>
    %dma_start3A_163 = arith.constant 0 : i32
    %dma_start3A_164 = arith.constant 0 : i32
    %dma_start3A_165 = tpu.memref_slice %arg6[%dma_start3A_163, %dma_start3A_164] : memref<1000000x64xf32, #tpu.memory_space<hbm>> -> memref<1000000x64xf32, #tpu.memory_space<hbm>>
    tpu.enqueue_indirect_dma source(%dma_start3A_165 : memref<1000000x64xf32, #tpu.memory_space<hbm>>) target(%dma_start3A_159 : memref<100x64xf32, #tpu.memory_space<vmem>>) offsets(%dma_start3A_162 : memref<100xi32, #tpu.memory_space<vmem>>) semaphore(%arg20 : memref<!tpu.dma_semaphore, #tpu.memory_space<semaphore_mem>>)
    %dma_start3A_166 = arith.constant 6 : i32
    %dma_start3A_167 = arith.constant 720 : i32
    %dma_start3A_168 = arith.constant 0 : i32
    %dma_start3A_169 = tpu.memref_slice %arg16[%dma_start3A_167, %dma_start3A_168] : memref<968x64xf32, #tpu.memory_space<vmem>> -> memref<20x64xf32, #tpu.memory_space<vmem>>
    %dma_start3A_170 = arith.constant 0 : i32
    %dma_start3A_171 = tpu.memref_slice %arg10[%dma_start3A_166, %dma_start3A_170] : memref<8x20xi32, #tpu.memory_space<vmem>> -> memref<1x20xi32, #tpu.memory_space<vmem>>
    %dma_start3A_172 = tpu.memref_squeeze %dma_start3A_171 : memref<1x20xi32, #tpu.memory_space<vmem>> -> memref<20xi32, #tpu.memory_space<vmem>>
    %dma_start3A_173 = arith.constant 0 : i32
    %dma_start3A_174 = arith.constant 0 : i32
    %dma_start3A_175 = tpu.memref_slice %arg6[%dma_start3A_173, %dma_start3A_174] : memref<1000000x64xf32, #tpu.memory_space<hbm>> -> memref<1000000x64xf32, #tpu.memory_space<hbm>>
    tpu.enqueue_indirect_dma source(%dma_start3A_175 : memref<1000000x64xf32, #tpu.memory_space<hbm>>) target(%dma_start3A_169 : memref<20x64xf32, #tpu.memory_space<vmem>>) offsets(%dma_start3A_172 : memref<20xi32, #tpu.memory_space<vmem>>) semaphore(%arg20 : memref<!tpu.dma_semaphore, #tpu.memory_space<semaphore_mem>>)
    %dma_start3A_176 = arith.constant 6 : i32
    %dma_start3A_177 = arith.constant 740 : i32
    %dma_start3A_178 = arith.constant 0 : i32
    %dma_start3A_179 = tpu.memref_slice %arg16[%dma_start3A_177, %dma_start3A_178] : memref<968x64xf32, #tpu.memory_space<vmem>> -> memref<100x64xf32, #tpu.memory_space<vmem>>
    %dma_start3A_180 = arith.constant 0 : i32
    %dma_start3A_181 = tpu.memref_slice %arg12[%dma_start3A_176, %dma_start3A_180] : memref<8x100xi32, #tpu.memory_space<vmem>> -> memref<1x100xi32, #tpu.memory_space<vmem>>
    %dma_start3A_182 = tpu.memref_squeeze %dma_start3A_181 : memref<1x100xi32, #tpu.memory_space<vmem>> -> memref<100xi32, #tpu.memory_space<vmem>>
    %dma_start3A_183 = arith.constant 0 : i32
    %dma_start3A_184 = arith.constant 0 : i32
    %dma_start3A_185 = tpu.memref_slice %arg6[%dma_start3A_183, %dma_start3A_184] : memref<1000000x64xf32, #tpu.memory_space<hbm>> -> memref<1000000x64xf32, #tpu.memory_space<hbm>>
    tpu.enqueue_indirect_dma source(%dma_start3A_185 : memref<1000000x64xf32, #tpu.memory_space<hbm>>) target(%dma_start3A_179 : memref<100x64xf32, #tpu.memory_space<vmem>>) offsets(%dma_start3A_182 : memref<100xi32, #tpu.memory_space<vmem>>) semaphore(%arg20 : memref<!tpu.dma_semaphore, #tpu.memory_space<semaphore_mem>>)
    %dma_start3A_186 = arith.constant 7 : i32
    %dma_start3A_187 = arith.constant 840 : i32
    %dma_start3A_188 = arith.constant 0 : i32
    %dma_start3A_189 = tpu.memref_slice %arg16[%dma_start3A_187, %dma_start3A_188] : memref<968x64xf32, #tpu.memory_space<vmem>> -> memref<20x64xf32, #tpu.memory_space<vmem>>
    %dma_start3A_190 = arith.constant 0 : i32
    %dma_start3A_191 = tpu.memref_slice %arg10[%dma_start3A_186, %dma_start3A_190] : memref<8x20xi32, #tpu.memory_space<vmem>> -> memref<1x20xi32, #tpu.memory_space<vmem>>
    %dma_start3A_192 = tpu.memref_squeeze %dma_start3A_191 : memref<1x20xi32, #tpu.memory_space<vmem>> -> memref<20xi32, #tpu.memory_space<vmem>>
    %dma_start3A_193 = arith.constant 0 : i32
    %dma_start3A_194 = arith.constant 0 : i32
    %dma_start3A_195 = tpu.memref_slice %arg6[%dma_start3A_193, %dma_start3A_194] : memref<1000000x64xf32, #tpu.memory_space<hbm>> -> memref<1000000x64xf32, #tpu.memory_space<hbm>>
    tpu.enqueue_indirect_dma source(%dma_start3A_195 : memref<1000000x64xf32, #tpu.memory_space<hbm>>) target(%dma_start3A_189 : memref<20x64xf32, #tpu.memory_space<vmem>>) offsets(%dma_start3A_192 : memref<20xi32, #tpu.memory_space<vmem>>) semaphore(%arg20 : memref<!tpu.dma_semaphore, #tpu.memory_space<semaphore_mem>>)
    %dma_start3A_196 = arith.constant 7 : i32
    %dma_start3A_197 = arith.constant 860 : i32
    %dma_start3A_198 = arith.constant 0 : i32
    %dma_start3A_199 = tpu.memref_slice %arg16[%dma_start3A_197, %dma_start3A_198] : memref<968x64xf32, #tpu.memory_space<vmem>> -> memref<100x64xf32, #tpu.memory_space<vmem>>
    %dma_start3A_200 = arith.constant 0 : i32
    %dma_start3A_201 = tpu.memref_slice %arg12[%dma_start3A_196, %dma_start3A_200] : memref<8x100xi32, #tpu.memory_space<vmem>> -> memref<1x100xi32, #tpu.memory_space<vmem>>
    %dma_start3A_202 = tpu.memref_squeeze %dma_start3A_201 : memref<1x100xi32, #tpu.memory_space<vmem>> -> memref<100xi32, #tpu.memory_space<vmem>>
    %dma_start3A_203 = arith.constant 0 : i32
    %dma_start3A_204 = arith.constant 0 : i32
    %dma_start3A_205 = tpu.memref_slice %arg6[%dma_start3A_203, %dma_start3A_204] : memref<1000000x64xf32, #tpu.memory_space<hbm>> -> memref<1000000x64xf32, #tpu.memory_space<hbm>>
    tpu.enqueue_indirect_dma source(%dma_start3A_205 : memref<1000000x64xf32, #tpu.memory_space<hbm>>) target(%dma_start3A_199 : memref<100x64xf32, #tpu.memory_space<vmem>>) offsets(%dma_start3A_202 : memref<100xi32, #tpu.memory_space<vmem>>) semaphore(%arg20 : memref<!tpu.dma_semaphore, #tpu.memory_space<semaphore_mem>>)
    %scan3A = arith.constant 0 : i32
    %scan3A_206 = arith.constant 0 : i32
    %scan3A_207 = arith.constant 32 : i32
    %scan3A_208 = arith.addi %scan3A_206, %scan3A_207 : i32
    %scan3A_209 = arith.constant 1 : i32
    %scan3A_210 = scf.for %scan3A_228 = %scan3A_206 to %scan3A_208 step %scan3A_209 iter_args(%scan3A_229 = %scan3A) -> (i32)  : i32 {
      %mul3A_230 = arith.constant 2 : i32
      %mul3A_231 = arith.muli %mul3A_230, %scan3A_228 : i32
      %add3A_232 = arith.constant 0 : i32
      %add3A_233 = arith.addi %mul3A_231, %add3A_232 : i32
      %add3A_234 = arith.constant 1 : i32
      %add3A_235 = arith.addi %add3A_233, %add3A_234 : i32
      %lt3A = arith.constant 64 : i32
      %lt3A_236 = arith.cmpi slt, %add3A_235, %lt3A : i32
      %convert_element_type3A = arith.extui %lt3A_236 : i1 to i32
      %cond3A = arith.constant 0 : i32
      %cond3A_237 = arith.cmpi ne, %convert_element_type3A, %cond3A : i32
      scf.if %cond3A_237 {
        %dma_wait3A_341 = arith.constant 0 : i32
        %dma_wait3A_342 = tpu.memref_slice %arg2[%dma_wait3A_341] : memref<16384xi32, #tpu.memory_space<hbm>> -> memref<8xi32, #tpu.memory_space<hbm>>
        %dma_wait3A_343 = arith.constant 0 : i32
        %dma_wait3A_344 = tpu.memref_slice %arg2[%dma_wait3A_343] : memref<16384xi32, #tpu.memory_space<hbm>> -> memref<8xi32, #tpu.memory_space<hbm>>
        tpu.wait_dma2 semaphore(%arg25 : memref<!tpu.dma_semaphore, #tpu.memory_space<semaphore_mem>>) src(%dma_wait3A_344 : memref<8xi32, #tpu.memory_space<hbm>>) dst(%arg9 : memref<8xi32, #tpu.memory_space<vmem>>)
        %dma_wait3A_345 = arith.constant 0 : i32
        %dma_wait3A_346 = arith.constant 0 : i32
        %dma_wait3A_347 = tpu.memref_slice %arg3[%dma_wait3A_345, %dma_wait3A_346] : memref<16384x20xi32, #tpu.memory_space<hbm>> -> memref<8x20xi32, #tpu.memory_space<hbm>>
        %dma_wait3A_348 = arith.constant 0 : i32
        %dma_wait3A_349 = arith.constant 0 : i32
        %dma_wait3A_350 = tpu.memref_slice %arg3[%dma_wait3A_348, %dma_wait3A_349] : memref<16384x20xi32, #tpu.memory_space<hbm>> -> memref<8x20xi32, #tpu.memory_space<hbm>>
        tpu.wait_dma2 semaphore(%arg25 : memref<!tpu.dma_semaphore, #tpu.memory_space<semaphore_mem>>) src(%dma_wait3A_350 : memref<8x20xi32, #tpu.memory_space<hbm>>) dst(%arg11 : memref<8x20xi32, #tpu.memory_space<vmem>>)
        %dma_wait3A_351 = arith.constant 0 : i32
        %dma_wait3A_352 = arith.constant 0 : i32
        %dma_wait3A_353 = tpu.memref_slice %arg4[%dma_wait3A_351, %dma_wait3A_352] : memref<16384x100xi32, #tpu.memory_space<hbm>> -> memref<8x100xi32, #tpu.memory_space<hbm>>
        %dma_wait3A_354 = arith.constant 0 : i32
        %dma_wait3A_355 = arith.constant 0 : i32
        %dma_wait3A_356 = tpu.memref_slice %arg4[%dma_wait3A_354, %dma_wait3A_355] : memref<16384x100xi32, #tpu.memory_space<hbm>> -> memref<8x100xi32, #tpu.memory_space<hbm>>
        tpu.wait_dma2 semaphore(%arg25 : memref<!tpu.dma_semaphore, #tpu.memory_space<semaphore_mem>>) src(%dma_wait3A_356 : memref<8x100xi32, #tpu.memory_space<hbm>>) dst(%arg13 : memref<8x100xi32, #tpu.memory_space<vmem>>)
        %dma_start3A_357 = arith.constant 0 : i32
        %dma_start3A_358 = arith.constant 0 : i32
        %dma_start3A_359 = tpu.memref_slice %arg5[%dma_start3A_357, %dma_start3A_358] : memref<1000000x64xf32, #tpu.memory_space<hbm>> -> memref<1000000x64xf32, #tpu.memory_space<hbm>>
        tpu.enqueue_indirect_dma source(%dma_start3A_359 : memref<1000000x64xf32, #tpu.memory_space<hbm>>) target(%arg15 : memref<8x64xf32, #tpu.memory_space<vmem>>) offsets(%arg9 : memref<8xi32, #tpu.memory_space<vmem>>) semaphore(%arg21 : memref<!tpu.dma_semaphore, #tpu.memory_space<semaphore_mem>>)
        %dma_start3A_360 = arith.constant 0 : i32
        %dma_start3A_361 = arith.constant 0 : i32
        %dma_start3A_362 = arith.constant 0 : i32
        %dma_start3A_363 = tpu.memref_slice %arg17[%dma_start3A_361, %dma_start3A_362] : memref<968x64xf32, #tpu.memory_space<vmem>> -> memref<20x64xf32, #tpu.memory_space<vmem>>
        %dma_start3A_364 = arith.constant 0 : i32
        %dma_start3A_365 = tpu.memref_slice %arg11[%dma_start3A_360, %dma_start3A_364] : memref<8x20xi32, #tpu.memory_space<vmem>> -> memref<1x20xi32, #tpu.memory_space<vmem>>
        %dma_start3A_366 = tpu.memref_squeeze %dma_start3A_365 : memref<1x20xi32, #tpu.memory_space<vmem>> -> memref<20xi32, #tpu.memory_space<vmem>>
        %dma_start3A_367 = arith.constant 0 : i32
        %dma_start3A_368 = arith.constant 0 : i32
        %dma_start3A_369 = tpu.memref_slice %arg6[%dma_start3A_367, %dma_start3A_368] : memref<1000000x64xf32, #tpu.memory_space<hbm>> -> memref<1000000x64xf32, #tpu.memory_space<hbm>>
        tpu.enqueue_indirect_dma source(%dma_start3A_369 : memref<1000000x64xf32, #tpu.memory_space<hbm>>) target(%dma_start3A_363 : memref<20x64xf32, #tpu.memory_space<vmem>>) offsets(%dma_start3A_366 : memref<20xi32, #tpu.memory_space<vmem>>) semaphore(%arg21 : memref<!tpu.dma_semaphore, #tpu.memory_space<semaphore_mem>>)
        %dma_start3A_370 = arith.constant 0 : i32
        %dma_start3A_371 = arith.constant 20 : i32
        %dma_start3A_372 = arith.constant 0 : i32
        %dma_start3A_373 = tpu.memref_slice %arg17[%dma_start3A_371, %dma_start3A_372] : memref<968x64xf32, #tpu.memory_space<vmem>> -> memref<100x64xf32, #tpu.memory_space<vmem>>
        %dma_start3A_374 = arith.constant 0 : i32
        %dma_start3A_375 = tpu.memref_slice %arg13[%dma_start3A_370, %dma_start3A_374] : memref<8x100xi32, #tpu.memory_space<vmem>> -> memref<1x100xi32, #tpu.memory_space<vmem>>
        %dma_start3A_376 = tpu.memref_squeeze %dma_start3A_375 : memref<1x100xi32, #tpu.memory_space<vmem>> -> memref<100xi32, #tpu.memory_space<vmem>>
        %dma_start3A_377 = arith.constant 0 : i32
        %dma_start3A_378 = arith.constant 0 : i32
        %dma_start3A_379 = tpu.memref_slice %arg6[%dma_start3A_377, %dma_start3A_378] : memref<1000000x64xf32, #tpu.memory_space<hbm>> -> memref<1000000x64xf32, #tpu.memory_space<hbm>>
        tpu.enqueue_indirect_dma source(%dma_start3A_379 : memref<1000000x64xf32, #tpu.memory_space<hbm>>) target(%dma_start3A_373 : memref<100x64xf32, #tpu.memory_space<vmem>>) offsets(%dma_start3A_376 : memref<100xi32, #tpu.memory_space<vmem>>) semaphore(%arg21 : memref<!tpu.dma_semaphore, #tpu.memory_space<semaphore_mem>>)
        %dma_start3A_380 = arith.constant 1 : i32
        %dma_start3A_381 = arith.constant 120 : i32
        %dma_start3A_382 = arith.constant 0 : i32
        %dma_start3A_383 = tpu.memref_slice %arg17[%dma_start3A_381, %dma_start3A_382] : memref<968x64xf32, #tpu.memory_space<vmem>> -> memref<20x64xf32, #tpu.memory_space<vmem>>
        %dma_start3A_384 = arith.constant 0 : i32
        %dma_start3A_385 = tpu.memref_slice %arg11[%dma_start3A_380, %dma_start3A_384] : memref<8x20xi32, #tpu.memory_space<vmem>> -> memref<1x20xi32, #tpu.memory_space<vmem>>
        %dma_start3A_386 = tpu.memref_squeeze %dma_start3A_385 : memref<1x20xi32, #tpu.memory_space<vmem>> -> memref<20xi32, #tpu.memory_space<vmem>>
        %dma_start3A_387 = arith.constant 0 : i32
        %dma_start3A_388 = arith.constant 0 : i32
        %dma_start3A_389 = tpu.memref_slice %arg6[%dma_start3A_387, %dma_start3A_388] : memref<1000000x64xf32, #tpu.memory_space<hbm>> -> memref<1000000x64xf32, #tpu.memory_space<hbm>>
        tpu.enqueue_indirect_dma source(%dma_start3A_389 : memref<1000000x64xf32, #tpu.memory_space<hbm>>) target(%dma_start3A_383 : memref<20x64xf32, #tpu.memory_space<vmem>>) offsets(%dma_start3A_386 : memref<20xi32, #tpu.memory_space<vmem>>) semaphore(%arg21 : memref<!tpu.dma_semaphore, #tpu.memory_space<semaphore_mem>>)
        %dma_start3A_390 = arith.constant 1 : i32
        %dma_start3A_391 = arith.constant 140 : i32
        %dma_start3A_392 = arith.constant 0 : i32
        %dma_start3A_393 = tpu.memref_slice %arg17[%dma_start3A_391, %dma_start3A_392] : memref<968x64xf32, #tpu.memory_space<vmem>> -> memref<100x64xf32, #tpu.memory_space<vmem>>
        %dma_start3A_394 = arith.constant 0 : i32
        %dma_start3A_395 = tpu.memref_slice %arg13[%dma_start3A_390, %dma_start3A_394] : memref<8x100xi32, #tpu.memory_space<vmem>> -> memref<1x100xi32, #tpu.memory_space<vmem>>
        %dma_start3A_396 = tpu.memref_squeeze %dma_start3A_395 : memref<1x100xi32, #tpu.memory_space<vmem>> -> memref<100xi32, #tpu.memory_space<vmem>>
        %dma_start3A_397 = arith.constant 0 : i32
        %dma_start3A_398 = arith.constant 0 : i32
        %dma_start3A_399 = tpu.memref_slice %arg6[%dma_start3A_397, %dma_start3A_398] : memref<1000000x64xf32, #tpu.memory_space<hbm>> -> memref<1000000x64xf32, #tpu.memory_space<hbm>>
        tpu.enqueue_indirect_dma source(%dma_start3A_399 : memref<1000000x64xf32, #tpu.memory_space<hbm>>) target(%dma_start3A_393 : memref<100x64xf32, #tpu.memory_space<vmem>>) offsets(%dma_start3A_396 : memref<100xi32, #tpu.memory_space<vmem>>) semaphore(%arg21 : memref<!tpu.dma_semaphore, #tpu.memory_space<semaphore_mem>>)
        %dma_start3A_400 = arith.constant 2 : i32
        %dma_start3A_401 = arith.constant 240 : i32
        %dma_start3A_402 = arith.constant 0 : i32
        %dma_start3A_403 = tpu.memref_slice %arg17[%dma_start3A_401, %dma_start3A_402] : memref<968x64xf32, #tpu.memory_space<vmem>> -> memref<20x64xf32, #tpu.memory_space<vmem>>
        %dma_start3A_404 = arith.constant 0 : i32
        %dma_start3A_405 = tpu.memref_slice %arg11[%dma_start3A_400, %dma_start3A_404] : memref<8x20xi32, #tpu.memory_space<vmem>> -> memref<1x20xi32, #tpu.memory_space<vmem>>
        %dma_start3A_406 = tpu.memref_squeeze %dma_start3A_405 : memref<1x20xi32, #tpu.memory_space<vmem>> -> memref<20xi32, #tpu.memory_space<vmem>>
        %dma_start3A_407 = arith.constant 0 : i32
        %dma_start3A_408 = arith.constant 0 : i32
        %dma_start3A_409 = tpu.memref_slice %arg6[%dma_start3A_407, %dma_start3A_408] : memref<1000000x64xf32, #tpu.memory_space<hbm>> -> memref<1000000x64xf32, #tpu.memory_space<hbm>>
        tpu.enqueue_indirect_dma source(%dma_start3A_409 : memref<1000000x64xf32, #tpu.memory_space<hbm>>) target(%dma_start3A_403 : memref<20x64xf32, #tpu.memory_space<vmem>>) offsets(%dma_start3A_406 : memref<20xi32, #tpu.memory_space<vmem>>) semaphore(%arg21 : memref<!tpu.dma_semaphore, #tpu.memory_space<semaphore_mem>>)
        %dma_start3A_410 = arith.constant 2 : i32
        %dma_start3A_411 = arith.constant 260 : i32
        %dma_start3A_412 = arith.constant 0 : i32
        %dma_start3A_413 = tpu.memref_slice %arg17[%dma_start3A_411, %dma_start3A_412] : memref<968x64xf32, #tpu.memory_space<vmem>> -> memref<100x64xf32, #tpu.memory_space<vmem>>
        %dma_start3A_414 = arith.constant 0 : i32
        %dma_start3A_415 = tpu.memref_slice %arg13[%dma_start3A_410, %dma_start3A_414] : memref<8x100xi32, #tpu.memory_space<vmem>> -> memref<1x100xi32, #tpu.memory_space<vmem>>
        %dma_start3A_416 = tpu.memref_squeeze %dma_start3A_415 : memref<1x100xi32, #tpu.memory_space<vmem>> -> memref<100xi32, #tpu.memory_space<vmem>>
        %dma_start3A_417 = arith.constant 0 : i32
        %dma_start3A_418 = arith.constant 0 : i32
        %dma_start3A_419 = tpu.memref_slice %arg6[%dma_start3A_417, %dma_start3A_418] : memref<1000000x64xf32, #tpu.memory_space<hbm>> -> memref<1000000x64xf32, #tpu.memory_space<hbm>>
        tpu.enqueue_indirect_dma source(%dma_start3A_419 : memref<1000000x64xf32, #tpu.memory_space<hbm>>) target(%dma_start3A_413 : memref<100x64xf32, #tpu.memory_space<vmem>>) offsets(%dma_start3A_416 : memref<100xi32, #tpu.memory_space<vmem>>) semaphore(%arg21 : memref<!tpu.dma_semaphore, #tpu.memory_space<semaphore_mem>>)
        %dma_start3A_420 = arith.constant 3 : i32
        %dma_start3A_421 = arith.constant 360 : i32
        %dma_start3A_422 = arith.constant 0 : i32
        %dma_start3A_423 = tpu.memref_slice %arg17[%dma_start3A_421, %dma_start3A_422] : memref<968x64xf32, #tpu.memory_space<vmem>> -> memref<20x64xf32, #tpu.memory_space<vmem>>
        %dma_start3A_424 = arith.constant 0 : i32
        %dma_start3A_425 = tpu.memref_slice %arg11[%dma_start3A_420, %dma_start3A_424] : memref<8x20xi32, #tpu.memory_space<vmem>> -> memref<1x20xi32, #tpu.memory_space<vmem>>
        %dma_start3A_426 = tpu.memref_squeeze %dma_start3A_425 : memref<1x20xi32, #tpu.memory_space<vmem>> -> memref<20xi32, #tpu.memory_space<vmem>>
        %dma_start3A_427 = arith.constant 0 : i32
        %dma_start3A_428 = arith.constant 0 : i32
        %dma_start3A_429 = tpu.memref_slice %arg6[%dma_start3A_427, %dma_start3A_428] : memref<1000000x64xf32, #tpu.memory_space<hbm>> -> memref<1000000x64xf32, #tpu.memory_space<hbm>>
        tpu.enqueue_indirect_dma source(%dma_start3A_429 : memref<1000000x64xf32, #tpu.memory_space<hbm>>) target(%dma_start3A_423 : memref<20x64xf32, #tpu.memory_space<vmem>>) offsets(%dma_start3A_426 : memref<20xi32, #tpu.memory_space<vmem>>) semaphore(%arg21 : memref<!tpu.dma_semaphore, #tpu.memory_space<semaphore_mem>>)
        %dma_start3A_430 = arith.constant 3 : i32
        %dma_start3A_431 = arith.constant 380 : i32
        %dma_start3A_432 = arith.constant 0 : i32
        %dma_start3A_433 = tpu.memref_slice %arg17[%dma_start3A_431, %dma_start3A_432] : memref<968x64xf32, #tpu.memory_space<vmem>> -> memref<100x64xf32, #tpu.memory_space<vmem>>
        %dma_start3A_434 = arith.constant 0 : i32
        %dma_start3A_435 = tpu.memref_slice %arg13[%dma_start3A_430, %dma_start3A_434] : memref<8x100xi32, #tpu.memory_space<vmem>> -> memref<1x100xi32, #tpu.memory_space<vmem>>
        %dma_start3A_436 = tpu.memref_squeeze %dma_start3A_435 : memref<1x100xi32, #tpu.memory_space<vmem>> -> memref<100xi32, #tpu.memory_space<vmem>>
        %dma_start3A_437 = arith.constant 0 : i32
        %dma_start3A_438 = arith.constant 0 : i32
        %dma_start3A_439 = tpu.memref_slice %arg6[%dma_start3A_437, %dma_start3A_438] : memref<1000000x64xf32, #tpu.memory_space<hbm>> -> memref<1000000x64xf32, #tpu.memory_space<hbm>>
        tpu.enqueue_indirect_dma source(%dma_start3A_439 : memref<1000000x64xf32, #tpu.memory_space<hbm>>) target(%dma_start3A_433 : memref<100x64xf32, #tpu.memory_space<vmem>>) offsets(%dma_start3A_436 : memref<100xi32, #tpu.memory_space<vmem>>) semaphore(%arg21 : memref<!tpu.dma_semaphore, #tpu.memory_space<semaphore_mem>>)
        %dma_start3A_440 = arith.constant 4 : i32
        %dma_start3A_441 = arith.constant 480 : i32
        %dma_start3A_442 = arith.constant 0 : i32
        %dma_start3A_443 = tpu.memref_slice %arg17[%dma_start3A_441, %dma_start3A_442] : memref<968x64xf32, #tpu.memory_space<vmem>> -> memref<20x64xf32, #tpu.memory_space<vmem>>
        %dma_start3A_444 = arith.constant 0 : i32
        %dma_start3A_445 = tpu.memref_slice %arg11[%dma_start3A_440, %dma_start3A_444] : memref<8x20xi32, #tpu.memory_space<vmem>> -> memref<1x20xi32, #tpu.memory_space<vmem>>
        %dma_start3A_446 = tpu.memref_squeeze %dma_start3A_445 : memref<1x20xi32, #tpu.memory_space<vmem>> -> memref<20xi32, #tpu.memory_space<vmem>>
        %dma_start3A_447 = arith.constant 0 : i32
        %dma_start3A_448 = arith.constant 0 : i32
        %dma_start3A_449 = tpu.memref_slice %arg6[%dma_start3A_447, %dma_start3A_448] : memref<1000000x64xf32, #tpu.memory_space<hbm>> -> memref<1000000x64xf32, #tpu.memory_space<hbm>>
        tpu.enqueue_indirect_dma source(%dma_start3A_449 : memref<1000000x64xf32, #tpu.memory_space<hbm>>) target(%dma_start3A_443 : memref<20x64xf32, #tpu.memory_space<vmem>>) offsets(%dma_start3A_446 : memref<20xi32, #tpu.memory_space<vmem>>) semaphore(%arg21 : memref<!tpu.dma_semaphore, #tpu.memory_space<semaphore_mem>>)
        %dma_start3A_450 = arith.constant 4 : i32
        %dma_start3A_451 = arith.constant 500 : i32
        %dma_start3A_452 = arith.constant 0 : i32
        %dma_start3A_453 = tpu.memref_slice %arg17[%dma_start3A_451, %dma_start3A_452] : memref<968x64xf32, #tpu.memory_space<vmem>> -> memref<100x64xf32, #tpu.memory_space<vmem>>
        %dma_start3A_454 = arith.constant 0 : i32
        %dma_start3A_455 = tpu.memref_slice %arg13[%dma_start3A_450, %dma_start3A_454] : memref<8x100xi32, #tpu.memory_space<vmem>> -> memref<1x100xi32, #tpu.memory_space<vmem>>
        %dma_start3A_456 = tpu.memref_squeeze %dma_start3A_455 : memref<1x100xi32, #tpu.memory_space<vmem>> -> memref<100xi32, #tpu.memory_space<vmem>>
        %dma_start3A_457 = arith.constant 0 : i32
        %dma_start3A_458 = arith.constant 0 : i32
        %dma_start3A_459 = tpu.memref_slice %arg6[%dma_start3A_457, %dma_start3A_458] : memref<1000000x64xf32, #tpu.memory_space<hbm>> -> memref<1000000x64xf32, #tpu.memory_space<hbm>>
        tpu.enqueue_indirect_dma source(%dma_start3A_459 : memref<1000000x64xf32, #tpu.memory_space<hbm>>) target(%dma_start3A_453 : memref<100x64xf32, #tpu.memory_space<vmem>>) offsets(%dma_start3A_456 : memref<100xi32, #tpu.memory_space<vmem>>) semaphore(%arg21 : memref<!tpu.dma_semaphore, #tpu.memory_space<semaphore_mem>>)
        %dma_start3A_460 = arith.constant 5 : i32
        %dma_start3A_461 = arith.constant 600 : i32
        %dma_start3A_462 = arith.constant 0 : i32
        %dma_start3A_463 = tpu.memref_slice %arg17[%dma_start3A_461, %dma_start3A_462] : memref<968x64xf32, #tpu.memory_space<vmem>> -> memref<20x64xf32, #tpu.memory_space<vmem>>
        %dma_start3A_464 = arith.constant 0 : i32
        %dma_start3A_465 = tpu.memref_slice %arg11[%dma_start3A_460, %dma_start3A_464] : memref<8x20xi32, #tpu.memory_space<vmem>> -> memref<1x20xi32, #tpu.memory_space<vmem>>
        %dma_start3A_466 = tpu.memref_squeeze %dma_start3A_465 : memref<1x20xi32, #tpu.memory_space<vmem>> -> memref<20xi32, #tpu.memory_space<vmem>>
        %dma_start3A_467 = arith.constant 0 : i32
        %dma_start3A_468 = arith.constant 0 : i32
        %dma_start3A_469 = tpu.memref_slice %arg6[%dma_start3A_467, %dma_start3A_468] : memref<1000000x64xf32, #tpu.memory_space<hbm>> -> memref<1000000x64xf32, #tpu.memory_space<hbm>>
        tpu.enqueue_indirect_dma source(%dma_start3A_469 : memref<1000000x64xf32, #tpu.memory_space<hbm>>) target(%dma_start3A_463 : memref<20x64xf32, #tpu.memory_space<vmem>>) offsets(%dma_start3A_466 : memref<20xi32, #tpu.memory_space<vmem>>) semaphore(%arg21 : memref<!tpu.dma_semaphore, #tpu.memory_space<semaphore_mem>>)
        %dma_start3A_470 = arith.constant 5 : i32
        %dma_start3A_471 = arith.constant 620 : i32
        %dma_start3A_472 = arith.constant 0 : i32
        %dma_start3A_473 = tpu.memref_slice %arg17[%dma_start3A_471, %dma_start3A_472] : memref<968x64xf32, #tpu.memory_space<vmem>> -> memref<100x64xf32, #tpu.memory_space<vmem>>
        %dma_start3A_474 = arith.constant 0 : i32
        %dma_start3A_475 = tpu.memref_slice %arg13[%dma_start3A_470, %dma_start3A_474] : memref<8x100xi32, #tpu.memory_space<vmem>> -> memref<1x100xi32, #tpu.memory_space<vmem>>
        %dma_start3A_476 = tpu.memref_squeeze %dma_start3A_475 : memref<1x100xi32, #tpu.memory_space<vmem>> -> memref<100xi32, #tpu.memory_space<vmem>>
        %dma_start3A_477 = arith.constant 0 : i32
        %dma_start3A_478 = arith.constant 0 : i32
        %dma_start3A_479 = tpu.memref_slice %arg6[%dma_start3A_477, %dma_start3A_478] : memref<1000000x64xf32, #tpu.memory_space<hbm>> -> memref<1000000x64xf32, #tpu.memory_space<hbm>>
        tpu.enqueue_indirect_dma source(%dma_start3A_479 : memref<1000000x64xf32, #tpu.memory_space<hbm>>) target(%dma_start3A_473 : memref<100x64xf32, #tpu.memory_space<vmem>>) offsets(%dma_start3A_476 : memref<100xi32, #tpu.memory_space<vmem>>) semaphore(%arg21 : memref<!tpu.dma_semaphore, #tpu.memory_space<semaphore_mem>>)
        %dma_start3A_480 = arith.constant 6 : i32
        %dma_start3A_481 = arith.constant 720 : i32
        %dma_start3A_482 = arith.constant 0 : i32
        %dma_start3A_483 = tpu.memref_slice %arg17[%dma_start3A_481, %dma_start3A_482] : memref<968x64xf32, #tpu.memory_space<vmem>> -> memref<20x64xf32, #tpu.memory_space<vmem>>
        %dma_start3A_484 = arith.constant 0 : i32
        %dma_start3A_485 = tpu.memref_slice %arg11[%dma_start3A_480, %dma_start3A_484] : memref<8x20xi32, #tpu.memory_space<vmem>> -> memref<1x20xi32, #tpu.memory_space<vmem>>
        %dma_start3A_486 = tpu.memref_squeeze %dma_start3A_485 : memref<1x20xi32, #tpu.memory_space<vmem>> -> memref<20xi32, #tpu.memory_space<vmem>>
        %dma_start3A_487 = arith.constant 0 : i32
        %dma_start3A_488 = arith.constant 0 : i32
        %dma_start3A_489 = tpu.memref_slice %arg6[%dma_start3A_487, %dma_start3A_488] : memref<1000000x64xf32, #tpu.memory_space<hbm>> -> memref<1000000x64xf32, #tpu.memory_space<hbm>>
        tpu.enqueue_indirect_dma source(%dma_start3A_489 : memref<1000000x64xf32, #tpu.memory_space<hbm>>) target(%dma_start3A_483 : memref<20x64xf32, #tpu.memory_space<vmem>>) offsets(%dma_start3A_486 : memref<20xi32, #tpu.memory_space<vmem>>) semaphore(%arg21 : memref<!tpu.dma_semaphore, #tpu.memory_space<semaphore_mem>>)
        %dma_start3A_490 = arith.constant 6 : i32
        %dma_start3A_491 = arith.constant 740 : i32
        %dma_start3A_492 = arith.constant 0 : i32
        %dma_start3A_493 = tpu.memref_slice %arg17[%dma_start3A_491, %dma_start3A_492] : memref<968x64xf32, #tpu.memory_space<vmem>> -> memref<100x64xf32, #tpu.memory_space<vmem>>
        %dma_start3A_494 = arith.constant 0 : i32
        %dma_start3A_495 = tpu.memref_slice %arg13[%dma_start3A_490, %dma_start3A_494] : memref<8x100xi32, #tpu.memory_space<vmem>> -> memref<1x100xi32, #tpu.memory_space<vmem>>
        %dma_start3A_496 = tpu.memref_squeeze %dma_start3A_495 : memref<1x100xi32, #tpu.memory_space<vmem>> -> memref<100xi32, #tpu.memory_space<vmem>>
        %dma_start3A_497 = arith.constant 0 : i32
        %dma_start3A_498 = arith.constant 0 : i32
        %dma_start3A_499 = tpu.memref_slice %arg6[%dma_start3A_497, %dma_start3A_498] : memref<1000000x64xf32, #tpu.memory_space<hbm>> -> memref<1000000x64xf32, #tpu.memory_space<hbm>>
        tpu.enqueue_indirect_dma source(%dma_start3A_499 : memref<1000000x64xf32, #tpu.memory_space<hbm>>) target(%dma_start3A_493 : memref<100x64xf32, #tpu.memory_space<vmem>>) offsets(%dma_start3A_496 : memref<100xi32, #tpu.memory_space<vmem>>) semaphore(%arg21 : memref<!tpu.dma_semaphore, #tpu.memory_space<semaphore_mem>>)
        %dma_start3A_500 = arith.constant 7 : i32
        %dma_start3A_501 = arith.constant 840 : i32
        %dma_start3A_502 = arith.constant 0 : i32
        %dma_start3A_503 = tpu.memref_slice %arg17[%dma_start3A_501, %dma_start3A_502] : memref<968x64xf32, #tpu.memory_space<vmem>> -> memref<20x64xf32, #tpu.memory_space<vmem>>
        %dma_start3A_504 = arith.constant 0 : i32
        %dma_start3A_505 = tpu.memref_slice %arg11[%dma_start3A_500, %dma_start3A_504] : memref<8x20xi32, #tpu.memory_space<vmem>> -> memref<1x20xi32, #tpu.memory_space<vmem>>
        %dma_start3A_506 = tpu.memref_squeeze %dma_start3A_505 : memref<1x20xi32, #tpu.memory_space<vmem>> -> memref<20xi32, #tpu.memory_space<vmem>>
        %dma_start3A_507 = arith.constant 0 : i32
        %dma_start3A_508 = arith.constant 0 : i32
        %dma_start3A_509 = tpu.memref_slice %arg6[%dma_start3A_507, %dma_start3A_508] : memref<1000000x64xf32, #tpu.memory_space<hbm>> -> memref<1000000x64xf32, #tpu.memory_space<hbm>>
        tpu.enqueue_indirect_dma source(%dma_start3A_509 : memref<1000000x64xf32, #tpu.memory_space<hbm>>) target(%dma_start3A_503 : memref<20x64xf32, #tpu.memory_space<vmem>>) offsets(%dma_start3A_506 : memref<20xi32, #tpu.memory_space<vmem>>) semaphore(%arg21 : memref<!tpu.dma_semaphore, #tpu.memory_space<semaphore_mem>>)
        %dma_start3A_510 = arith.constant 7 : i32
        %dma_start3A_511 = arith.constant 860 : i32
        %dma_start3A_512 = arith.constant 0 : i32
        %dma_start3A_513 = tpu.memref_slice %arg17[%dma_start3A_511, %dma_start3A_512] : memref<968x64xf32, #tpu.memory_space<vmem>> -> memref<100x64xf32, #tpu.memory_space<vmem>>
        %dma_start3A_514 = arith.constant 0 : i32
        %dma_start3A_515 = tpu.memref_slice %arg13[%dma_start3A_510, %dma_start3A_514] : memref<8x100xi32, #tpu.memory_space<vmem>> -> memref<1x100xi32, #tpu.memory_space<vmem>>
        %dma_start3A_516 = tpu.memref_squeeze %dma_start3A_515 : memref<1x100xi32, #tpu.memory_space<vmem>> -> memref<100xi32, #tpu.memory_space<vmem>>
        %dma_start3A_517 = arith.constant 0 : i32
        %dma_start3A_518 = arith.constant 0 : i32
        %dma_start3A_519 = tpu.memref_slice %arg6[%dma_start3A_517, %dma_start3A_518] : memref<1000000x64xf32, #tpu.memory_space<hbm>> -> memref<1000000x64xf32, #tpu.memory_space<hbm>>
        tpu.enqueue_indirect_dma source(%dma_start3A_519 : memref<1000000x64xf32, #tpu.memory_space<hbm>>) target(%dma_start3A_513 : memref<100x64xf32, #tpu.memory_space<vmem>>) offsets(%dma_start3A_516 : memref<100xi32, #tpu.memory_space<vmem>>) semaphore(%arg21 : memref<!tpu.dma_semaphore, #tpu.memory_space<semaphore_mem>>)
      } else {
      }
      %dma_wait3A_238 = arith.constant 0 : i32
      %dma_wait3A_239 = arith.constant 0 : i32
      %dma_wait3A_240 = tpu.memref_slice %arg5[%dma_wait3A_238, %dma_wait3A_239] : memref<1000000x64xf32, #tpu.memory_space<hbm>> -> memref<8x64xf32, #tpu.memory_space<hbm>>
      %dma_wait3A_241 = arith.constant 0 : i32
      %dma_wait3A_242 = arith.constant 0 : i32
      %dma_wait3A_243 = tpu.memref_slice %arg5[%dma_wait3A_241, %dma_wait3A_242] : memref<1000000x64xf32, #tpu.memory_space<hbm>> -> memref<8x64xf32, #tpu.memory_space<hbm>>
      tpu.wait_dma2 semaphore(%arg20 : memref<!tpu.dma_semaphore, #tpu.memory_space<semaphore_mem>>) src(%dma_wait3A_243 : memref<8x64xf32, #tpu.memory_space<hbm>>) dst(%arg14 : memref<8x64xf32, #tpu.memory_space<vmem>>)
      %dma_wait3A_244 = arith.constant 0 : i32
      %dma_wait3A_245 = arith.constant 0 : i32
      %dma_wait3A_246 = tpu.memref_slice %arg16[%dma_wait3A_244, %dma_wait3A_245] : memref<968x64xf32, #tpu.memory_space<vmem>> -> memref<960x64xf32, #tpu.memory_space<vmem>>
      %dma_wait3A_247 = arith.constant 0 : i32
      %dma_wait3A_248 = arith.constant 0 : i32
      %dma_wait3A_249 = tpu.memref_slice %arg6[%dma_wait3A_247, %dma_wait3A_248] : memref<1000000x64xf32, #tpu.memory_space<hbm>> -> memref<960x64xf32, #tpu.memory_space<hbm>>
      %dma_wait3A_250 = arith.constant 0 : i32
      %dma_wait3A_251 = arith.constant 0 : i32
      %dma_wait3A_252 = tpu.memref_slice %arg16[%dma_wait3A_250, %dma_wait3A_251] : memref<968x64xf32, #tpu.memory_space<vmem>> -> memref<960x64xf32, #tpu.memory_space<vmem>>
      %dma_wait3A_253 = arith.constant 0 : i32
      %dma_wait3A_254 = arith.constant 0 : i32
      %dma_wait3A_255 = tpu.memref_slice %arg6[%dma_wait3A_253, %dma_wait3A_254] : memref<1000000x64xf32, #tpu.memory_space<hbm>> -> memref<960x64xf32, #tpu.memory_space<hbm>>
      tpu.wait_dma2 semaphore(%arg20 : memref<!tpu.dma_semaphore, #tpu.memory_space<semaphore_mem>>) src(%dma_wait3A_255 : memref<960x64xf32, #tpu.memory_space<hbm>>) dst(%dma_wait3A_252 : memref<960x64xf32, #tpu.memory_space<vmem>>)
      %add3A_256 = arith.constant 2 : i32
      %add3A_257 = arith.addi %add3A_233, %add3A_256 : i32
      %lt3A_258 = arith.constant 64 : i32
      %lt3A_259 = arith.cmpi slt, %add3A_257, %lt3A_258 : i32
      %convert_element_type3A_260 = arith.extui %lt3A_259 : i1 to i32
      %cond3A_261 = arith.constant 0 : i32
      %cond3A_262 = arith.cmpi ne, %convert_element_type3A_260, %cond3A_261 : i32
      scf.if %cond3A_262 {
        %add3A_341 = arith.constant 2 : i32
        %add3A_342 = arith.addi %add3A_233, %add3A_341 : i32
        %mul3A_343 = arith.constant 512 : i32
        %mul3A_344 = arith.muli %add3A, %mul3A_343 : i32
        %mul3A_345 = arith.constant 8 : i32
        %mul3A_346 = arith.muli %add3A_342, %mul3A_345 : i32
        %add3A_347 = arith.addi %mul3A_344, %mul3A_346 : i32
        %dma_start3A_348 = tpu.memref_slice %arg2[%add3A_347] : memref<16384xi32, #tpu.memory_space<hbm>> -> memref<8xi32, #tpu.memory_space<hbm>>
        %dma_start3A_349 = tpu.memref_slice %arg2[%add3A_347] : memref<16384xi32, #tpu.memory_space<hbm>> -> memref<8xi32, #tpu.memory_space<hbm>>
        tpu.enqueue_dma source(%dma_start3A_349 : memref<8xi32, #tpu.memory_space<hbm>>) target(%arg8 : memref<8xi32, #tpu.memory_space<vmem>>) target_semaphore(%arg24 : memref<!tpu.dma_semaphore, #tpu.memory_space<semaphore_mem>>)
        %dma_start3A_350 = arith.constant 0 : i32
        %dma_start3A_351 = tpu.memref_slice %arg3[%add3A_347, %dma_start3A_350] : memref<16384x20xi32, #tpu.memory_space<hbm>> -> memref<8x20xi32, #tpu.memory_space<hbm>>
        %dma_start3A_352 = arith.constant 0 : i32
        %dma_start3A_353 = tpu.memref_slice %arg3[%add3A_347, %dma_start3A_352] : memref<16384x20xi32, #tpu.memory_space<hbm>> -> memref<8x20xi32, #tpu.memory_space<hbm>>
        tpu.enqueue_dma source(%dma_start3A_353 : memref<8x20xi32, #tpu.memory_space<hbm>>) target(%arg10 : memref<8x20xi32, #tpu.memory_space<vmem>>) target_semaphore(%arg24 : memref<!tpu.dma_semaphore, #tpu.memory_space<semaphore_mem>>)
        %dma_start3A_354 = arith.constant 0 : i32
        %dma_start3A_355 = tpu.memref_slice %arg4[%add3A_347, %dma_start3A_354] : memref<16384x100xi32, #tpu.memory_space<hbm>> -> memref<8x100xi32, #tpu.memory_space<hbm>>
        %dma_start3A_356 = arith.constant 0 : i32
        %dma_start3A_357 = tpu.memref_slice %arg4[%add3A_347, %dma_start3A_356] : memref<16384x100xi32, #tpu.memory_space<hbm>> -> memref<8x100xi32, #tpu.memory_space<hbm>>
        tpu.enqueue_dma source(%dma_start3A_357 : memref<8x100xi32, #tpu.memory_space<hbm>>) target(%arg12 : memref<8x100xi32, #tpu.memory_space<vmem>>) target_semaphore(%arg24 : memref<!tpu.dma_semaphore, #tpu.memory_space<semaphore_mem>>)
      } else {
      }
      %ge3A = arith.constant 2 : i32
      %ge3A_263 = arith.cmpi sge, %add3A_233, %ge3A : i32
      %convert_element_type3A_264 = arith.extui %ge3A_263 : i1 to i32
      %cond3A_265 = arith.constant 0 : i32
      %cond3A_266 = arith.cmpi ne, %convert_element_type3A_264, %cond3A_265 : i32
      scf.if %cond3A_266 {
        %mul3A_341 = arith.constant 512 : i32
        %mul3A_342 = arith.muli %add3A, %mul3A_341 : i32
        %sub3A = arith.constant 2 : i32
        %sub3A_343 = arith.subi %add3A_233, %sub3A : i32
        %mul3A_344 = arith.constant 8 : i32
        %mul3A_345 = arith.muli %sub3A_343, %mul3A_344 : i32
        %add3A_346 = arith.addi %mul3A_342, %mul3A_345 : i32
        %dma_wait3A_347 = arith.constant 0 : i32
        %dma_wait3A_348 = tpu.memref_slice %arg7[%add3A_346, %dma_wait3A_347] : memref<16384x128xf32, #tpu.memory_space<hbm>> -> memref<8x128xf32, #tpu.memory_space<hbm>>
        %dma_wait3A_349 = arith.constant 0 : i32
        %dma_wait3A_350 = tpu.memref_slice %arg7[%add3A_346, %dma_wait3A_349] : memref<16384x128xf32, #tpu.memory_space<hbm>> -> memref<8x128xf32, #tpu.memory_space<hbm>>
        tpu.wait_dma2 semaphore(%arg22 : memref<!tpu.dma_semaphore, #tpu.memory_space<semaphore_mem>>) src(%arg18 : memref<8x128xf32, #tpu.memory_space<vmem>>) dst(%dma_wait3A_350 : memref<8x128xf32, #tpu.memory_space<hbm>>)
      } else {
      }
      %scan3A_267 = arith.constant 0 : i32
      %scan3A_268 = arith.constant 0 : i32
      %scan3A_269 = arith.constant 8 : i32
      %scan3A_270 = arith.addi %scan3A_268, %scan3A_269 : i32
      %scan3A_271 = arith.constant 1 : i32
      %scan3A_272 = scf.for %scan3A_341 = %scan3A_268 to %scan3A_270 step %scan3A_271 iter_args(%scan3A_342 = %scan3A_267) -> (i32)  : i32 {
        %get3A = arith.index_cast %scan3A_341 : i32 to index
        %get3A_343 = arith.constant 0 : index
        %get3A_344 = tpu.vector_load %arg14[%get3A, %get3A_343] {strides = array<i32>} : memref<8x64xf32, #tpu.memory_space<vmem>>, vector<16xf32>,
        %get3A_345 = arith.index_cast %scan3A_341 : i32 to index
        %get3A_346 = arith.constant 16 : index
        %get3A_347 = tpu.vector_load %arg14[%get3A_345, %get3A_346] {strides = array<i32>} : memref<8x64xf32, #tpu.memory_space<vmem>>, vector<16xf32>,
        %get3A_348 = arith.index_cast %scan3A_341 : i32 to index
        %get3A_349 = arith.constant 32 : index
        %get3A_350 = tpu.vector_load %arg14[%get3A_348, %get3A_349] {strides = array<i32>} : memref<8x64xf32, #tpu.memory_space<vmem>>, vector<16xf32>,
        %get3A_351 = arith.index_cast %scan3A_341 : i32 to index
        %get3A_352 = arith.constant 48 : index
        %get3A_353 = tpu.vector_load %arg14[%get3A_351, %get3A_352] {strides = array<i32>} : memref<8x64xf32, #tpu.memory_space<vmem>>, vector<16xf32>,
        %scan3A_354 = arith.constant 0 : i32
        %scan3A_355 = arith.constant 0 : i32
        %scan3A_356 = arith.constant 8 : i32
        %scan3A_357 = arith.addi %scan3A_355, %scan3A_356 : i32
        %scan3A_358 = arith.constant 1 : i32
        %scan3A_359 = scf.for %scan3A_362 = %scan3A_355 to %scan3A_357 step %scan3A_358 iter_args(%scan3A_363 = %scan3A_354) -> (i32)  : i32 {
          %mul3A_364 = arith.constant 120 : i32
          %mul3A_365 = arith.muli %scan3A_341, %mul3A_364 : i32
          %mul3A_366 = arith.constant 16 : i32
          %mul3A_367 = arith.muli %scan3A_362, %mul3A_366 : i32
          %add3A_368 = arith.addi %mul3A_365, %mul3A_367 : i32
          %broadcast_in_dim3A = arith.constant 0.000000e+00 : f32
          %broadcast_in_dim3A_369 = vector.broadcast %broadcast_in_dim3A : f32 to vector<16xf32>
          %add3A_370 = arith.constant 0 : i32
          %add3A_371 = arith.addi %add3A_368, %add3A_370 : i32
          %get3A_372 = arith.index_cast %add3A_371 : i32 to index
          %get3A_373 = arith.constant 0 : index
          %get3A_374 = tpu.vector_load %arg16[%get3A_372, %get3A_373] {strides = array<i32>} : memref<968x64xf32, #tpu.memory_space<vmem>>, vector<16xf32>,
          %mul3A_375 = arith.mulf %get3A_374, %get3A_344 : vector<16xf32>
          %get3A_376 = arith.index_cast %add3A_371 : i32 to index
          %get3A_377 = arith.constant 16 : index
          %get3A_378 = tpu.vector_load %arg16[%get3A_376, %get3A_377] {strides = array<i32>} : memref<968x64xf32, #tpu.memory_space<vmem>>, vector<16xf32>,
          %mul3A_379 = arith.mulf %get3A_378, %get3A_347 : vector<16xf32>
          %add3A_380 = arith.addf %mul3A_375, %mul3A_379 : vector<16xf32>
          %get3A_381 = arith.index_cast %add3A_371 : i32 to index
          %get3A_382 = arith.constant 32 : index
          %get3A_383 = tpu.vector_load %arg16[%get3A_381, %get3A_382] {strides = array<i32>} : memref<968x64xf32, #tpu.memory_space<vmem>>, vector<16xf32>,
          %mul3A_384 = arith.mulf %get3A_383, %get3A_350 : vector<16xf32>
          %get3A_385 = arith.index_cast %add3A_371 : i32 to index
          %get3A_386 = arith.constant 48 : index
          %get3A_387 = tpu.vector_load %arg16[%get3A_385, %get3A_386] {strides = array<i32>} : memref<968x64xf32, #tpu.memory_space<vmem>>, vector<16xf32>,
          %mul3A_388 = arith.mulf %get3A_387, %get3A_353 : vector<16xf32>
          %add3A_389 = arith.addf %mul3A_384, %mul3A_388 : vector<16xf32>
          %add3A_390 = arith.addf %add3A_380, %add3A_389 : vector<16xf32>
          %eq3A = arith.constant 0 : i32
          %eq3A_391 = vector.broadcast %eq3A : i32 to vector<16xi32>
          %eq3A_392 = arith.cmpi eq, %iota3A, %eq3A_391 : vector<16xi32>
          %reduce_sum3A = arith.constant true
          %reduce_sum3A_393 = vector.broadcast %reduce_sum3A : i1 to vector<16xi1>
          %reduce_sum3A_394 = tpu.scan <sum>, %add3A_390 masked %reduce_sum3A_393 : vector<16xf32>, vector<16xi1> -> vector<16xf32>
          %reduce_sum3A_395 = vector.extract %reduce_sum3A_394[15] : f32 from vector<16xf32>
          %broadcast_in_dim3A_396 = vector.broadcast %reduce_sum3A_395 : f32 to vector<16xf32>
          %select_n3A = arith.select %eq3A_392, %broadcast_in_dim3A_396, %broadcast_in_dim3A_369 : vector<16xi1>, vector<16xf32>
          %add3A_397 = arith.constant 1 : i32
          %add3A_398 = arith.addi %add3A_368, %add3A_397 : i32
          %get3A_399 = arith.index_cast %add3A_398 : i32 to index
          %get3A_400 = arith.constant 0 : index
          %get3A_401 = tpu.vector_load %arg16[%get3A_399, %get3A_400] {strides = array<i32>} : memref<968x64xf32, #tpu.memory_space<vmem>>, vector<16xf32>,
          %mul3A_402 = arith.mulf %get3A_401, %get3A_344 : vector<16xf32>
          %get3A_403 = arith.index_cast %add3A_398 : i32 to index
          %get3A_404 = arith.constant 16 : index
          %get3A_405 = tpu.vector_load %arg16[%get3A_403, %get3A_404] {strides = array<i32>} : memref<968x64xf32, #tpu.memory_space<vmem>>, vector<16xf32>,
          %mul3A_406 = arith.mulf %get3A_405, %get3A_347 : vector<16xf32>
          %add3A_407 = arith.addf %mul3A_402, %mul3A_406 : vector<16xf32>
          %get3A_408 = arith.index_cast %add3A_398 : i32 to index
          %get3A_409 = arith.constant 32 : index
          %get3A_410 = tpu.vector_load %arg16[%get3A_408, %get3A_409] {strides = array<i32>} : memref<968x64xf32, #tpu.memory_space<vmem>>, vector<16xf32>,
          %mul3A_411 = arith.mulf %get3A_410, %get3A_350 : vector<16xf32>
          %get3A_412 = arith.index_cast %add3A_398 : i32 to index
          %get3A_413 = arith.constant 48 : index
          %get3A_414 = tpu.vector_load %arg16[%get3A_412, %get3A_413] {strides = array<i32>} : memref<968x64xf32, #tpu.memory_space<vmem>>, vector<16xf32>,
          %mul3A_415 = arith.mulf %get3A_414, %get3A_353 : vector<16xf32>
          %add3A_416 = arith.addf %mul3A_411, %mul3A_415 : vector<16xf32>
          %add3A_417 = arith.addf %add3A_407, %add3A_416 : vector<16xf32>
          %eq3A_418 = arith.constant 1 : i32
          %eq3A_419 = vector.broadcast %eq3A_418 : i32 to vector<16xi32>
          %eq3A_420 = arith.cmpi eq, %iota3A, %eq3A_419 : vector<16xi32>
          %reduce_sum3A_421 = arith.constant true
          %reduce_sum3A_422 = vector.broadcast %reduce_sum3A_421 : i1 to vector<16xi1>
          %reduce_sum3A_423 = tpu.scan <sum>, %add3A_417 masked %reduce_sum3A_422 : vector<16xf32>, vector<16xi1> -> vector<16xf32>
          %reduce_sum3A_424 = vector.extract %reduce_sum3A_423[15] : f32 from vector<16xf32>
          %broadcast_in_dim3A_425 = vector.broadcast %reduce_sum3A_424 : f32 to vector<16xf32>
          %select_n3A_426 = arith.select %eq3A_420, %broadcast_in_dim3A_425, %select_n3A : vector<16xi1>, vector<16xf32>
          %add3A_427 = arith.constant 2 : i32
          %add3A_428 = arith.addi %add3A_368, %add3A_427 : i32
          %get3A_429 = arith.index_cast %add3A_428 : i32 to index
          %get3A_430 = arith.constant 0 : index
          %get3A_431 = tpu.vector_load %arg16[%get3A_429, %get3A_430] {strides = array<i32>} : memref<968x64xf32, #tpu.memory_space<vmem>>, vector<16xf32>,
          %mul3A_432 = arith.mulf %get3A_431, %get3A_344 : vector<16xf32>
          %get3A_433 = arith.index_cast %add3A_428 : i32 to index
          %get3A_434 = arith.constant 16 : index
          %get3A_435 = tpu.vector_load %arg16[%get3A_433, %get3A_434] {strides = array<i32>} : memref<968x64xf32, #tpu.memory_space<vmem>>, vector<16xf32>,
          %mul3A_436 = arith.mulf %get3A_435, %get3A_347 : vector<16xf32>
          %add3A_437 = arith.addf %mul3A_432, %mul3A_436 : vector<16xf32>
          %get3A_438 = arith.index_cast %add3A_428 : i32 to index
          %get3A_439 = arith.constant 32 : index
          %get3A_440 = tpu.vector_load %arg16[%get3A_438, %get3A_439] {strides = array<i32>} : memref<968x64xf32, #tpu.memory_space<vmem>>, vector<16xf32>,
          %mul3A_441 = arith.mulf %get3A_440, %get3A_350 : vector<16xf32>
          %get3A_442 = arith.index_cast %add3A_428 : i32 to index
          %get3A_443 = arith.constant 48 : index
          %get3A_444 = tpu.vector_load %arg16[%get3A_442, %get3A_443] {strides = array<i32>} : memref<968x64xf32, #tpu.memory_space<vmem>>, vector<16xf32>,
          %mul3A_445 = arith.mulf %get3A_444, %get3A_353 : vector<16xf32>
          %add3A_446 = arith.addf %mul3A_441, %mul3A_445 : vector<16xf32>
          %add3A_447 = arith.addf %add3A_437, %add3A_446 : vector<16xf32>
          %eq3A_448 = arith.constant 2 : i32
          %eq3A_449 = vector.broadcast %eq3A_448 : i32 to vector<16xi32>
          %eq3A_450 = arith.cmpi eq, %iota3A, %eq3A_449 : vector<16xi32>
          %reduce_sum3A_451 = arith.constant true
          %reduce_sum3A_452 = vector.broadcast %reduce_sum3A_451 : i1 to vector<16xi1>
          %reduce_sum3A_453 = tpu.scan <sum>, %add3A_447 masked %reduce_sum3A_452 : vector<16xf32>, vector<16xi1> -> vector<16xf32>
          %reduce_sum3A_454 = vector.extract %reduce_sum3A_453[15] : f32 from vector<16xf32>
          %broadcast_in_dim3A_455 = vector.broadcast %reduce_sum3A_454 : f32 to vector<16xf32>
          %select_n3A_456 = arith.select %eq3A_450, %broadcast_in_dim3A_455, %select_n3A_426 : vector<16xi1>, vector<16xf32>
          %add3A_457 = arith.constant 3 : i32
          %add3A_458 = arith.addi %add3A_368, %add3A_457 : i32
          %get3A_459 = arith.index_cast %add3A_458 : i32 to index
          %get3A_460 = arith.constant 0 : index
          %get3A_461 = tpu.vector_load %arg16[%get3A_459, %get3A_460] {strides = array<i32>} : memref<968x64xf32, #tpu.memory_space<vmem>>, vector<16xf32>,
          %mul3A_462 = arith.mulf %get3A_461, %get3A_344 : vector<16xf32>
          %get3A_463 = arith.index_cast %add3A_458 : i32 to index
          %get3A_464 = arith.constant 16 : index
          %get3A_465 = tpu.vector_load %arg16[%get3A_463, %get3A_464] {strides = array<i32>} : memref<968x64xf32, #tpu.memory_space<vmem>>, vector<16xf32>,
          %mul3A_466 = arith.mulf %get3A_465, %get3A_347 : vector<16xf32>
          %add3A_467 = arith.addf %mul3A_462, %mul3A_466 : vector<16xf32>
          %get3A_468 = arith.index_cast %add3A_458 : i32 to index
          %get3A_469 = arith.constant 32 : index
          %get3A_470 = tpu.vector_load %arg16[%get3A_468, %get3A_469] {strides = array<i32>} : memref<968x64xf32, #tpu.memory_space<vmem>>, vector<16xf32>,
          %mul3A_471 = arith.mulf %get3A_470, %get3A_350 : vector<16xf32>
          %get3A_472 = arith.index_cast %add3A_458 : i32 to index
          %get3A_473 = arith.constant 48 : index
          %get3A_474 = tpu.vector_load %arg16[%get3A_472, %get3A_473] {strides = array<i32>} : memref<968x64xf32, #tpu.memory_space<vmem>>, vector<16xf32>,
          %mul3A_475 = arith.mulf %get3A_474, %get3A_353 : vector<16xf32>
          %add3A_476 = arith.addf %mul3A_471, %mul3A_475 : vector<16xf32>
          %add3A_477 = arith.addf %add3A_467, %add3A_476 : vector<16xf32>
          %eq3A_478 = arith.constant 3 : i32
          %eq3A_479 = vector.broadcast %eq3A_478 : i32 to vector<16xi32>
          %eq3A_480 = arith.cmpi eq, %iota3A, %eq3A_479 : vector<16xi32>
          %reduce_sum3A_481 = arith.constant true
          %reduce_sum3A_482 = vector.broadcast %reduce_sum3A_481 : i1 to vector<16xi1>
          %reduce_sum3A_483 = tpu.scan <sum>, %add3A_477 masked %reduce_sum3A_482 : vector<16xf32>, vector<16xi1> -> vector<16xf32>
          %reduce_sum3A_484 = vector.extract %reduce_sum3A_483[15] : f32 from vector<16xf32>
          %broadcast_in_dim3A_485 = vector.broadcast %reduce_sum3A_484 : f32 to vector<16xf32>
          %select_n3A_486 = arith.select %eq3A_480, %broadcast_in_dim3A_485, %select_n3A_456 : vector<16xi1>, vector<16xf32>
          %add3A_487 = arith.constant 4 : i32
          %add3A_488 = arith.addi %add3A_368, %add3A_487 : i32
          %get3A_489 = arith.index_cast %add3A_488 : i32 to index
          %get3A_490 = arith.constant 0 : index
          %get3A_491 = tpu.vector_load %arg16[%get3A_489, %get3A_490] {strides = array<i32>} : memref<968x64xf32, #tpu.memory_space<vmem>>, vector<16xf32>,
          %mul3A_492 = arith.mulf %get3A_491, %get3A_344 : vector<16xf32>
          %get3A_493 = arith.index_cast %add3A_488 : i32 to index
          %get3A_494 = arith.constant 16 : index
          %get3A_495 = tpu.vector_load %arg16[%get3A_493, %get3A_494] {strides = array<i32>} : memref<968x64xf32, #tpu.memory_space<vmem>>, vector<16xf32>,
          %mul3A_496 = arith.mulf %get3A_495, %get3A_347 : vector<16xf32>
          %add3A_497 = arith.addf %mul3A_492, %mul3A_496 : vector<16xf32>
          %get3A_498 = arith.index_cast %add3A_488 : i32 to index
          %get3A_499 = arith.constant 32 : index
          %get3A_500 = tpu.vector_load %arg16[%get3A_498, %get3A_499] {strides = array<i32>} : memref<968x64xf32, #tpu.memory_space<vmem>>, vector<16xf32>,
          %mul3A_501 = arith.mulf %get3A_500, %get3A_350 : vector<16xf32>
          %get3A_502 = arith.index_cast %add3A_488 : i32 to index
          %get3A_503 = arith.constant 48 : index
          %get3A_504 = tpu.vector_load %arg16[%get3A_502, %get3A_503] {strides = array<i32>} : memref<968x64xf32, #tpu.memory_space<vmem>>, vector<16xf32>,
          %mul3A_505 = arith.mulf %get3A_504, %get3A_353 : vector<16xf32>
          %add3A_506 = arith.addf %mul3A_501, %mul3A_505 : vector<16xf32>
          %add3A_507 = arith.addf %add3A_497, %add3A_506 : vector<16xf32>
          %eq3A_508 = arith.constant 4 : i32
          %eq3A_509 = vector.broadcast %eq3A_508 : i32 to vector<16xi32>
          %eq3A_510 = arith.cmpi eq, %iota3A, %eq3A_509 : vector<16xi32>
          %reduce_sum3A_511 = arith.constant true
          %reduce_sum3A_512 = vector.broadcast %reduce_sum3A_511 : i1 to vector<16xi1>
          %reduce_sum3A_513 = tpu.scan <sum>, %add3A_507 masked %reduce_sum3A_512 : vector<16xf32>, vector<16xi1> -> vector<16xf32>
          %reduce_sum3A_514 = vector.extract %reduce_sum3A_513[15] : f32 from vector<16xf32>
          %broadcast_in_dim3A_515 = vector.broadcast %reduce_sum3A_514 : f32 to vector<16xf32>
          %select_n3A_516 = arith.select %eq3A_510, %broadcast_in_dim3A_515, %select_n3A_486 : vector<16xi1>, vector<16xf32>
          %add3A_517 = arith.constant 5 : i32
          %add3A_518 = arith.addi %add3A_368, %add3A_517 : i32
          %get3A_519 = arith.index_cast %add3A_518 : i32 to index
          %get3A_520 = arith.constant 0 : index
          %get3A_521 = tpu.vector_load %arg16[%get3A_519, %get3A_520] {strides = array<i32>} : memref<968x64xf32, #tpu.memory_space<vmem>>, vector<16xf32>,
          %mul3A_522 = arith.mulf %get3A_521, %get3A_344 : vector<16xf32>
          %get3A_523 = arith.index_cast %add3A_518 : i32 to index
          %get3A_524 = arith.constant 16 : index
          %get3A_525 = tpu.vector_load %arg16[%get3A_523, %get3A_524] {strides = array<i32>} : memref<968x64xf32, #tpu.memory_space<vmem>>, vector<16xf32>,
          %mul3A_526 = arith.mulf %get3A_525, %get3A_347 : vector<16xf32>
          %add3A_527 = arith.addf %mul3A_522, %mul3A_526 : vector<16xf32>
          %get3A_528 = arith.index_cast %add3A_518 : i32 to index
          %get3A_529 = arith.constant 32 : index
          %get3A_530 = tpu.vector_load %arg16[%get3A_528, %get3A_529] {strides = array<i32>} : memref<968x64xf32, #tpu.memory_space<vmem>>, vector<16xf32>,
          %mul3A_531 = arith.mulf %get3A_530, %get3A_350 : vector<16xf32>
          %get3A_532 = arith.index_cast %add3A_518 : i32 to index
          %get3A_533 = arith.constant 48 : index
          %get3A_534 = tpu.vector_load %arg16[%get3A_532, %get3A_533] {strides = array<i32>} : memref<968x64xf32, #tpu.memory_space<vmem>>, vector<16xf32>,
          %mul3A_535 = arith.mulf %get3A_534, %get3A_353 : vector<16xf32>
          %add3A_536 = arith.addf %mul3A_531, %mul3A_535 : vector<16xf32>
          %add3A_537 = arith.addf %add3A_527, %add3A_536 : vector<16xf32>
          %eq3A_538 = arith.constant 5 : i32
          %eq3A_539 = vector.broadcast %eq3A_538 : i32 to vector<16xi32>
          %eq3A_540 = arith.cmpi eq, %iota3A, %eq3A_539 : vector<16xi32>
          %reduce_sum3A_541 = arith.constant true
          %reduce_sum3A_542 = vector.broadcast %reduce_sum3A_541 : i1 to vector<16xi1>
          %reduce_sum3A_543 = tpu.scan <sum>, %add3A_537 masked %reduce_sum3A_542 : vector<16xf32>, vector<16xi1> -> vector<16xf32>
          %reduce_sum3A_544 = vector.extract %reduce_sum3A_543[15] : f32 from vector<16xf32>
          %broadcast_in_dim3A_545 = vector.broadcast %reduce_sum3A_544 : f32 to vector<16xf32>
          %select_n3A_546 = arith.select %eq3A_540, %broadcast_in_dim3A_545, %select_n3A_516 : vector<16xi1>, vector<16xf32>
          %add3A_547 = arith.constant 6 : i32
          %add3A_548 = arith.addi %add3A_368, %add3A_547 : i32
          %get3A_549 = arith.index_cast %add3A_548 : i32 to index
          %get3A_550 = arith.constant 0 : index
          %get3A_551 = tpu.vector_load %arg16[%get3A_549, %get3A_550] {strides = array<i32>} : memref<968x64xf32, #tpu.memory_space<vmem>>, vector<16xf32>,
          %mul3A_552 = arith.mulf %get3A_551, %get3A_344 : vector<16xf32>
          %get3A_553 = arith.index_cast %add3A_548 : i32 to index
          %get3A_554 = arith.constant 16 : index
          %get3A_555 = tpu.vector_load %arg16[%get3A_553, %get3A_554] {strides = array<i32>} : memref<968x64xf32, #tpu.memory_space<vmem>>, vector<16xf32>,
          %mul3A_556 = arith.mulf %get3A_555, %get3A_347 : vector<16xf32>
          %add3A_557 = arith.addf %mul3A_552, %mul3A_556 : vector<16xf32>
          %get3A_558 = arith.index_cast %add3A_548 : i32 to index
          %get3A_559 = arith.constant 32 : index
          %get3A_560 = tpu.vector_load %arg16[%get3A_558, %get3A_559] {strides = array<i32>} : memref<968x64xf32, #tpu.memory_space<vmem>>, vector<16xf32>,
          %mul3A_561 = arith.mulf %get3A_560, %get3A_350 : vector<16xf32>
          %get3A_562 = arith.index_cast %add3A_548 : i32 to index
          %get3A_563 = arith.constant 48 : index
          %get3A_564 = tpu.vector_load %arg16[%get3A_562, %get3A_563] {strides = array<i32>} : memref<968x64xf32, #tpu.memory_space<vmem>>, vector<16xf32>,
          %mul3A_565 = arith.mulf %get3A_564, %get3A_353 : vector<16xf32>
          %add3A_566 = arith.addf %mul3A_561, %mul3A_565 : vector<16xf32>
          %add3A_567 = arith.addf %add3A_557, %add3A_566 : vector<16xf32>
          %eq3A_568 = arith.constant 6 : i32
          %eq3A_569 = vector.broadcast %eq3A_568 : i32 to vector<16xi32>
          %eq3A_570 = arith.cmpi eq, %iota3A, %eq3A_569 : vector<16xi32>
          %reduce_sum3A_571 = arith.constant true
          %reduce_sum3A_572 = vector.broadcast %reduce_sum3A_571 : i1 to vector<16xi1>
          %reduce_sum3A_573 = tpu.scan <sum>, %add3A_567 masked %reduce_sum3A_572 : vector<16xf32>, vector<16xi1> -> vector<16xf32>
          %reduce_sum3A_574 = vector.extract %reduce_sum3A_573[15] : f32 from vector<16xf32>
          %broadcast_in_dim3A_575 = vector.broadcast %reduce_sum3A_574 : f32 to vector<16xf32>
          %select_n3A_576 = arith.select %eq3A_570, %broadcast_in_dim3A_575, %select_n3A_546 : vector<16xi1>, vector<16xf32>
          %add3A_577 = arith.constant 7 : i32
          %add3A_578 = arith.addi %add3A_368, %add3A_577 : i32
          %get3A_579 = arith.index_cast %add3A_578 : i32 to index
          %get3A_580 = arith.constant 0 : index
          %get3A_581 = tpu.vector_load %arg16[%get3A_579, %get3A_580] {strides = array<i32>} : memref<968x64xf32, #tpu.memory_space<vmem>>, vector<16xf32>,
          %mul3A_582 = arith.mulf %get3A_581, %get3A_344 : vector<16xf32>
          %get3A_583 = arith.index_cast %add3A_578 : i32 to index
          %get3A_584 = arith.constant 16 : index
          %get3A_585 = tpu.vector_load %arg16[%get3A_583, %get3A_584] {strides = array<i32>} : memref<968x64xf32, #tpu.memory_space<vmem>>, vector<16xf32>,
          %mul3A_586 = arith.mulf %get3A_585, %get3A_347 : vector<16xf32>
          %add3A_587 = arith.addf %mul3A_582, %mul3A_586 : vector<16xf32>
          %get3A_588 = arith.index_cast %add3A_578 : i32 to index
          %get3A_589 = arith.constant 32 : index
          %get3A_590 = tpu.vector_load %arg16[%get3A_588, %get3A_589] {strides = array<i32>} : memref<968x64xf32, #tpu.memory_space<vmem>>, vector<16xf32>,
          %mul3A_591 = arith.mulf %get3A_590, %get3A_350 : vector<16xf32>
          %get3A_592 = arith.index_cast %add3A_578 : i32 to index
          %get3A_593 = arith.constant 48 : index
          %get3A_594 = tpu.vector_load %arg16[%get3A_592, %get3A_593] {strides = array<i32>} : memref<968x64xf32, #tpu.memory_space<vmem>>, vector<16xf32>,
          %mul3A_595 = arith.mulf %get3A_594, %get3A_353 : vector<16xf32>
          %add3A_596 = arith.addf %mul3A_591, %mul3A_595 : vector<16xf32>
          %add3A_597 = arith.addf %add3A_587, %add3A_596 : vector<16xf32>
          %eq3A_598 = arith.constant 7 : i32
          %eq3A_599 = vector.broadcast %eq3A_598 : i32 to vector<16xi32>
          %eq3A_600 = arith.cmpi eq, %iota3A, %eq3A_599 : vector<16xi32>
          %reduce_sum3A_601 = arith.constant true
          %reduce_sum3A_602 = vector.broadcast %reduce_sum3A_601 : i1 to vector<16xi1>
          %reduce_sum3A_603 = tpu.scan <sum>, %add3A_597 masked %reduce_sum3A_602 : vector<16xf32>, vector<16xi1> -> vector<16xf32>
          %reduce_sum3A_604 = vector.extract %reduce_sum3A_603[15] : f32 from vector<16xf32>
          %broadcast_in_dim3A_605 = vector.broadcast %reduce_sum3A_604 : f32 to vector<16xf32>
          %select_n3A_606 = arith.select %eq3A_600, %broadcast_in_dim3A_605, %select_n3A_576 : vector<16xi1>, vector<16xf32>
          %add3A_607 = arith.constant 8 : i32
          %add3A_608 = arith.addi %add3A_368, %add3A_607 : i32
          %get3A_609 = arith.index_cast %add3A_608 : i32 to index
          %get3A_610 = arith.constant 0 : index
          %get3A_611 = tpu.vector_load %arg16[%get3A_609, %get3A_610] {strides = array<i32>} : memref<968x64xf32, #tpu.memory_space<vmem>>, vector<16xf32>,
          %mul3A_612 = arith.mulf %get3A_611, %get3A_344 : vector<16xf32>
          %get3A_613 = arith.index_cast %add3A_608 : i32 to index
          %get3A_614 = arith.constant 16 : index
          %get3A_615 = tpu.vector_load %arg16[%get3A_613, %get3A_614] {strides = array<i32>} : memref<968x64xf32, #tpu.memory_space<vmem>>, vector<16xf32>,
          %mul3A_616 = arith.mulf %get3A_615, %get3A_347 : vector<16xf32>
          %add3A_617 = arith.addf %mul3A_612, %mul3A_616 : vector<16xf32>
          %get3A_618 = arith.index_cast %add3A_608 : i32 to index
          %get3A_619 = arith.constant 32 : index
          %get3A_620 = tpu.vector_load %arg16[%get3A_618, %get3A_619] {strides = array<i32>} : memref<968x64xf32, #tpu.memory_space<vmem>>, vector<16xf32>,
          %mul3A_621 = arith.mulf %get3A_620, %get3A_350 : vector<16xf32>
          %get3A_622 = arith.index_cast %add3A_608 : i32 to index
          %get3A_623 = arith.constant 48 : index
          %get3A_624 = tpu.vector_load %arg16[%get3A_622, %get3A_623] {strides = array<i32>} : memref<968x64xf32, #tpu.memory_space<vmem>>, vector<16xf32>,
          %mul3A_625 = arith.mulf %get3A_624, %get3A_353 : vector<16xf32>
          %add3A_626 = arith.addf %mul3A_621, %mul3A_625 : vector<16xf32>
          %add3A_627 = arith.addf %add3A_617, %add3A_626 : vector<16xf32>
          %eq3A_628 = arith.constant 8 : i32
          %eq3A_629 = vector.broadcast %eq3A_628 : i32 to vector<16xi32>
          %eq3A_630 = arith.cmpi eq, %iota3A, %eq3A_629 : vector<16xi32>
          %reduce_sum3A_631 = arith.constant true
          %reduce_sum3A_632 = vector.broadcast %reduce_sum3A_631 : i1 to vector<16xi1>
          %reduce_sum3A_633 = tpu.scan <sum>, %add3A_627 masked %reduce_sum3A_632 : vector<16xf32>, vector<16xi1> -> vector<16xf32>
          %reduce_sum3A_634 = vector.extract %reduce_sum3A_633[15] : f32 from vector<16xf32>
          %broadcast_in_dim3A_635 = vector.broadcast %reduce_sum3A_634 : f32 to vector<16xf32>
          %select_n3A_636 = arith.select %eq3A_630, %broadcast_in_dim3A_635, %select_n3A_606 : vector<16xi1>, vector<16xf32>
          %add3A_637 = arith.constant 9 : i32
          %add3A_638 = arith.addi %add3A_368, %add3A_637 : i32
          %get3A_639 = arith.index_cast %add3A_638 : i32 to index
          %get3A_640 = arith.constant 0 : index
          %get3A_641 = tpu.vector_load %arg16[%get3A_639, %get3A_640] {strides = array<i32>} : memref<968x64xf32, #tpu.memory_space<vmem>>, vector<16xf32>,
          %mul3A_642 = arith.mulf %get3A_641, %get3A_344 : vector<16xf32>
          %get3A_643 = arith.index_cast %add3A_638 : i32 to index
          %get3A_644 = arith.constant 16 : index
          %get3A_645 = tpu.vector_load %arg16[%get3A_643, %get3A_644] {strides = array<i32>} : memref<968x64xf32, #tpu.memory_space<vmem>>, vector<16xf32>,
          %mul3A_646 = arith.mulf %get3A_645, %get3A_347 : vector<16xf32>
          %add3A_647 = arith.addf %mul3A_642, %mul3A_646 : vector<16xf32>
          %get3A_648 = arith.index_cast %add3A_638 : i32 to index
          %get3A_649 = arith.constant 32 : index
          %get3A_650 = tpu.vector_load %arg16[%get3A_648, %get3A_649] {strides = array<i32>} : memref<968x64xf32, #tpu.memory_space<vmem>>, vector<16xf32>,
          %mul3A_651 = arith.mulf %get3A_650, %get3A_350 : vector<16xf32>
          %get3A_652 = arith.index_cast %add3A_638 : i32 to index
          %get3A_653 = arith.constant 48 : index
          %get3A_654 = tpu.vector_load %arg16[%get3A_652, %get3A_653] {strides = array<i32>} : memref<968x64xf32, #tpu.memory_space<vmem>>, vector<16xf32>,
          %mul3A_655 = arith.mulf %get3A_654, %get3A_353 : vector<16xf32>
          %add3A_656 = arith.addf %mul3A_651, %mul3A_655 : vector<16xf32>
          %add3A_657 = arith.addf %add3A_647, %add3A_656 : vector<16xf32>
          %eq3A_658 = arith.constant 9 : i32
          %eq3A_659 = vector.broadcast %eq3A_658 : i32 to vector<16xi32>
          %eq3A_660 = arith.cmpi eq, %iota3A, %eq3A_659 : vector<16xi32>
          %reduce_sum3A_661 = arith.constant true
          %reduce_sum3A_662 = vector.broadcast %reduce_sum3A_661 : i1 to vector<16xi1>
          %reduce_sum3A_663 = tpu.scan <sum>, %add3A_657 masked %reduce_sum3A_662 : vector<16xf32>, vector<16xi1> -> vector<16xf32>
          %reduce_sum3A_664 = vector.extract %reduce_sum3A_663[15] : f32 from vector<16xf32>
          %broadcast_in_dim3A_665 = vector.broadcast %reduce_sum3A_664 : f32 to vector<16xf32>
          %select_n3A_666 = arith.select %eq3A_660, %broadcast_in_dim3A_665, %select_n3A_636 : vector<16xi1>, vector<16xf32>
          %add3A_667 = arith.constant 10 : i32
          %add3A_668 = arith.addi %add3A_368, %add3A_667 : i32
          %get3A_669 = arith.index_cast %add3A_668 : i32 to index
          %get3A_670 = arith.constant 0 : index
          %get3A_671 = tpu.vector_load %arg16[%get3A_669, %get3A_670] {strides = array<i32>} : memref<968x64xf32, #tpu.memory_space<vmem>>, vector<16xf32>,
          %mul3A_672 = arith.mulf %get3A_671, %get3A_344 : vector<16xf32>
          %get3A_673 = arith.index_cast %add3A_668 : i32 to index
          %get3A_674 = arith.constant 16 : index
          %get3A_675 = tpu.vector_load %arg16[%get3A_673, %get3A_674] {strides = array<i32>} : memref<968x64xf32, #tpu.memory_space<vmem>>, vector<16xf32>,
          %mul3A_676 = arith.mulf %get3A_675, %get3A_347 : vector<16xf32>
          %add3A_677 = arith.addf %mul3A_672, %mul3A_676 : vector<16xf32>
          %get3A_678 = arith.index_cast %add3A_668 : i32 to index
          %get3A_679 = arith.constant 32 : index
          %get3A_680 = tpu.vector_load %arg16[%get3A_678, %get3A_679] {strides = array<i32>} : memref<968x64xf32, #tpu.memory_space<vmem>>, vector<16xf32>,
          %mul3A_681 = arith.mulf %get3A_680, %get3A_350 : vector<16xf32>
          %get3A_682 = arith.index_cast %add3A_668 : i32 to index
          %get3A_683 = arith.constant 48 : index
          %get3A_684 = tpu.vector_load %arg16[%get3A_682, %get3A_683] {strides = array<i32>} : memref<968x64xf32, #tpu.memory_space<vmem>>, vector<16xf32>,
          %mul3A_685 = arith.mulf %get3A_684, %get3A_353 : vector<16xf32>
          %add3A_686 = arith.addf %mul3A_681, %mul3A_685 : vector<16xf32>
          %add3A_687 = arith.addf %add3A_677, %add3A_686 : vector<16xf32>
          %eq3A_688 = arith.constant 10 : i32
          %eq3A_689 = vector.broadcast %eq3A_688 : i32 to vector<16xi32>
          %eq3A_690 = arith.cmpi eq, %iota3A, %eq3A_689 : vector<16xi32>
          %reduce_sum3A_691 = arith.constant true
          %reduce_sum3A_692 = vector.broadcast %reduce_sum3A_691 : i1 to vector<16xi1>
          %reduce_sum3A_693 = tpu.scan <sum>, %add3A_687 masked %reduce_sum3A_692 : vector<16xf32>, vector<16xi1> -> vector<16xf32>
          %reduce_sum3A_694 = vector.extract %reduce_sum3A_693[15] : f32 from vector<16xf32>
          %broadcast_in_dim3A_695 = vector.broadcast %reduce_sum3A_694 : f32 to vector<16xf32>
          %select_n3A_696 = arith.select %eq3A_690, %broadcast_in_dim3A_695, %select_n3A_666 : vector<16xi1>, vector<16xf32>
          %add3A_697 = arith.constant 11 : i32
          %add3A_698 = arith.addi %add3A_368, %add3A_697 : i32
          %get3A_699 = arith.index_cast %add3A_698 : i32 to index
          %get3A_700 = arith.constant 0 : index
          %get3A_701 = tpu.vector_load %arg16[%get3A_699, %get3A_700] {strides = array<i32>} : memref<968x64xf32, #tpu.memory_space<vmem>>, vector<16xf32>,
          %mul3A_702 = arith.mulf %get3A_701, %get3A_344 : vector<16xf32>
          %get3A_703 = arith.index_cast %add3A_698 : i32 to index
          %get3A_704 = arith.constant 16 : index
          %get3A_705 = tpu.vector_load %arg16[%get3A_703, %get3A_704] {strides = array<i32>} : memref<968x64xf32, #tpu.memory_space<vmem>>, vector<16xf32>,
          %mul3A_706 = arith.mulf %get3A_705, %get3A_347 : vector<16xf32>
          %add3A_707 = arith.addf %mul3A_702, %mul3A_706 : vector<16xf32>
          %get3A_708 = arith.index_cast %add3A_698 : i32 to index
          %get3A_709 = arith.constant 32 : index
          %get3A_710 = tpu.vector_load %arg16[%get3A_708, %get3A_709] {strides = array<i32>} : memref<968x64xf32, #tpu.memory_space<vmem>>, vector<16xf32>,
          %mul3A_711 = arith.mulf %get3A_710, %get3A_350 : vector<16xf32>
          %get3A_712 = arith.index_cast %add3A_698 : i32 to index
          %get3A_713 = arith.constant 48 : index
          %get3A_714 = tpu.vector_load %arg16[%get3A_712, %get3A_713] {strides = array<i32>} : memref<968x64xf32, #tpu.memory_space<vmem>>, vector<16xf32>,
          %mul3A_715 = arith.mulf %get3A_714, %get3A_353 : vector<16xf32>
          %add3A_716 = arith.addf %mul3A_711, %mul3A_715 : vector<16xf32>
          %add3A_717 = arith.addf %add3A_707, %add3A_716 : vector<16xf32>
          %eq3A_718 = arith.constant 11 : i32
          %eq3A_719 = vector.broadcast %eq3A_718 : i32 to vector<16xi32>
          %eq3A_720 = arith.cmpi eq, %iota3A, %eq3A_719 : vector<16xi32>
          %reduce_sum3A_721 = arith.constant true
          %reduce_sum3A_722 = vector.broadcast %reduce_sum3A_721 : i1 to vector<16xi1>
          %reduce_sum3A_723 = tpu.scan <sum>, %add3A_717 masked %reduce_sum3A_722 : vector<16xf32>, vector<16xi1> -> vector<16xf32>
          %reduce_sum3A_724 = vector.extract %reduce_sum3A_723[15] : f32 from vector<16xf32>
          %broadcast_in_dim3A_725 = vector.broadcast %reduce_sum3A_724 : f32 to vector<16xf32>
          %select_n3A_726 = arith.select %eq3A_720, %broadcast_in_dim3A_725, %select_n3A_696 : vector<16xi1>, vector<16xf32>
          %add3A_727 = arith.constant 12 : i32
          %add3A_728 = arith.addi %add3A_368, %add3A_727 : i32
          %get3A_729 = arith.index_cast %add3A_728 : i32 to index
          %get3A_730 = arith.constant 0 : index
          %get3A_731 = tpu.vector_load %arg16[%get3A_729, %get3A_730] {strides = array<i32>} : memref<968x64xf32, #tpu.memory_space<vmem>>, vector<16xf32>,
          %mul3A_732 = arith.mulf %get3A_731, %get3A_344 : vector<16xf32>
          %get3A_733 = arith.index_cast %add3A_728 : i32 to index
          %get3A_734 = arith.constant 16 : index
          %get3A_735 = tpu.vector_load %arg16[%get3A_733, %get3A_734] {strides = array<i32>} : memref<968x64xf32, #tpu.memory_space<vmem>>, vector<16xf32>,
          %mul3A_736 = arith.mulf %get3A_735, %get3A_347 : vector<16xf32>
          %add3A_737 = arith.addf %mul3A_732, %mul3A_736 : vector<16xf32>
          %get3A_738 = arith.index_cast %add3A_728 : i32 to index
          %get3A_739 = arith.constant 32 : index
          %get3A_740 = tpu.vector_load %arg16[%get3A_738, %get3A_739] {strides = array<i32>} : memref<968x64xf32, #tpu.memory_space<vmem>>, vector<16xf32>,
          %mul3A_741 = arith.mulf %get3A_740, %get3A_350 : vector<16xf32>
          %get3A_742 = arith.index_cast %add3A_728 : i32 to index
          %get3A_743 = arith.constant 48 : index
          %get3A_744 = tpu.vector_load %arg16[%get3A_742, %get3A_743] {strides = array<i32>} : memref<968x64xf32, #tpu.memory_space<vmem>>, vector<16xf32>,
          %mul3A_745 = arith.mulf %get3A_744, %get3A_353 : vector<16xf32>
          %add3A_746 = arith.addf %mul3A_741, %mul3A_745 : vector<16xf32>
          %add3A_747 = arith.addf %add3A_737, %add3A_746 : vector<16xf32>
          %eq3A_748 = arith.constant 12 : i32
          %eq3A_749 = vector.broadcast %eq3A_748 : i32 to vector<16xi32>
          %eq3A_750 = arith.cmpi eq, %iota3A, %eq3A_749 : vector<16xi32>
          %reduce_sum3A_751 = arith.constant true
          %reduce_sum3A_752 = vector.broadcast %reduce_sum3A_751 : i1 to vector<16xi1>
          %reduce_sum3A_753 = tpu.scan <sum>, %add3A_747 masked %reduce_sum3A_752 : vector<16xf32>, vector<16xi1> -> vector<16xf32>
          %reduce_sum3A_754 = vector.extract %reduce_sum3A_753[15] : f32 from vector<16xf32>
          %broadcast_in_dim3A_755 = vector.broadcast %reduce_sum3A_754 : f32 to vector<16xf32>
          %select_n3A_756 = arith.select %eq3A_750, %broadcast_in_dim3A_755, %select_n3A_726 : vector<16xi1>, vector<16xf32>
          %add3A_757 = arith.constant 13 : i32
          %add3A_758 = arith.addi %add3A_368, %add3A_757 : i32
          %get3A_759 = arith.index_cast %add3A_758 : i32 to index
          %get3A_760 = arith.constant 0 : index
          %get3A_761 = tpu.vector_load %arg16[%get3A_759, %get3A_760] {strides = array<i32>} : memref<968x64xf32, #tpu.memory_space<vmem>>, vector<16xf32>,
          %mul3A_762 = arith.mulf %get3A_761, %get3A_344 : vector<16xf32>
          %get3A_763 = arith.index_cast %add3A_758 : i32 to index
          %get3A_764 = arith.constant 16 : index
          %get3A_765 = tpu.vector_load %arg16[%get3A_763, %get3A_764] {strides = array<i32>} : memref<968x64xf32, #tpu.memory_space<vmem>>, vector<16xf32>,
          %mul3A_766 = arith.mulf %get3A_765, %get3A_347 : vector<16xf32>
          %add3A_767 = arith.addf %mul3A_762, %mul3A_766 : vector<16xf32>
          %get3A_768 = arith.index_cast %add3A_758 : i32 to index
          %get3A_769 = arith.constant 32 : index
          %get3A_770 = tpu.vector_load %arg16[%get3A_768, %get3A_769] {strides = array<i32>} : memref<968x64xf32, #tpu.memory_space<vmem>>, vector<16xf32>,
          %mul3A_771 = arith.mulf %get3A_770, %get3A_350 : vector<16xf32>
          %get3A_772 = arith.index_cast %add3A_758 : i32 to index
          %get3A_773 = arith.constant 48 : index
          %get3A_774 = tpu.vector_load %arg16[%get3A_772, %get3A_773] {strides = array<i32>} : memref<968x64xf32, #tpu.memory_space<vmem>>, vector<16xf32>,
          %mul3A_775 = arith.mulf %get3A_774, %get3A_353 : vector<16xf32>
          %add3A_776 = arith.addf %mul3A_771, %mul3A_775 : vector<16xf32>
          %add3A_777 = arith.addf %add3A_767, %add3A_776 : vector<16xf32>
          %eq3A_778 = arith.constant 13 : i32
          %eq3A_779 = vector.broadcast %eq3A_778 : i32 to vector<16xi32>
          %eq3A_780 = arith.cmpi eq, %iota3A, %eq3A_779 : vector<16xi32>
          %reduce_sum3A_781 = arith.constant true
          %reduce_sum3A_782 = vector.broadcast %reduce_sum3A_781 : i1 to vector<16xi1>
          %reduce_sum3A_783 = tpu.scan <sum>, %add3A_777 masked %reduce_sum3A_782 : vector<16xf32>, vector<16xi1> -> vector<16xf32>
          %reduce_sum3A_784 = vector.extract %reduce_sum3A_783[15] : f32 from vector<16xf32>
          %broadcast_in_dim3A_785 = vector.broadcast %reduce_sum3A_784 : f32 to vector<16xf32>
          %select_n3A_786 = arith.select %eq3A_780, %broadcast_in_dim3A_785, %select_n3A_756 : vector<16xi1>, vector<16xf32>
          %add3A_787 = arith.constant 14 : i32
          %add3A_788 = arith.addi %add3A_368, %add3A_787 : i32
          %get3A_789 = arith.index_cast %add3A_788 : i32 to index
          %get3A_790 = arith.constant 0 : index
          %get3A_791 = tpu.vector_load %arg16[%get3A_789, %get3A_790] {strides = array<i32>} : memref<968x64xf32, #tpu.memory_space<vmem>>, vector<16xf32>,
          %mul3A_792 = arith.mulf %get3A_791, %get3A_344 : vector<16xf32>
          %get3A_793 = arith.index_cast %add3A_788 : i32 to index
          %get3A_794 = arith.constant 16 : index
          %get3A_795 = tpu.vector_load %arg16[%get3A_793, %get3A_794] {strides = array<i32>} : memref<968x64xf32, #tpu.memory_space<vmem>>, vector<16xf32>,
          %mul3A_796 = arith.mulf %get3A_795, %get3A_347 : vector<16xf32>
          %add3A_797 = arith.addf %mul3A_792, %mul3A_796 : vector<16xf32>
          %get3A_798 = arith.index_cast %add3A_788 : i32 to index
          %get3A_799 = arith.constant 32 : index
          %get3A_800 = tpu.vector_load %arg16[%get3A_798, %get3A_799] {strides = array<i32>} : memref<968x64xf32, #tpu.memory_space<vmem>>, vector<16xf32>,
          %mul3A_801 = arith.mulf %get3A_800, %get3A_350 : vector<16xf32>
          %get3A_802 = arith.index_cast %add3A_788 : i32 to index
          %get3A_803 = arith.constant 48 : index
          %get3A_804 = tpu.vector_load %arg16[%get3A_802, %get3A_803] {strides = array<i32>} : memref<968x64xf32, #tpu.memory_space<vmem>>, vector<16xf32>,
          %mul3A_805 = arith.mulf %get3A_804, %get3A_353 : vector<16xf32>
          %add3A_806 = arith.addf %mul3A_801, %mul3A_805 : vector<16xf32>
          %add3A_807 = arith.addf %add3A_797, %add3A_806 : vector<16xf32>
          %eq3A_808 = arith.constant 14 : i32
          %eq3A_809 = vector.broadcast %eq3A_808 : i32 to vector<16xi32>
          %eq3A_810 = arith.cmpi eq, %iota3A, %eq3A_809 : vector<16xi32>
          %reduce_sum3A_811 = arith.constant true
          %reduce_sum3A_812 = vector.broadcast %reduce_sum3A_811 : i1 to vector<16xi1>
          %reduce_sum3A_813 = tpu.scan <sum>, %add3A_807 masked %reduce_sum3A_812 : vector<16xf32>, vector<16xi1> -> vector<16xf32>
          %reduce_sum3A_814 = vector.extract %reduce_sum3A_813[15] : f32 from vector<16xf32>
          %broadcast_in_dim3A_815 = vector.broadcast %reduce_sum3A_814 : f32 to vector<16xf32>
          %select_n3A_816 = arith.select %eq3A_810, %broadcast_in_dim3A_815, %select_n3A_786 : vector<16xi1>, vector<16xf32>
          %add3A_817 = arith.constant 15 : i32
          %add3A_818 = arith.addi %add3A_368, %add3A_817 : i32
          %get3A_819 = arith.index_cast %add3A_818 : i32 to index
          %get3A_820 = arith.constant 0 : index
          %get3A_821 = tpu.vector_load %arg16[%get3A_819, %get3A_820] {strides = array<i32>} : memref<968x64xf32, #tpu.memory_space<vmem>>, vector<16xf32>,
          %mul3A_822 = arith.mulf %get3A_821, %get3A_344 : vector<16xf32>
          %get3A_823 = arith.index_cast %add3A_818 : i32 to index
          %get3A_824 = arith.constant 16 : index
          %get3A_825 = tpu.vector_load %arg16[%get3A_823, %get3A_824] {strides = array<i32>} : memref<968x64xf32, #tpu.memory_space<vmem>>, vector<16xf32>,
          %mul3A_826 = arith.mulf %get3A_825, %get3A_347 : vector<16xf32>
          %add3A_827 = arith.addf %mul3A_822, %mul3A_826 : vector<16xf32>
          %get3A_828 = arith.index_cast %add3A_818 : i32 to index
          %get3A_829 = arith.constant 32 : index
          %get3A_830 = tpu.vector_load %arg16[%get3A_828, %get3A_829] {strides = array<i32>} : memref<968x64xf32, #tpu.memory_space<vmem>>, vector<16xf32>,
          %mul3A_831 = arith.mulf %get3A_830, %get3A_350 : vector<16xf32>
          %get3A_832 = arith.index_cast %add3A_818 : i32 to index
          %get3A_833 = arith.constant 48 : index
          %get3A_834 = tpu.vector_load %arg16[%get3A_832, %get3A_833] {strides = array<i32>} : memref<968x64xf32, #tpu.memory_space<vmem>>, vector<16xf32>,
          %mul3A_835 = arith.mulf %get3A_834, %get3A_353 : vector<16xf32>
          %add3A_836 = arith.addf %mul3A_831, %mul3A_835 : vector<16xf32>
          %add3A_837 = arith.addf %add3A_827, %add3A_836 : vector<16xf32>
          %eq3A_838 = arith.constant 15 : i32
          %eq3A_839 = vector.broadcast %eq3A_838 : i32 to vector<16xi32>
          %eq3A_840 = arith.cmpi eq, %iota3A, %eq3A_839 : vector<16xi32>
          %reduce_sum3A_841 = arith.constant true
          %reduce_sum3A_842 = vector.broadcast %reduce_sum3A_841 : i1 to vector<16xi1>
          %reduce_sum3A_843 = tpu.scan <sum>, %add3A_837 masked %reduce_sum3A_842 : vector<16xf32>, vector<16xi1> -> vector<16xf32>
          %reduce_sum3A_844 = vector.extract %reduce_sum3A_843[15] : f32 from vector<16xf32>
          %broadcast_in_dim3A_845 = vector.broadcast %reduce_sum3A_844 : f32 to vector<16xf32>
          %select_n3A_846 = arith.select %eq3A_840, %broadcast_in_dim3A_845, %select_n3A_816 : vector<16xi1>, vector<16xf32>
          %mul3A_847 = arith.constant 16 : i32
          %mul3A_848 = arith.muli %scan3A_362, %mul3A_847 : i32
          %swap3A = arith.index_cast %scan3A_341 : i32 to index
          %swap3A_849 = arith.index_cast %mul3A_848 : i32 to index
          %swap3A_850 = tpu.vector_load %arg18[%swap3A, %swap3A_849] {strides = array<i32>} : memref<8x128xf32, #tpu.memory_space<vmem>>, vector<16xf32>,
          tpu.vector_store %arg18[%swap3A, %swap3A_849], %select_n3A_846 {strides = array<i32>} : memref<8x128xf32, #tpu.memory_space<vmem>>, vector<16xf32>,
          %scan3A_851 = arith.constant 0 : i32
          scf.yield %scan3A_851 : i32
        }
        %scan3A_360 = arith.constant 8 : i32
        %scan3A_361 = arith.constant 0 : i32
        scf.yield %scan3A_361 : i32
      }
      %scan3A_273 = arith.constant 8 : i32
      %mul3A_274 = arith.constant 512 : i32
      %mul3A_275 = arith.muli %add3A, %mul3A_274 : i32
      %mul3A_276 = arith.constant 8 : i32
      %mul3A_277 = arith.muli %add3A_233, %mul3A_276 : i32
      %add3A_278 = arith.addi %mul3A_275, %mul3A_277 : i32
      %dma_start3A_279 = arith.constant 0 : i32
      %dma_start3A_280 = tpu.memref_slice %arg7[%add3A_278, %dma_start3A_279] : memref<16384x128xf32, #tpu.memory_space<hbm>> -> memref<8x128xf32, #tpu.memory_space<hbm>>
      %dma_start3A_281 = arith.constant 0 : i32
      %dma_start3A_282 = tpu.memref_slice %arg7[%add3A_278, %dma_start3A_281] : memref<16384x128xf32, #tpu.memory_space<hbm>> -> memref<8x128xf32, #tpu.memory_space<hbm>>
      tpu.enqueue_dma source(%arg18 : memref<8x128xf32, #tpu.memory_space<vmem>>) target(%dma_start3A_282 : memref<8x128xf32, #tpu.memory_space<hbm>>) target_semaphore(%arg22 : memref<!tpu.dma_semaphore, #tpu.memory_space<semaphore_mem>>)
      %mul3A_283 = arith.constant 2 : i32
      %mul3A_284 = arith.muli %mul3A_283, %scan3A_228 : i32
      %add3A_285 = arith.constant 1 : i32
      %add3A_286 = arith.addi %mul3A_284, %add3A_285 : i32
      %add3A_287 = arith.constant 1 : i32
      %add3A_288 = arith.addi %add3A_286, %add3A_287 : i32
      %lt3A_289 = arith.constant 64 : i32
      %lt3A_290 = arith.cmpi slt, %add3A_288, %lt3A_289 : i32
      %convert_element_type3A_291 = arith.extui %lt3A_290 : i1 to i32
      %cond3A_292 = arith.constant 0 : i32
      %cond3A_293 = arith.cmpi ne, %convert_element_type3A_291, %cond3A_292 : i32
      scf.if %cond3A_293 {
        %dma_wait3A_341 = arith.constant 0 : i32
        %dma_wait3A_342 = tpu.memref_slice %arg2[%dma_wait3A_341] : memref<16384xi32, #tpu.memory_space<hbm>> -> memref<8xi32, #tpu.memory_space<hbm>>
        %dma_wait3A_343 = arith.constant 0 : i32
        %dma_wait3A_344 = tpu.memref_slice %arg2[%dma_wait3A_343] : memref<16384xi32, #tpu.memory_space<hbm>> -> memref<8xi32, #tpu.memory_space<hbm>>
        tpu.wait_dma2 semaphore(%arg24 : memref<!tpu.dma_semaphore, #tpu.memory_space<semaphore_mem>>) src(%dma_wait3A_344 : memref<8xi32, #tpu.memory_space<hbm>>) dst(%arg8 : memref<8xi32, #tpu.memory_space<vmem>>)
        %dma_wait3A_345 = arith.constant 0 : i32
        %dma_wait3A_346 = arith.constant 0 : i32
        %dma_wait3A_347 = tpu.memref_slice %arg3[%dma_wait3A_345, %dma_wait3A_346] : memref<16384x20xi32, #tpu.memory_space<hbm>> -> memref<8x20xi32, #tpu.memory_space<hbm>>
        %dma_wait3A_348 = arith.constant 0 : i32
        %dma_wait3A_349 = arith.constant 0 : i32
        %dma_wait3A_350 = tpu.memref_slice %arg3[%dma_wait3A_348, %dma_wait3A_349] : memref<16384x20xi32, #tpu.memory_space<hbm>> -> memref<8x20xi32, #tpu.memory_space<hbm>>
        tpu.wait_dma2 semaphore(%arg24 : memref<!tpu.dma_semaphore, #tpu.memory_space<semaphore_mem>>) src(%dma_wait3A_350 : memref<8x20xi32, #tpu.memory_space<hbm>>) dst(%arg10 : memref<8x20xi32, #tpu.memory_space<vmem>>)
        %dma_wait3A_351 = arith.constant 0 : i32
        %dma_wait3A_352 = arith.constant 0 : i32
        %dma_wait3A_353 = tpu.memref_slice %arg4[%dma_wait3A_351, %dma_wait3A_352] : memref<16384x100xi32, #tpu.memory_space<hbm>> -> memref<8x100xi32, #tpu.memory_space<hbm>>
        %dma_wait3A_354 = arith.constant 0 : i32
        %dma_wait3A_355 = arith.constant 0 : i32
        %dma_wait3A_356 = tpu.memref_slice %arg4[%dma_wait3A_354, %dma_wait3A_355] : memref<16384x100xi32, #tpu.memory_space<hbm>> -> memref<8x100xi32, #tpu.memory_space<hbm>>
        tpu.wait_dma2 semaphore(%arg24 : memref<!tpu.dma_semaphore, #tpu.memory_space<semaphore_mem>>) src(%dma_wait3A_356 : memref<8x100xi32, #tpu.memory_space<hbm>>) dst(%arg12 : memref<8x100xi32, #tpu.memory_space<vmem>>)
        %dma_start3A_357 = arith.constant 0 : i32
        %dma_start3A_358 = arith.constant 0 : i32
        %dma_start3A_359 = tpu.memref_slice %arg5[%dma_start3A_357, %dma_start3A_358] : memref<1000000x64xf32, #tpu.memory_space<hbm>> -> memref<1000000x64xf32, #tpu.memory_space<hbm>>
        tpu.enqueue_indirect_dma source(%dma_start3A_359 : memref<1000000x64xf32, #tpu.memory_space<hbm>>) target(%arg14 : memref<8x64xf32, #tpu.memory_space<vmem>>) offsets(%arg8 : memref<8xi32, #tpu.memory_space<vmem>>) semaphore(%arg20 : memref<!tpu.dma_semaphore, #tpu.memory_space<semaphore_mem>>)
        %dma_start3A_360 = arith.constant 0 : i32
        %dma_start3A_361 = arith.constant 0 : i32
        %dma_start3A_362 = arith.constant 0 : i32
        %dma_start3A_363 = tpu.memref_slice %arg16[%dma_start3A_361, %dma_start3A_362] : memref<968x64xf32, #tpu.memory_space<vmem>> -> memref<20x64xf32, #tpu.memory_space<vmem>>
        %dma_start3A_364 = arith.constant 0 : i32
        %dma_start3A_365 = tpu.memref_slice %arg10[%dma_start3A_360, %dma_start3A_364] : memref<8x20xi32, #tpu.memory_space<vmem>> -> memref<1x20xi32, #tpu.memory_space<vmem>>
        %dma_start3A_366 = tpu.memref_squeeze %dma_start3A_365 : memref<1x20xi32, #tpu.memory_space<vmem>> -> memref<20xi32, #tpu.memory_space<vmem>>
        %dma_start3A_367 = arith.constant 0 : i32
        %dma_start3A_368 = arith.constant 0 : i32
        %dma_start3A_369 = tpu.memref_slice %arg6[%dma_start3A_367, %dma_start3A_368] : memref<1000000x64xf32, #tpu.memory_space<hbm>> -> memref<1000000x64xf32, #tpu.memory_space<hbm>>
        tpu.enqueue_indirect_dma source(%dma_start3A_369 : memref<1000000x64xf32, #tpu.memory_space<hbm>>) target(%dma_start3A_363 : memref<20x64xf32, #tpu.memory_space<vmem>>) offsets(%dma_start3A_366 : memref<20xi32, #tpu.memory_space<vmem>>) semaphore(%arg20 : memref<!tpu.dma_semaphore, #tpu.memory_space<semaphore_mem>>)
        %dma_start3A_370 = arith.constant 0 : i32
        %dma_start3A_371 = arith.constant 20 : i32
        %dma_start3A_372 = arith.constant 0 : i32
        %dma_start3A_373 = tpu.memref_slice %arg16[%dma_start3A_371, %dma_start3A_372] : memref<968x64xf32, #tpu.memory_space<vmem>> -> memref<100x64xf32, #tpu.memory_space<vmem>>
        %dma_start3A_374 = arith.constant 0 : i32
        %dma_start3A_375 = tpu.memref_slice %arg12[%dma_start3A_370, %dma_start3A_374] : memref<8x100xi32, #tpu.memory_space<vmem>> -> memref<1x100xi32, #tpu.memory_space<vmem>>
        %dma_start3A_376 = tpu.memref_squeeze %dma_start3A_375 : memref<1x100xi32, #tpu.memory_space<vmem>> -> memref<100xi32, #tpu.memory_space<vmem>>
        %dma_start3A_377 = arith.constant 0 : i32
        %dma_start3A_378 = arith.constant 0 : i32
        %dma_start3A_379 = tpu.memref_slice %arg6[%dma_start3A_377, %dma_start3A_378] : memref<1000000x64xf32, #tpu.memory_space<hbm>> -> memref<1000000x64xf32, #tpu.memory_space<hbm>>
        tpu.enqueue_indirect_dma source(%dma_start3A_379 : memref<1000000x64xf32, #tpu.memory_space<hbm>>) target(%dma_start3A_373 : memref<100x64xf32, #tpu.memory_space<vmem>>) offsets(%dma_start3A_376 : memref<100xi32, #tpu.memory_space<vmem>>) semaphore(%arg20 : memref<!tpu.dma_semaphore, #tpu.memory_space<semaphore_mem>>)
        %dma_start3A_380 = arith.constant 1 : i32
        %dma_start3A_381 = arith.constant 120 : i32
        %dma_start3A_382 = arith.constant 0 : i32
        %dma_start3A_383 = tpu.memref_slice %arg16[%dma_start3A_381, %dma_start3A_382] : memref<968x64xf32, #tpu.memory_space<vmem>> -> memref<20x64xf32, #tpu.memory_space<vmem>>
        %dma_start3A_384 = arith.constant 0 : i32
        %dma_start3A_385 = tpu.memref_slice %arg10[%dma_start3A_380, %dma_start3A_384] : memref<8x20xi32, #tpu.memory_space<vmem>> -> memref<1x20xi32, #tpu.memory_space<vmem>>
        %dma_start3A_386 = tpu.memref_squeeze %dma_start3A_385 : memref<1x20xi32, #tpu.memory_space<vmem>> -> memref<20xi32, #tpu.memory_space<vmem>>
        %dma_start3A_387 = arith.constant 0 : i32
        %dma_start3A_388 = arith.constant 0 : i32
        %dma_start3A_389 = tpu.memref_slice %arg6[%dma_start3A_387, %dma_start3A_388] : memref<1000000x64xf32, #tpu.memory_space<hbm>> -> memref<1000000x64xf32, #tpu.memory_space<hbm>>
        tpu.enqueue_indirect_dma source(%dma_start3A_389 : memref<1000000x64xf32, #tpu.memory_space<hbm>>) target(%dma_start3A_383 : memref<20x64xf32, #tpu.memory_space<vmem>>) offsets(%dma_start3A_386 : memref<20xi32, #tpu.memory_space<vmem>>) semaphore(%arg20 : memref<!tpu.dma_semaphore, #tpu.memory_space<semaphore_mem>>)
        %dma_start3A_390 = arith.constant 1 : i32
        %dma_start3A_391 = arith.constant 140 : i32
        %dma_start3A_392 = arith.constant 0 : i32
        %dma_start3A_393 = tpu.memref_slice %arg16[%dma_start3A_391, %dma_start3A_392] : memref<968x64xf32, #tpu.memory_space<vmem>> -> memref<100x64xf32, #tpu.memory_space<vmem>>
        %dma_start3A_394 = arith.constant 0 : i32
        %dma_start3A_395 = tpu.memref_slice %arg12[%dma_start3A_390, %dma_start3A_394] : memref<8x100xi32, #tpu.memory_space<vmem>> -> memref<1x100xi32, #tpu.memory_space<vmem>>
        %dma_start3A_396 = tpu.memref_squeeze %dma_start3A_395 : memref<1x100xi32, #tpu.memory_space<vmem>> -> memref<100xi32, #tpu.memory_space<vmem>>
        %dma_start3A_397 = arith.constant 0 : i32
        %dma_start3A_398 = arith.constant 0 : i32
        %dma_start3A_399 = tpu.memref_slice %arg6[%dma_start3A_397, %dma_start3A_398] : memref<1000000x64xf32, #tpu.memory_space<hbm>> -> memref<1000000x64xf32, #tpu.memory_space<hbm>>
        tpu.enqueue_indirect_dma source(%dma_start3A_399 : memref<1000000x64xf32, #tpu.memory_space<hbm>>) target(%dma_start3A_393 : memref<100x64xf32, #tpu.memory_space<vmem>>) offsets(%dma_start3A_396 : memref<100xi32, #tpu.memory_space<vmem>>) semaphore(%arg20 : memref<!tpu.dma_semaphore, #tpu.memory_space<semaphore_mem>>)
        %dma_start3A_400 = arith.constant 2 : i32
        %dma_start3A_401 = arith.constant 240 : i32
        %dma_start3A_402 = arith.constant 0 : i32
        %dma_start3A_403 = tpu.memref_slice %arg16[%dma_start3A_401, %dma_start3A_402] : memref<968x64xf32, #tpu.memory_space<vmem>> -> memref<20x64xf32, #tpu.memory_space<vmem>>
        %dma_start3A_404 = arith.constant 0 : i32
        %dma_start3A_405 = tpu.memref_slice %arg10[%dma_start3A_400, %dma_start3A_404] : memref<8x20xi32, #tpu.memory_space<vmem>> -> memref<1x20xi32, #tpu.memory_space<vmem>>
        %dma_start3A_406 = tpu.memref_squeeze %dma_start3A_405 : memref<1x20xi32, #tpu.memory_space<vmem>> -> memref<20xi32, #tpu.memory_space<vmem>>
        %dma_start3A_407 = arith.constant 0 : i32
        %dma_start3A_408 = arith.constant 0 : i32
        %dma_start3A_409 = tpu.memref_slice %arg6[%dma_start3A_407, %dma_start3A_408] : memref<1000000x64xf32, #tpu.memory_space<hbm>> -> memref<1000000x64xf32, #tpu.memory_space<hbm>>
        tpu.enqueue_indirect_dma source(%dma_start3A_409 : memref<1000000x64xf32, #tpu.memory_space<hbm>>) target(%dma_start3A_403 : memref<20x64xf32, #tpu.memory_space<vmem>>) offsets(%dma_start3A_406 : memref<20xi32, #tpu.memory_space<vmem>>) semaphore(%arg20 : memref<!tpu.dma_semaphore, #tpu.memory_space<semaphore_mem>>)
        %dma_start3A_410 = arith.constant 2 : i32
        %dma_start3A_411 = arith.constant 260 : i32
        %dma_start3A_412 = arith.constant 0 : i32
        %dma_start3A_413 = tpu.memref_slice %arg16[%dma_start3A_411, %dma_start3A_412] : memref<968x64xf32, #tpu.memory_space<vmem>> -> memref<100x64xf32, #tpu.memory_space<vmem>>
        %dma_start3A_414 = arith.constant 0 : i32
        %dma_start3A_415 = tpu.memref_slice %arg12[%dma_start3A_410, %dma_start3A_414] : memref<8x100xi32, #tpu.memory_space<vmem>> -> memref<1x100xi32, #tpu.memory_space<vmem>>
        %dma_start3A_416 = tpu.memref_squeeze %dma_start3A_415 : memref<1x100xi32, #tpu.memory_space<vmem>> -> memref<100xi32, #tpu.memory_space<vmem>>
        %dma_start3A_417 = arith.constant 0 : i32
        %dma_start3A_418 = arith.constant 0 : i32
        %dma_start3A_419 = tpu.memref_slice %arg6[%dma_start3A_417, %dma_start3A_418] : memref<1000000x64xf32, #tpu.memory_space<hbm>> -> memref<1000000x64xf32, #tpu.memory_space<hbm>>
        tpu.enqueue_indirect_dma source(%dma_start3A_419 : memref<1000000x64xf32, #tpu.memory_space<hbm>>) target(%dma_start3A_413 : memref<100x64xf32, #tpu.memory_space<vmem>>) offsets(%dma_start3A_416 : memref<100xi32, #tpu.memory_space<vmem>>) semaphore(%arg20 : memref<!tpu.dma_semaphore, #tpu.memory_space<semaphore_mem>>)
        %dma_start3A_420 = arith.constant 3 : i32
        %dma_start3A_421 = arith.constant 360 : i32
        %dma_start3A_422 = arith.constant 0 : i32
        %dma_start3A_423 = tpu.memref_slice %arg16[%dma_start3A_421, %dma_start3A_422] : memref<968x64xf32, #tpu.memory_space<vmem>> -> memref<20x64xf32, #tpu.memory_space<vmem>>
        %dma_start3A_424 = arith.constant 0 : i32
        %dma_start3A_425 = tpu.memref_slice %arg10[%dma_start3A_420, %dma_start3A_424] : memref<8x20xi32, #tpu.memory_space<vmem>> -> memref<1x20xi32, #tpu.memory_space<vmem>>
        %dma_start3A_426 = tpu.memref_squeeze %dma_start3A_425 : memref<1x20xi32, #tpu.memory_space<vmem>> -> memref<20xi32, #tpu.memory_space<vmem>>
        %dma_start3A_427 = arith.constant 0 : i32
        %dma_start3A_428 = arith.constant 0 : i32
        %dma_start3A_429 = tpu.memref_slice %arg6[%dma_start3A_427, %dma_start3A_428] : memref<1000000x64xf32, #tpu.memory_space<hbm>> -> memref<1000000x64xf32, #tpu.memory_space<hbm>>
        tpu.enqueue_indirect_dma source(%dma_start3A_429 : memref<1000000x64xf32, #tpu.memory_space<hbm>>) target(%dma_start3A_423 : memref<20x64xf32, #tpu.memory_space<vmem>>) offsets(%dma_start3A_426 : memref<20xi32, #tpu.memory_space<vmem>>) semaphore(%arg20 : memref<!tpu.dma_semaphore, #tpu.memory_space<semaphore_mem>>)
        %dma_start3A_430 = arith.constant 3 : i32
        %dma_start3A_431 = arith.constant 380 : i32
        %dma_start3A_432 = arith.constant 0 : i32
        %dma_start3A_433 = tpu.memref_slice %arg16[%dma_start3A_431, %dma_start3A_432] : memref<968x64xf32, #tpu.memory_space<vmem>> -> memref<100x64xf32, #tpu.memory_space<vmem>>
        %dma_start3A_434 = arith.constant 0 : i32
        %dma_start3A_435 = tpu.memref_slice %arg12[%dma_start3A_430, %dma_start3A_434] : memref<8x100xi32, #tpu.memory_space<vmem>> -> memref<1x100xi32, #tpu.memory_space<vmem>>
        %dma_start3A_436 = tpu.memref_squeeze %dma_start3A_435 : memref<1x100xi32, #tpu.memory_space<vmem>> -> memref<100xi32, #tpu.memory_space<vmem>>
        %dma_start3A_437 = arith.constant 0 : i32
        %dma_start3A_438 = arith.constant 0 : i32
        %dma_start3A_439 = tpu.memref_slice %arg6[%dma_start3A_437, %dma_start3A_438] : memref<1000000x64xf32, #tpu.memory_space<hbm>> -> memref<1000000x64xf32, #tpu.memory_space<hbm>>
        tpu.enqueue_indirect_dma source(%dma_start3A_439 : memref<1000000x64xf32, #tpu.memory_space<hbm>>) target(%dma_start3A_433 : memref<100x64xf32, #tpu.memory_space<vmem>>) offsets(%dma_start3A_436 : memref<100xi32, #tpu.memory_space<vmem>>) semaphore(%arg20 : memref<!tpu.dma_semaphore, #tpu.memory_space<semaphore_mem>>)
        %dma_start3A_440 = arith.constant 4 : i32
        %dma_start3A_441 = arith.constant 480 : i32
        %dma_start3A_442 = arith.constant 0 : i32
        %dma_start3A_443 = tpu.memref_slice %arg16[%dma_start3A_441, %dma_start3A_442] : memref<968x64xf32, #tpu.memory_space<vmem>> -> memref<20x64xf32, #tpu.memory_space<vmem>>
        %dma_start3A_444 = arith.constant 0 : i32
        %dma_start3A_445 = tpu.memref_slice %arg10[%dma_start3A_440, %dma_start3A_444] : memref<8x20xi32, #tpu.memory_space<vmem>> -> memref<1x20xi32, #tpu.memory_space<vmem>>
        %dma_start3A_446 = tpu.memref_squeeze %dma_start3A_445 : memref<1x20xi32, #tpu.memory_space<vmem>> -> memref<20xi32, #tpu.memory_space<vmem>>
        %dma_start3A_447 = arith.constant 0 : i32
        %dma_start3A_448 = arith.constant 0 : i32
        %dma_start3A_449 = tpu.memref_slice %arg6[%dma_start3A_447, %dma_start3A_448] : memref<1000000x64xf32, #tpu.memory_space<hbm>> -> memref<1000000x64xf32, #tpu.memory_space<hbm>>
        tpu.enqueue_indirect_dma source(%dma_start3A_449 : memref<1000000x64xf32, #tpu.memory_space<hbm>>) target(%dma_start3A_443 : memref<20x64xf32, #tpu.memory_space<vmem>>) offsets(%dma_start3A_446 : memref<20xi32, #tpu.memory_space<vmem>>) semaphore(%arg20 : memref<!tpu.dma_semaphore, #tpu.memory_space<semaphore_mem>>)
        %dma_start3A_450 = arith.constant 4 : i32
        %dma_start3A_451 = arith.constant 500 : i32
        %dma_start3A_452 = arith.constant 0 : i32
        %dma_start3A_453 = tpu.memref_slice %arg16[%dma_start3A_451, %dma_start3A_452] : memref<968x64xf32, #tpu.memory_space<vmem>> -> memref<100x64xf32, #tpu.memory_space<vmem>>
        %dma_start3A_454 = arith.constant 0 : i32
        %dma_start3A_455 = tpu.memref_slice %arg12[%dma_start3A_450, %dma_start3A_454] : memref<8x100xi32, #tpu.memory_space<vmem>> -> memref<1x100xi32, #tpu.memory_space<vmem>>
        %dma_start3A_456 = tpu.memref_squeeze %dma_start3A_455 : memref<1x100xi32, #tpu.memory_space<vmem>> -> memref<100xi32, #tpu.memory_space<vmem>>
        %dma_start3A_457 = arith.constant 0 : i32
        %dma_start3A_458 = arith.constant 0 : i32
        %dma_start3A_459 = tpu.memref_slice %arg6[%dma_start3A_457, %dma_start3A_458] : memref<1000000x64xf32, #tpu.memory_space<hbm>> -> memref<1000000x64xf32, #tpu.memory_space<hbm>>
        tpu.enqueue_indirect_dma source(%dma_start3A_459 : memref<1000000x64xf32, #tpu.memory_space<hbm>>) target(%dma_start3A_453 : memref<100x64xf32, #tpu.memory_space<vmem>>) offsets(%dma_start3A_456 : memref<100xi32, #tpu.memory_space<vmem>>) semaphore(%arg20 : memref<!tpu.dma_semaphore, #tpu.memory_space<semaphore_mem>>)
        %dma_start3A_460 = arith.constant 5 : i32
        %dma_start3A_461 = arith.constant 600 : i32
        %dma_start3A_462 = arith.constant 0 : i32
        %dma_start3A_463 = tpu.memref_slice %arg16[%dma_start3A_461, %dma_start3A_462] : memref<968x64xf32, #tpu.memory_space<vmem>> -> memref<20x64xf32, #tpu.memory_space<vmem>>
        %dma_start3A_464 = arith.constant 0 : i32
        %dma_start3A_465 = tpu.memref_slice %arg10[%dma_start3A_460, %dma_start3A_464] : memref<8x20xi32, #tpu.memory_space<vmem>> -> memref<1x20xi32, #tpu.memory_space<vmem>>
        %dma_start3A_466 = tpu.memref_squeeze %dma_start3A_465 : memref<1x20xi32, #tpu.memory_space<vmem>> -> memref<20xi32, #tpu.memory_space<vmem>>
        %dma_start3A_467 = arith.constant 0 : i32
        %dma_start3A_468 = arith.constant 0 : i32
        %dma_start3A_469 = tpu.memref_slice %arg6[%dma_start3A_467, %dma_start3A_468] : memref<1000000x64xf32, #tpu.memory_space<hbm>> -> memref<1000000x64xf32, #tpu.memory_space<hbm>>
        tpu.enqueue_indirect_dma source(%dma_start3A_469 : memref<1000000x64xf32, #tpu.memory_space<hbm>>) target(%dma_start3A_463 : memref<20x64xf32, #tpu.memory_space<vmem>>) offsets(%dma_start3A_466 : memref<20xi32, #tpu.memory_space<vmem>>) semaphore(%arg20 : memref<!tpu.dma_semaphore, #tpu.memory_space<semaphore_mem>>)
        %dma_start3A_470 = arith.constant 5 : i32
        %dma_start3A_471 = arith.constant 620 : i32
        %dma_start3A_472 = arith.constant 0 : i32
        %dma_start3A_473 = tpu.memref_slice %arg16[%dma_start3A_471, %dma_start3A_472] : memref<968x64xf32, #tpu.memory_space<vmem>> -> memref<100x64xf32, #tpu.memory_space<vmem>>
        %dma_start3A_474 = arith.constant 0 : i32
        %dma_start3A_475 = tpu.memref_slice %arg12[%dma_start3A_470, %dma_start3A_474] : memref<8x100xi32, #tpu.memory_space<vmem>> -> memref<1x100xi32, #tpu.memory_space<vmem>>
        %dma_start3A_476 = tpu.memref_squeeze %dma_start3A_475 : memref<1x100xi32, #tpu.memory_space<vmem>> -> memref<100xi32, #tpu.memory_space<vmem>>
        %dma_start3A_477 = arith.constant 0 : i32
        %dma_start3A_478 = arith.constant 0 : i32
        %dma_start3A_479 = tpu.memref_slice %arg6[%dma_start3A_477, %dma_start3A_478] : memref<1000000x64xf32, #tpu.memory_space<hbm>> -> memref<1000000x64xf32, #tpu.memory_space<hbm>>
        tpu.enqueue_indirect_dma source(%dma_start3A_479 : memref<1000000x64xf32, #tpu.memory_space<hbm>>) target(%dma_start3A_473 : memref<100x64xf32, #tpu.memory_space<vmem>>) offsets(%dma_start3A_476 : memref<100xi32, #tpu.memory_space<vmem>>) semaphore(%arg20 : memref<!tpu.dma_semaphore, #tpu.memory_space<semaphore_mem>>)
        %dma_start3A_480 = arith.constant 6 : i32
        %dma_start3A_481 = arith.constant 720 : i32
        %dma_start3A_482 = arith.constant 0 : i32
        %dma_start3A_483 = tpu.memref_slice %arg16[%dma_start3A_481, %dma_start3A_482] : memref<968x64xf32, #tpu.memory_space<vmem>> -> memref<20x64xf32, #tpu.memory_space<vmem>>
        %dma_start3A_484 = arith.constant 0 : i32
        %dma_start3A_485 = tpu.memref_slice %arg10[%dma_start3A_480, %dma_start3A_484] : memref<8x20xi32, #tpu.memory_space<vmem>> -> memref<1x20xi32, #tpu.memory_space<vmem>>
        %dma_start3A_486 = tpu.memref_squeeze %dma_start3A_485 : memref<1x20xi32, #tpu.memory_space<vmem>> -> memref<20xi32, #tpu.memory_space<vmem>>
        %dma_start3A_487 = arith.constant 0 : i32
        %dma_start3A_488 = arith.constant 0 : i32
        %dma_start3A_489 = tpu.memref_slice %arg6[%dma_start3A_487, %dma_start3A_488] : memref<1000000x64xf32, #tpu.memory_space<hbm>> -> memref<1000000x64xf32, #tpu.memory_space<hbm>>
        tpu.enqueue_indirect_dma source(%dma_start3A_489 : memref<1000000x64xf32, #tpu.memory_space<hbm>>) target(%dma_start3A_483 : memref<20x64xf32, #tpu.memory_space<vmem>>) offsets(%dma_start3A_486 : memref<20xi32, #tpu.memory_space<vmem>>) semaphore(%arg20 : memref<!tpu.dma_semaphore, #tpu.memory_space<semaphore_mem>>)
        %dma_start3A_490 = arith.constant 6 : i32
        %dma_start3A_491 = arith.constant 740 : i32
        %dma_start3A_492 = arith.constant 0 : i32
        %dma_start3A_493 = tpu.memref_slice %arg16[%dma_start3A_491, %dma_start3A_492] : memref<968x64xf32, #tpu.memory_space<vmem>> -> memref<100x64xf32, #tpu.memory_space<vmem>>
        %dma_start3A_494 = arith.constant 0 : i32
        %dma_start3A_495 = tpu.memref_slice %arg12[%dma_start3A_490, %dma_start3A_494] : memref<8x100xi32, #tpu.memory_space<vmem>> -> memref<1x100xi32, #tpu.memory_space<vmem>>
        %dma_start3A_496 = tpu.memref_squeeze %dma_start3A_495 : memref<1x100xi32, #tpu.memory_space<vmem>> -> memref<100xi32, #tpu.memory_space<vmem>>
        %dma_start3A_497 = arith.constant 0 : i32
        %dma_start3A_498 = arith.constant 0 : i32
        %dma_start3A_499 = tpu.memref_slice %arg6[%dma_start3A_497, %dma_start3A_498] : memref<1000000x64xf32, #tpu.memory_space<hbm>> -> memref<1000000x64xf32, #tpu.memory_space<hbm>>
        tpu.enqueue_indirect_dma source(%dma_start3A_499 : memref<1000000x64xf32, #tpu.memory_space<hbm>>) target(%dma_start3A_493 : memref<100x64xf32, #tpu.memory_space<vmem>>) offsets(%dma_start3A_496 : memref<100xi32, #tpu.memory_space<vmem>>) semaphore(%arg20 : memref<!tpu.dma_semaphore, #tpu.memory_space<semaphore_mem>>)
        %dma_start3A_500 = arith.constant 7 : i32
        %dma_start3A_501 = arith.constant 840 : i32
        %dma_start3A_502 = arith.constant 0 : i32
        %dma_start3A_503 = tpu.memref_slice %arg16[%dma_start3A_501, %dma_start3A_502] : memref<968x64xf32, #tpu.memory_space<vmem>> -> memref<20x64xf32, #tpu.memory_space<vmem>>
        %dma_start3A_504 = arith.constant 0 : i32
        %dma_start3A_505 = tpu.memref_slice %arg10[%dma_start3A_500, %dma_start3A_504] : memref<8x20xi32, #tpu.memory_space<vmem>> -> memref<1x20xi32, #tpu.memory_space<vmem>>
        %dma_start3A_506 = tpu.memref_squeeze %dma_start3A_505 : memref<1x20xi32, #tpu.memory_space<vmem>> -> memref<20xi32, #tpu.memory_space<vmem>>
        %dma_start3A_507 = arith.constant 0 : i32
        %dma_start3A_508 = arith.constant 0 : i32
        %dma_start3A_509 = tpu.memref_slice %arg6[%dma_start3A_507, %dma_start3A_508] : memref<1000000x64xf32, #tpu.memory_space<hbm>> -> memref<1000000x64xf32, #tpu.memory_space<hbm>>
        tpu.enqueue_indirect_dma source(%dma_start3A_509 : memref<1000000x64xf32, #tpu.memory_space<hbm>>) target(%dma_start3A_503 : memref<20x64xf32, #tpu.memory_space<vmem>>) offsets(%dma_start3A_506 : memref<20xi32, #tpu.memory_space<vmem>>) semaphore(%arg20 : memref<!tpu.dma_semaphore, #tpu.memory_space<semaphore_mem>>)
        %dma_start3A_510 = arith.constant 7 : i32
        %dma_start3A_511 = arith.constant 860 : i32
        %dma_start3A_512 = arith.constant 0 : i32
        %dma_start3A_513 = tpu.memref_slice %arg16[%dma_start3A_511, %dma_start3A_512] : memref<968x64xf32, #tpu.memory_space<vmem>> -> memref<100x64xf32, #tpu.memory_space<vmem>>
        %dma_start3A_514 = arith.constant 0 : i32
        %dma_start3A_515 = tpu.memref_slice %arg12[%dma_start3A_510, %dma_start3A_514] : memref<8x100xi32, #tpu.memory_space<vmem>> -> memref<1x100xi32, #tpu.memory_space<vmem>>
        %dma_start3A_516 = tpu.memref_squeeze %dma_start3A_515 : memref<1x100xi32, #tpu.memory_space<vmem>> -> memref<100xi32, #tpu.memory_space<vmem>>
        %dma_start3A_517 = arith.constant 0 : i32
        %dma_start3A_518 = arith.constant 0 : i32
        %dma_start3A_519 = tpu.memref_slice %arg6[%dma_start3A_517, %dma_start3A_518] : memref<1000000x64xf32, #tpu.memory_space<hbm>> -> memref<1000000x64xf32, #tpu.memory_space<hbm>>
        tpu.enqueue_indirect_dma source(%dma_start3A_519 : memref<1000000x64xf32, #tpu.memory_space<hbm>>) target(%dma_start3A_513 : memref<100x64xf32, #tpu.memory_space<vmem>>) offsets(%dma_start3A_516 : memref<100xi32, #tpu.memory_space<vmem>>) semaphore(%arg20 : memref<!tpu.dma_semaphore, #tpu.memory_space<semaphore_mem>>)
      } else {
      }
      %dma_wait3A_294 = arith.constant 0 : i32
      %dma_wait3A_295 = arith.constant 0 : i32
      %dma_wait3A_296 = tpu.memref_slice %arg5[%dma_wait3A_294, %dma_wait3A_295] : memref<1000000x64xf32, #tpu.memory_space<hbm>> -> memref<8x64xf32, #tpu.memory_space<hbm>>
      %dma_wait3A_297 = arith.constant 0 : i32
      %dma_wait3A_298 = arith.constant 0 : i32
      %dma_wait3A_299 = tpu.memref_slice %arg5[%dma_wait3A_297, %dma_wait3A_298] : memref<1000000x64xf32, #tpu.memory_space<hbm>> -> memref<8x64xf32, #tpu.memory_space<hbm>>
      tpu.wait_dma2 semaphore(%arg21 : memref<!tpu.dma_semaphore, #tpu.memory_space<semaphore_mem>>) src(%dma_wait3A_299 : memref<8x64xf32, #tpu.memory_space<hbm>>) dst(%arg15 : memref<8x64xf32, #tpu.memory_space<vmem>>)
      %dma_wait3A_300 = arith.constant 0 : i32
      %dma_wait3A_301 = arith.constant 0 : i32
      %dma_wait3A_302 = tpu.memref_slice %arg17[%dma_wait3A_300, %dma_wait3A_301] : memref<968x64xf32, #tpu.memory_space<vmem>> -> memref<960x64xf32, #tpu.memory_space<vmem>>
      %dma_wait3A_303 = arith.constant 0 : i32
      %dma_wait3A_304 = arith.constant 0 : i32
      %dma_wait3A_305 = tpu.memref_slice %arg6[%dma_wait3A_303, %dma_wait3A_304] : memref<1000000x64xf32, #tpu.memory_space<hbm>> -> memref<960x64xf32, #tpu.memory_space<hbm>>
      %dma_wait3A_306 = arith.constant 0 : i32
      %dma_wait3A_307 = arith.constant 0 : i32
      %dma_wait3A_308 = tpu.memref_slice %arg17[%dma_wait3A_306, %dma_wait3A_307] : memref<968x64xf32, #tpu.memory_space<vmem>> -> memref<960x64xf32, #tpu.memory_space<vmem>>
      %dma_wait3A_309 = arith.constant 0 : i32
      %dma_wait3A_310 = arith.constant 0 : i32
      %dma_wait3A_311 = tpu.memref_slice %arg6[%dma_wait3A_309, %dma_wait3A_310] : memref<1000000x64xf32, #tpu.memory_space<hbm>> -> memref<960x64xf32, #tpu.memory_space<hbm>>
      tpu.wait_dma2 semaphore(%arg21 : memref<!tpu.dma_semaphore, #tpu.memory_space<semaphore_mem>>) src(%dma_wait3A_311 : memref<960x64xf32, #tpu.memory_space<hbm>>) dst(%dma_wait3A_308 : memref<960x64xf32, #tpu.memory_space<vmem>>)
      %add3A_312 = arith.constant 2 : i32
      %add3A_313 = arith.addi %add3A_286, %add3A_312 : i32
      %lt3A_314 = arith.constant 64 : i32
      %lt3A_315 = arith.cmpi slt, %add3A_313, %lt3A_314 : i32
      %convert_element_type3A_316 = arith.extui %lt3A_315 : i1 to i32
      %cond3A_317 = arith.constant 0 : i32
      %cond3A_318 = arith.cmpi ne, %convert_element_type3A_316, %cond3A_317 : i32
      scf.if %cond3A_318 {
        %add3A_341 = arith.constant 2 : i32
        %add3A_342 = arith.addi %add3A_286, %add3A_341 : i32
        %mul3A_343 = arith.constant 512 : i32
        %mul3A_344 = arith.muli %add3A, %mul3A_343 : i32
        %mul3A_345 = arith.constant 8 : i32
        %mul3A_346 = arith.muli %add3A_342, %mul3A_345 : i32
        %add3A_347 = arith.addi %mul3A_344, %mul3A_346 : i32
        %dma_start3A_348 = tpu.memref_slice %arg2[%add3A_347] : memref<16384xi32, #tpu.memory_space<hbm>> -> memref<8xi32, #tpu.memory_space<hbm>>
        %dma_start3A_349 = tpu.memref_slice %arg2[%add3A_347] : memref<16384xi32, #tpu.memory_space<hbm>> -> memref<8xi32, #tpu.memory_space<hbm>>
        tpu.enqueue_dma source(%dma_start3A_349 : memref<8xi32, #tpu.memory_space<hbm>>) target(%arg9 : memref<8xi32, #tpu.memory_space<vmem>>) target_semaphore(%arg25 : memref<!tpu.dma_semaphore, #tpu.memory_space<semaphore_mem>>)
        %dma_start3A_350 = arith.constant 0 : i32
        %dma_start3A_351 = tpu.memref_slice %arg3[%add3A_347, %dma_start3A_350] : memref<16384x20xi32, #tpu.memory_space<hbm>> -> memref<8x20xi32, #tpu.memory_space<hbm>>
        %dma_start3A_352 = arith.constant 0 : i32
        %dma_start3A_353 = tpu.memref_slice %arg3[%add3A_347, %dma_start3A_352] : memref<16384x20xi32, #tpu.memory_space<hbm>> -> memref<8x20xi32, #tpu.memory_space<hbm>>
        tpu.enqueue_dma source(%dma_start3A_353 : memref<8x20xi32, #tpu.memory_space<hbm>>) target(%arg11 : memref<8x20xi32, #tpu.memory_space<vmem>>) target_semaphore(%arg25 : memref<!tpu.dma_semaphore, #tpu.memory_space<semaphore_mem>>)
        %dma_start3A_354 = arith.constant 0 : i32
        %dma_start3A_355 = tpu.memref_slice %arg4[%add3A_347, %dma_start3A_354] : memref<16384x100xi32, #tpu.memory_space<hbm>> -> memref<8x100xi32, #tpu.memory_space<hbm>>
        %dma_start3A_356 = arith.constant 0 : i32
        %dma_start3A_357 = tpu.memref_slice %arg4[%add3A_347, %dma_start3A_356] : memref<16384x100xi32, #tpu.memory_space<hbm>> -> memref<8x100xi32, #tpu.memory_space<hbm>>
        tpu.enqueue_dma source(%dma_start3A_357 : memref<8x100xi32, #tpu.memory_space<hbm>>) target(%arg13 : memref<8x100xi32, #tpu.memory_space<vmem>>) target_semaphore(%arg25 : memref<!tpu.dma_semaphore, #tpu.memory_space<semaphore_mem>>)
      } else {
      }
      %ge3A_319 = arith.constant 2 : i32
      %ge3A_320 = arith.cmpi sge, %add3A_286, %ge3A_319 : i32
      %convert_element_type3A_321 = arith.extui %ge3A_320 : i1 to i32
      %cond3A_322 = arith.constant 0 : i32
      %cond3A_323 = arith.cmpi ne, %convert_element_type3A_321, %cond3A_322 : i32
      scf.if %cond3A_323 {
        %mul3A_341 = arith.constant 512 : i32
        %mul3A_342 = arith.muli %add3A, %mul3A_341 : i32
        %sub3A = arith.constant 2 : i32
        %sub3A_343 = arith.subi %add3A_286, %sub3A : i32
        %mul3A_344 = arith.constant 8 : i32
        %mul3A_345 = arith.muli %sub3A_343, %mul3A_344 : i32
        %add3A_346 = arith.addi %mul3A_342, %mul3A_345 : i32
        %dma_wait3A_347 = arith.constant 0 : i32
        %dma_wait3A_348 = tpu.memref_slice %arg7[%add3A_346, %dma_wait3A_347] : memref<16384x128xf32, #tpu.memory_space<hbm>> -> memref<8x128xf32, #tpu.memory_space<hbm>>
        %dma_wait3A_349 = arith.constant 0 : i32
        %dma_wait3A_350 = tpu.memref_slice %arg7[%add3A_346, %dma_wait3A_349] : memref<16384x128xf32, #tpu.memory_space<hbm>> -> memref<8x128xf32, #tpu.memory_space<hbm>>
        tpu.wait_dma2 semaphore(%arg23 : memref<!tpu.dma_semaphore, #tpu.memory_space<semaphore_mem>>) src(%arg19 : memref<8x128xf32, #tpu.memory_space<vmem>>) dst(%dma_wait3A_350 : memref<8x128xf32, #tpu.memory_space<hbm>>)
      } else {
      }
      %scan3A_324 = arith.constant 0 : i32
      %scan3A_325 = arith.constant 0 : i32
      %scan3A_326 = arith.constant 8 : i32
      %scan3A_327 = arith.addi %scan3A_325, %scan3A_326 : i32
      %scan3A_328 = arith.constant 1 : i32
      %scan3A_329 = scf.for %scan3A_341 = %scan3A_325 to %scan3A_327 step %scan3A_328 iter_args(%scan3A_342 = %scan3A_324) -> (i32)  : i32 {
        %get3A = arith.index_cast %scan3A_341 : i32 to index
        %get3A_343 = arith.constant 0 : index
        %get3A_344 = tpu.vector_load %arg15[%get3A, %get3A_343] {strides = array<i32>} : memref<8x64xf32, #tpu.memory_space<vmem>>, vector<16xf32>,
        %get3A_345 = arith.index_cast %scan3A_341 : i32 to index
        %get3A_346 = arith.constant 16 : index
        %get3A_347 = tpu.vector_load %arg15[%get3A_345, %get3A_346] {strides = array<i32>} : memref<8x64xf32, #tpu.memory_space<vmem>>, vector<16xf32>,
        %get3A_348 = arith.index_cast %scan3A_341 : i32 to index
        %get3A_349 = arith.constant 32 : index
        %get3A_350 = tpu.vector_load %arg15[%get3A_348, %get3A_349] {strides = array<i32>} : memref<8x64xf32, #tpu.memory_space<vmem>>, vector<16xf32>,
        %get3A_351 = arith.index_cast %scan3A_341 : i32 to index
        %get3A_352 = arith.constant 48 : index
        %get3A_353 = tpu.vector_load %arg15[%get3A_351, %get3A_352] {strides = array<i32>} : memref<8x64xf32, #tpu.memory_space<vmem>>, vector<16xf32>,
        %scan3A_354 = arith.constant 0 : i32
        %scan3A_355 = arith.constant 0 : i32
        %scan3A_356 = arith.constant 8 : i32
        %scan3A_357 = arith.addi %scan3A_355, %scan3A_356 : i32
        %scan3A_358 = arith.constant 1 : i32
        %scan3A_359 = scf.for %scan3A_362 = %scan3A_355 to %scan3A_357 step %scan3A_358 iter_args(%scan3A_363 = %scan3A_354) -> (i32)  : i32 {
          %mul3A_364 = arith.constant 120 : i32
          %mul3A_365 = arith.muli %scan3A_341, %mul3A_364 : i32
          %mul3A_366 = arith.constant 16 : i32
          %mul3A_367 = arith.muli %scan3A_362, %mul3A_366 : i32
          %add3A_368 = arith.addi %mul3A_365, %mul3A_367 : i32
          %broadcast_in_dim3A = arith.constant 0.000000e+00 : f32
          %broadcast_in_dim3A_369 = vector.broadcast %broadcast_in_dim3A : f32 to vector<16xf32>
          %add3A_370 = arith.constant 0 : i32
          %add3A_371 = arith.addi %add3A_368, %add3A_370 : i32
          %get3A_372 = arith.index_cast %add3A_371 : i32 to index
          %get3A_373 = arith.constant 0 : index
          %get3A_374 = tpu.vector_load %arg17[%get3A_372, %get3A_373] {strides = array<i32>} : memref<968x64xf32, #tpu.memory_space<vmem>>, vector<16xf32>,
          %mul3A_375 = arith.mulf %get3A_374, %get3A_344 : vector<16xf32>
          %get3A_376 = arith.index_cast %add3A_371 : i32 to index
          %get3A_377 = arith.constant 16 : index
          %get3A_378 = tpu.vector_load %arg17[%get3A_376, %get3A_377] {strides = array<i32>} : memref<968x64xf32, #tpu.memory_space<vmem>>, vector<16xf32>,
          %mul3A_379 = arith.mulf %get3A_378, %get3A_347 : vector<16xf32>
          %add3A_380 = arith.addf %mul3A_375, %mul3A_379 : vector<16xf32>
          %get3A_381 = arith.index_cast %add3A_371 : i32 to index
          %get3A_382 = arith.constant 32 : index
          %get3A_383 = tpu.vector_load %arg17[%get3A_381, %get3A_382] {strides = array<i32>} : memref<968x64xf32, #tpu.memory_space<vmem>>, vector<16xf32>,
          %mul3A_384 = arith.mulf %get3A_383, %get3A_350 : vector<16xf32>
          %get3A_385 = arith.index_cast %add3A_371 : i32 to index
          %get3A_386 = arith.constant 48 : index
          %get3A_387 = tpu.vector_load %arg17[%get3A_385, %get3A_386] {strides = array<i32>} : memref<968x64xf32, #tpu.memory_space<vmem>>, vector<16xf32>,
          %mul3A_388 = arith.mulf %get3A_387, %get3A_353 : vector<16xf32>
          %add3A_389 = arith.addf %mul3A_384, %mul3A_388 : vector<16xf32>
          %add3A_390 = arith.addf %add3A_380, %add3A_389 : vector<16xf32>
          %eq3A = arith.constant 0 : i32
          %eq3A_391 = vector.broadcast %eq3A : i32 to vector<16xi32>
          %eq3A_392 = arith.cmpi eq, %iota3A, %eq3A_391 : vector<16xi32>
          %reduce_sum3A = arith.constant true
          %reduce_sum3A_393 = vector.broadcast %reduce_sum3A : i1 to vector<16xi1>
          %reduce_sum3A_394 = tpu.scan <sum>, %add3A_390 masked %reduce_sum3A_393 : vector<16xf32>, vector<16xi1> -> vector<16xf32>
          %reduce_sum3A_395 = vector.extract %reduce_sum3A_394[15] : f32 from vector<16xf32>
          %broadcast_in_dim3A_396 = vector.broadcast %reduce_sum3A_395 : f32 to vector<16xf32>
          %select_n3A = arith.select %eq3A_392, %broadcast_in_dim3A_396, %broadcast_in_dim3A_369 : vector<16xi1>, vector<16xf32>
          %add3A_397 = arith.constant 1 : i32
          %add3A_398 = arith.addi %add3A_368, %add3A_397 : i32
          %get3A_399 = arith.index_cast %add3A_398 : i32 to index
          %get3A_400 = arith.constant 0 : index
          %get3A_401 = tpu.vector_load %arg17[%get3A_399, %get3A_400] {strides = array<i32>} : memref<968x64xf32, #tpu.memory_space<vmem>>, vector<16xf32>,
          %mul3A_402 = arith.mulf %get3A_401, %get3A_344 : vector<16xf32>
          %get3A_403 = arith.index_cast %add3A_398 : i32 to index
          %get3A_404 = arith.constant 16 : index
          %get3A_405 = tpu.vector_load %arg17[%get3A_403, %get3A_404] {strides = array<i32>} : memref<968x64xf32, #tpu.memory_space<vmem>>, vector<16xf32>,
          %mul3A_406 = arith.mulf %get3A_405, %get3A_347 : vector<16xf32>
          %add3A_407 = arith.addf %mul3A_402, %mul3A_406 : vector<16xf32>
          %get3A_408 = arith.index_cast %add3A_398 : i32 to index
          %get3A_409 = arith.constant 32 : index
          %get3A_410 = tpu.vector_load %arg17[%get3A_408, %get3A_409] {strides = array<i32>} : memref<968x64xf32, #tpu.memory_space<vmem>>, vector<16xf32>,
          %mul3A_411 = arith.mulf %get3A_410, %get3A_350 : vector<16xf32>
          %get3A_412 = arith.index_cast %add3A_398 : i32 to index
          %get3A_413 = arith.constant 48 : index
          %get3A_414 = tpu.vector_load %arg17[%get3A_412, %get3A_413] {strides = array<i32>} : memref<968x64xf32, #tpu.memory_space<vmem>>, vector<16xf32>,
          %mul3A_415 = arith.mulf %get3A_414, %get3A_353 : vector<16xf32>
          %add3A_416 = arith.addf %mul3A_411, %mul3A_415 : vector<16xf32>
          %add3A_417 = arith.addf %add3A_407, %add3A_416 : vector<16xf32>
          %eq3A_418 = arith.constant 1 : i32
          %eq3A_419 = vector.broadcast %eq3A_418 : i32 to vector<16xi32>
          %eq3A_420 = arith.cmpi eq, %iota3A, %eq3A_419 : vector<16xi32>
          %reduce_sum3A_421 = arith.constant true
          %reduce_sum3A_422 = vector.broadcast %reduce_sum3A_421 : i1 to vector<16xi1>
          %reduce_sum3A_423 = tpu.scan <sum>, %add3A_417 masked %reduce_sum3A_422 : vector<16xf32>, vector<16xi1> -> vector<16xf32>
          %reduce_sum3A_424 = vector.extract %reduce_sum3A_423[15] : f32 from vector<16xf32>
          %broadcast_in_dim3A_425 = vector.broadcast %reduce_sum3A_424 : f32 to vector<16xf32>
          %select_n3A_426 = arith.select %eq3A_420, %broadcast_in_dim3A_425, %select_n3A : vector<16xi1>, vector<16xf32>
          %add3A_427 = arith.constant 2 : i32
          %add3A_428 = arith.addi %add3A_368, %add3A_427 : i32
          %get3A_429 = arith.index_cast %add3A_428 : i32 to index
          %get3A_430 = arith.constant 0 : index
          %get3A_431 = tpu.vector_load %arg17[%get3A_429, %get3A_430] {strides = array<i32>} : memref<968x64xf32, #tpu.memory_space<vmem>>, vector<16xf32>,
          %mul3A_432 = arith.mulf %get3A_431, %get3A_344 : vector<16xf32>
          %get3A_433 = arith.index_cast %add3A_428 : i32 to index
          %get3A_434 = arith.constant 16 : index
          %get3A_435 = tpu.vector_load %arg17[%get3A_433, %get3A_434] {strides = array<i32>} : memref<968x64xf32, #tpu.memory_space<vmem>>, vector<16xf32>,
          %mul3A_436 = arith.mulf %get3A_435, %get3A_347 : vector<16xf32>
          %add3A_437 = arith.addf %mul3A_432, %mul3A_436 : vector<16xf32>
          %get3A_438 = arith.index_cast %add3A_428 : i32 to index
          %get3A_439 = arith.constant 32 : index
          %get3A_440 = tpu.vector_load %arg17[%get3A_438, %get3A_439] {strides = array<i32>} : memref<968x64xf32, #tpu.memory_space<vmem>>, vector<16xf32>,
          %mul3A_441 = arith.mulf %get3A_440, %get3A_350 : vector<16xf32>
          %get3A_442 = arith.index_cast %add3A_428 : i32 to index
          %get3A_443 = arith.constant 48 : index
          %get3A_444 = tpu.vector_load %arg17[%get3A_442, %get3A_443] {strides = array<i32>} : memref<968x64xf32, #tpu.memory_space<vmem>>, vector<16xf32>,
          %mul3A_445 = arith.mulf %get3A_444, %get3A_353 : vector<16xf32>
          %add3A_446 = arith.addf %mul3A_441, %mul3A_445 : vector<16xf32>
          %add3A_447 = arith.addf %add3A_437, %add3A_446 : vector<16xf32>
          %eq3A_448 = arith.constant 2 : i32
          %eq3A_449 = vector.broadcast %eq3A_448 : i32 to vector<16xi32>
          %eq3A_450 = arith.cmpi eq, %iota3A, %eq3A_449 : vector<16xi32>
          %reduce_sum3A_451 = arith.constant true
          %reduce_sum3A_452 = vector.broadcast %reduce_sum3A_451 : i1 to vector<16xi1>
          %reduce_sum3A_453 = tpu.scan <sum>, %add3A_447 masked %reduce_sum3A_452 : vector<16xf32>, vector<16xi1> -> vector<16xf32>
          %reduce_sum3A_454 = vector.extract %reduce_sum3A_453[15] : f32 from vector<16xf32>
          %broadcast_in_dim3A_455 = vector.broadcast %reduce_sum3A_454 : f32 to vector<16xf32>
          %select_n3A_456 = arith.select %eq3A_450, %broadcast_in_dim3A_455, %select_n3A_426 : vector<16xi1>, vector<16xf32>
          %add3A_457 = arith.constant 3 : i32
          %add3A_458 = arith.addi %add3A_368, %add3A_457 : i32
          %get3A_459 = arith.index_cast %add3A_458 : i32 to index
          %get3A_460 = arith.constant 0 : index
          %get3A_461 = tpu.vector_load %arg17[%get3A_459, %get3A_460] {strides = array<i32>} : memref<968x64xf32, #tpu.memory_space<vmem>>, vector<16xf32>,
          %mul3A_462 = arith.mulf %get3A_461, %get3A_344 : vector<16xf32>
          %get3A_463 = arith.index_cast %add3A_458 : i32 to index
          %get3A_464 = arith.constant 16 : index
          %get3A_465 = tpu.vector_load %arg17[%get3A_463, %get3A_464] {strides = array<i32>} : memref<968x64xf32, #tpu.memory_space<vmem>>, vector<16xf32>,
          %mul3A_466 = arith.mulf %get3A_465, %get3A_347 : vector<16xf32>
          %add3A_467 = arith.addf %mul3A_462, %mul3A_466 : vector<16xf32>
          %get3A_468 = arith.index_cast %add3A_458 : i32 to index
          %get3A_469 = arith.constant 32 : index
          %get3A_470 = tpu.vector_load %arg17[%get3A_468, %get3A_469] {strides = array<i32>} : memref<968x64xf32, #tpu.memory_space<vmem>>, vector<16xf32>,
          %mul3A_471 = arith.mulf %get3A_470, %get3A_350 : vector<16xf32>
          %get3A_472 = arith.index_cast %add3A_458 : i32 to index
          %get3A_473 = arith.constant 48 : index
          %get3A_474 = tpu.vector_load %arg17[%get3A_472, %get3A_473] {strides = array<i32>} : memref<968x64xf32, #tpu.memory_space<vmem>>, vector<16xf32>,
          %mul3A_475 = arith.mulf %get3A_474, %get3A_353 : vector<16xf32>
          %add3A_476 = arith.addf %mul3A_471, %mul3A_475 : vector<16xf32>
          %add3A_477 = arith.addf %add3A_467, %add3A_476 : vector<16xf32>
          %eq3A_478 = arith.constant 3 : i32
          %eq3A_479 = vector.broadcast %eq3A_478 : i32 to vector<16xi32>
          %eq3A_480 = arith.cmpi eq, %iota3A, %eq3A_479 : vector<16xi32>
          %reduce_sum3A_481 = arith.constant true
          %reduce_sum3A_482 = vector.broadcast %reduce_sum3A_481 : i1 to vector<16xi1>
          %reduce_sum3A_483 = tpu.scan <sum>, %add3A_477 masked %reduce_sum3A_482 : vector<16xf32>, vector<16xi1> -> vector<16xf32>
          %reduce_sum3A_484 = vector.extract %reduce_sum3A_483[15] : f32 from vector<16xf32>
          %broadcast_in_dim3A_485 = vector.broadcast %reduce_sum3A_484 : f32 to vector<16xf32>
          %select_n3A_486 = arith.select %eq3A_480, %broadcast_in_dim3A_485, %select_n3A_456 : vector<16xi1>, vector<16xf32>
          %add3A_487 = arith.constant 4 : i32
          %add3A_488 = arith.addi %add3A_368, %add3A_487 : i32
          %get3A_489 = arith.index_cast %add3A_488 : i32 to index
          %get3A_490 = arith.constant 0 : index
          %get3A_491 = tpu.vector_load %arg17[%get3A_489, %get3A_490] {strides = array<i32>} : memref<968x64xf32, #tpu.memory_space<vmem>>, vector<16xf32>,
          %mul3A_492 = arith.mulf %get3A_491, %get3A_344 : vector<16xf32>
          %get3A_493 = arith.index_cast %add3A_488 : i32 to index
          %get3A_494 = arith.constant 16 : index
          %get3A_495 = tpu.vector_load %arg17[%get3A_493, %get3A_494] {strides = array<i32>} : memref<968x64xf32, #tpu.memory_space<vmem>>, vector<16xf32>,
          %mul3A_496 = arith.mulf %get3A_495, %get3A_347 : vector<16xf32>
          %add3A_497 = arith.addf %mul3A_492, %mul3A_496 : vector<16xf32>
          %get3A_498 = arith.index_cast %add3A_488 : i32 to index
          %get3A_499 = arith.constant 32 : index
          %get3A_500 = tpu.vector_load %arg17[%get3A_498, %get3A_499] {strides = array<i32>} : memref<968x64xf32, #tpu.memory_space<vmem>>, vector<16xf32>,
          %mul3A_501 = arith.mulf %get3A_500, %get3A_350 : vector<16xf32>
          %get3A_502 = arith.index_cast %add3A_488 : i32 to index
          %get3A_503 = arith.constant 48 : index
          %get3A_504 = tpu.vector_load %arg17[%get3A_502, %get3A_503] {strides = array<i32>} : memref<968x64xf32, #tpu.memory_space<vmem>>, vector<16xf32>,
          %mul3A_505 = arith.mulf %get3A_504, %get3A_353 : vector<16xf32>
          %add3A_506 = arith.addf %mul3A_501, %mul3A_505 : vector<16xf32>
          %add3A_507 = arith.addf %add3A_497, %add3A_506 : vector<16xf32>
          %eq3A_508 = arith.constant 4 : i32
          %eq3A_509 = vector.broadcast %eq3A_508 : i32 to vector<16xi32>
          %eq3A_510 = arith.cmpi eq, %iota3A, %eq3A_509 : vector<16xi32>
          %reduce_sum3A_511 = arith.constant true
          %reduce_sum3A_512 = vector.broadcast %reduce_sum3A_511 : i1 to vector<16xi1>
          %reduce_sum3A_513 = tpu.scan <sum>, %add3A_507 masked %reduce_sum3A_512 : vector<16xf32>, vector<16xi1> -> vector<16xf32>
          %reduce_sum3A_514 = vector.extract %reduce_sum3A_513[15] : f32 from vector<16xf32>
          %broadcast_in_dim3A_515 = vector.broadcast %reduce_sum3A_514 : f32 to vector<16xf32>
          %select_n3A_516 = arith.select %eq3A_510, %broadcast_in_dim3A_515, %select_n3A_486 : vector<16xi1>, vector<16xf32>
          %add3A_517 = arith.constant 5 : i32
          %add3A_518 = arith.addi %add3A_368, %add3A_517 : i32
          %get3A_519 = arith.index_cast %add3A_518 : i32 to index
          %get3A_520 = arith.constant 0 : index
          %get3A_521 = tpu.vector_load %arg17[%get3A_519, %get3A_520] {strides = array<i32>} : memref<968x64xf32, #tpu.memory_space<vmem>>, vector<16xf32>,
          %mul3A_522 = arith.mulf %get3A_521, %get3A_344 : vector<16xf32>
          %get3A_523 = arith.index_cast %add3A_518 : i32 to index
          %get3A_524 = arith.constant 16 : index
          %get3A_525 = tpu.vector_load %arg17[%get3A_523, %get3A_524] {strides = array<i32>} : memref<968x64xf32, #tpu.memory_space<vmem>>, vector<16xf32>,
          %mul3A_526 = arith.mulf %get3A_525, %get3A_347 : vector<16xf32>
          %add3A_527 = arith.addf %mul3A_522, %mul3A_526 : vector<16xf32>
          %get3A_528 = arith.index_cast %add3A_518 : i32 to index
          %get3A_529 = arith.constant 32 : index
          %get3A_530 = tpu.vector_load %arg17[%get3A_528, %get3A_529] {strides = array<i32>} : memref<968x64xf32, #tpu.memory_space<vmem>>, vector<16xf32>,
          %mul3A_531 = arith.mulf %get3A_530, %get3A_350 : vector<16xf32>
          %get3A_532 = arith.index_cast %add3A_518 : i32 to index
          %get3A_533 = arith.constant 48 : index
          %get3A_534 = tpu.vector_load %arg17[%get3A_532, %get3A_533] {strides = array<i32>} : memref<968x64xf32, #tpu.memory_space<vmem>>, vector<16xf32>,
          %mul3A_535 = arith.mulf %get3A_534, %get3A_353 : vector<16xf32>
          %add3A_536 = arith.addf %mul3A_531, %mul3A_535 : vector<16xf32>
          %add3A_537 = arith.addf %add3A_527, %add3A_536 : vector<16xf32>
          %eq3A_538 = arith.constant 5 : i32
          %eq3A_539 = vector.broadcast %eq3A_538 : i32 to vector<16xi32>
          %eq3A_540 = arith.cmpi eq, %iota3A, %eq3A_539 : vector<16xi32>
          %reduce_sum3A_541 = arith.constant true
          %reduce_sum3A_542 = vector.broadcast %reduce_sum3A_541 : i1 to vector<16xi1>
          %reduce_sum3A_543 = tpu.scan <sum>, %add3A_537 masked %reduce_sum3A_542 : vector<16xf32>, vector<16xi1> -> vector<16xf32>
          %reduce_sum3A_544 = vector.extract %reduce_sum3A_543[15] : f32 from vector<16xf32>
          %broadcast_in_dim3A_545 = vector.broadcast %reduce_sum3A_544 : f32 to vector<16xf32>
          %select_n3A_546 = arith.select %eq3A_540, %broadcast_in_dim3A_545, %select_n3A_516 : vector<16xi1>, vector<16xf32>
          %add3A_547 = arith.constant 6 : i32
          %add3A_548 = arith.addi %add3A_368, %add3A_547 : i32
          %get3A_549 = arith.index_cast %add3A_548 : i32 to index
          %get3A_550 = arith.constant 0 : index
          %get3A_551 = tpu.vector_load %arg17[%get3A_549, %get3A_550] {strides = array<i32>} : memref<968x64xf32, #tpu.memory_space<vmem>>, vector<16xf32>,
          %mul3A_552 = arith.mulf %get3A_551, %get3A_344 : vector<16xf32>
          %get3A_553 = arith.index_cast %add3A_548 : i32 to index
          %get3A_554 = arith.constant 16 : index
          %get3A_555 = tpu.vector_load %arg17[%get3A_553, %get3A_554] {strides = array<i32>} : memref<968x64xf32, #tpu.memory_space<vmem>>, vector<16xf32>,
          %mul3A_556 = arith.mulf %get3A_555, %get3A_347 : vector<16xf32>
          %add3A_557 = arith.addf %mul3A_552, %mul3A_556 : vector<16xf32>
          %get3A_558 = arith.index_cast %add3A_548 : i32 to index
          %get3A_559 = arith.constant 32 : index
          %get3A_560 = tpu.vector_load %arg17[%get3A_558, %get3A_559] {strides = array<i32>} : memref<968x64xf32, #tpu.memory_space<vmem>>, vector<16xf32>,
          %mul3A_561 = arith.mulf %get3A_560, %get3A_350 : vector<16xf32>
          %get3A_562 = arith.index_cast %add3A_548 : i32 to index
          %get3A_563 = arith.constant 48 : index
          %get3A_564 = tpu.vector_load %arg17[%get3A_562, %get3A_563] {strides = array<i32>} : memref<968x64xf32, #tpu.memory_space<vmem>>, vector<16xf32>,
          %mul3A_565 = arith.mulf %get3A_564, %get3A_353 : vector<16xf32>
          %add3A_566 = arith.addf %mul3A_561, %mul3A_565 : vector<16xf32>
          %add3A_567 = arith.addf %add3A_557, %add3A_566 : vector<16xf32>
          %eq3A_568 = arith.constant 6 : i32
          %eq3A_569 = vector.broadcast %eq3A_568 : i32 to vector<16xi32>
          %eq3A_570 = arith.cmpi eq, %iota3A, %eq3A_569 : vector<16xi32>
          %reduce_sum3A_571 = arith.constant true
          %reduce_sum3A_572 = vector.broadcast %reduce_sum3A_571 : i1 to vector<16xi1>
          %reduce_sum3A_573 = tpu.scan <sum>, %add3A_567 masked %reduce_sum3A_572 : vector<16xf32>, vector<16xi1> -> vector<16xf32>
          %reduce_sum3A_574 = vector.extract %reduce_sum3A_573[15] : f32 from vector<16xf32>
          %broadcast_in_dim3A_575 = vector.broadcast %reduce_sum3A_574 : f32 to vector<16xf32>
          %select_n3A_576 = arith.select %eq3A_570, %broadcast_in_dim3A_575, %select_n3A_546 : vector<16xi1>, vector<16xf32>
          %add3A_577 = arith.constant 7 : i32
          %add3A_578 = arith.addi %add3A_368, %add3A_577 : i32
          %get3A_579 = arith.index_cast %add3A_578 : i32 to index
          %get3A_580 = arith.constant 0 : index
          %get3A_581 = tpu.vector_load %arg17[%get3A_579, %get3A_580] {strides = array<i32>} : memref<968x64xf32, #tpu.memory_space<vmem>>, vector<16xf32>,
          %mul3A_582 = arith.mulf %get3A_581, %get3A_344 : vector<16xf32>
          %get3A_583 = arith.index_cast %add3A_578 : i32 to index
          %get3A_584 = arith.constant 16 : index
          %get3A_585 = tpu.vector_load %arg17[%get3A_583, %get3A_584] {strides = array<i32>} : memref<968x64xf32, #tpu.memory_space<vmem>>, vector<16xf32>,
          %mul3A_586 = arith.mulf %get3A_585, %get3A_347 : vector<16xf32>
          %add3A_587 = arith.addf %mul3A_582, %mul3A_586 : vector<16xf32>
          %get3A_588 = arith.index_cast %add3A_578 : i32 to index
          %get3A_589 = arith.constant 32 : index
          %get3A_590 = tpu.vector_load %arg17[%get3A_588, %get3A_589] {strides = array<i32>} : memref<968x64xf32, #tpu.memory_space<vmem>>, vector<16xf32>,
          %mul3A_591 = arith.mulf %get3A_590, %get3A_350 : vector<16xf32>
          %get3A_592 = arith.index_cast %add3A_578 : i32 to index
          %get3A_593 = arith.constant 48 : index
          %get3A_594 = tpu.vector_load %arg17[%get3A_592, %get3A_593] {strides = array<i32>} : memref<968x64xf32, #tpu.memory_space<vmem>>, vector<16xf32>,
          %mul3A_595 = arith.mulf %get3A_594, %get3A_353 : vector<16xf32>
          %add3A_596 = arith.addf %mul3A_591, %mul3A_595 : vector<16xf32>
          %add3A_597 = arith.addf %add3A_587, %add3A_596 : vector<16xf32>
          %eq3A_598 = arith.constant 7 : i32
          %eq3A_599 = vector.broadcast %eq3A_598 : i32 to vector<16xi32>
          %eq3A_600 = arith.cmpi eq, %iota3A, %eq3A_599 : vector<16xi32>
          %reduce_sum3A_601 = arith.constant true
          %reduce_sum3A_602 = vector.broadcast %reduce_sum3A_601 : i1 to vector<16xi1>
          %reduce_sum3A_603 = tpu.scan <sum>, %add3A_597 masked %reduce_sum3A_602 : vector<16xf32>, vector<16xi1> -> vector<16xf32>
          %reduce_sum3A_604 = vector.extract %reduce_sum3A_603[15] : f32 from vector<16xf32>
          %broadcast_in_dim3A_605 = vector.broadcast %reduce_sum3A_604 : f32 to vector<16xf32>
          %select_n3A_606 = arith.select %eq3A_600, %broadcast_in_dim3A_605, %select_n3A_576 : vector<16xi1>, vector<16xf32>
          %add3A_607 = arith.constant 8 : i32
          %add3A_608 = arith.addi %add3A_368, %add3A_607 : i32
          %get3A_609 = arith.index_cast %add3A_608 : i32 to index
          %get3A_610 = arith.constant 0 : index
          %get3A_611 = tpu.vector_load %arg17[%get3A_609, %get3A_610] {strides = array<i32>} : memref<968x64xf32, #tpu.memory_space<vmem>>, vector<16xf32>,
          %mul3A_612 = arith.mulf %get3A_611, %get3A_344 : vector<16xf32>
          %get3A_613 = arith.index_cast %add3A_608 : i32 to index
          %get3A_614 = arith.constant 16 : index
          %get3A_615 = tpu.vector_load %arg17[%get3A_613, %get3A_614] {strides = array<i32>} : memref<968x64xf32, #tpu.memory_space<vmem>>, vector<16xf32>,
          %mul3A_616 = arith.mulf %get3A_615, %get3A_347 : vector<16xf32>
          %add3A_617 = arith.addf %mul3A_612, %mul3A_616 : vector<16xf32>
          %get3A_618 = arith.index_cast %add3A_608 : i32 to index
          %get3A_619 = arith.constant 32 : index
          %get3A_620 = tpu.vector_load %arg17[%get3A_618, %get3A_619] {strides = array<i32>} : memref<968x64xf32, #tpu.memory_space<vmem>>, vector<16xf32>,
          %mul3A_621 = arith.mulf %get3A_620, %get3A_350 : vector<16xf32>
          %get3A_622 = arith.index_cast %add3A_608 : i32 to index
          %get3A_623 = arith.constant 48 : index
          %get3A_624 = tpu.vector_load %arg17[%get3A_622, %get3A_623] {strides = array<i32>} : memref<968x64xf32, #tpu.memory_space<vmem>>, vector<16xf32>,
          %mul3A_625 = arith.mulf %get3A_624, %get3A_353 : vector<16xf32>
          %add3A_626 = arith.addf %mul3A_621, %mul3A_625 : vector<16xf32>
          %add3A_627 = arith.addf %add3A_617, %add3A_626 : vector<16xf32>
          %eq3A_628 = arith.constant 8 : i32
          %eq3A_629 = vector.broadcast %eq3A_628 : i32 to vector<16xi32>
          %eq3A_630 = arith.cmpi eq, %iota3A, %eq3A_629 : vector<16xi32>
          %reduce_sum3A_631 = arith.constant true
          %reduce_sum3A_632 = vector.broadcast %reduce_sum3A_631 : i1 to vector<16xi1>
          %reduce_sum3A_633 = tpu.scan <sum>, %add3A_627 masked %reduce_sum3A_632 : vector<16xf32>, vector<16xi1> -> vector<16xf32>
          %reduce_sum3A_634 = vector.extract %reduce_sum3A_633[15] : f32 from vector<16xf32>
          %broadcast_in_dim3A_635 = vector.broadcast %reduce_sum3A_634 : f32 to vector<16xf32>
          %select_n3A_636 = arith.select %eq3A_630, %broadcast_in_dim3A_635, %select_n3A_606 : vector<16xi1>, vector<16xf32>
          %add3A_637 = arith.constant 9 : i32
          %add3A_638 = arith.addi %add3A_368, %add3A_637 : i32
          %get3A_639 = arith.index_cast %add3A_638 : i32 to index
          %get3A_640 = arith.constant 0 : index
          %get3A_641 = tpu.vector_load %arg17[%get3A_639, %get3A_640] {strides = array<i32>} : memref<968x64xf32, #tpu.memory_space<vmem>>, vector<16xf32>,
          %mul3A_642 = arith.mulf %get3A_641, %get3A_344 : vector<16xf32>
          %get3A_643 = arith.index_cast %add3A_638 : i32 to index
          %get3A_644 = arith.constant 16 : index
          %get3A_645 = tpu.vector_load %arg17[%get3A_643, %get3A_644] {strides = array<i32>} : memref<968x64xf32, #tpu.memory_space<vmem>>, vector<16xf32>,
          %mul3A_646 = arith.mulf %get3A_645, %get3A_347 : vector<16xf32>
          %add3A_647 = arith.addf %mul3A_642, %mul3A_646 : vector<16xf32>
          %get3A_648 = arith.index_cast %add3A_638 : i32 to index
          %get3A_649 = arith.constant 32 : index
          %get3A_650 = tpu.vector_load %arg17[%get3A_648, %get3A_649] {strides = array<i32>} : memref<968x64xf32, #tpu.memory_space<vmem>>, vector<16xf32>,
          %mul3A_651 = arith.mulf %get3A_650, %get3A_350 : vector<16xf32>
          %get3A_652 = arith.index_cast %add3A_638 : i32 to index
          %get3A_653 = arith.constant 48 : index
          %get3A_654 = tpu.vector_load %arg17[%get3A_652, %get3A_653] {strides = array<i32>} : memref<968x64xf32, #tpu.memory_space<vmem>>, vector<16xf32>,
          %mul3A_655 = arith.mulf %get3A_654, %get3A_353 : vector<16xf32>
          %add3A_656 = arith.addf %mul3A_651, %mul3A_655 : vector<16xf32>
          %add3A_657 = arith.addf %add3A_647, %add3A_656 : vector<16xf32>
          %eq3A_658 = arith.constant 9 : i32
          %eq3A_659 = vector.broadcast %eq3A_658 : i32 to vector<16xi32>
          %eq3A_660 = arith.cmpi eq, %iota3A, %eq3A_659 : vector<16xi32>
          %reduce_sum3A_661 = arith.constant true
          %reduce_sum3A_662 = vector.broadcast %reduce_sum3A_661 : i1 to vector<16xi1>
          %reduce_sum3A_663 = tpu.scan <sum>, %add3A_657 masked %reduce_sum3A_662 : vector<16xf32>, vector<16xi1> -> vector<16xf32>
          %reduce_sum3A_664 = vector.extract %reduce_sum3A_663[15] : f32 from vector<16xf32>
          %broadcast_in_dim3A_665 = vector.broadcast %reduce_sum3A_664 : f32 to vector<16xf32>
          %select_n3A_666 = arith.select %eq3A_660, %broadcast_in_dim3A_665, %select_n3A_636 : vector<16xi1>, vector<16xf32>
          %add3A_667 = arith.constant 10 : i32
          %add3A_668 = arith.addi %add3A_368, %add3A_667 : i32
          %get3A_669 = arith.index_cast %add3A_668 : i32 to index
          %get3A_670 = arith.constant 0 : index
          %get3A_671 = tpu.vector_load %arg17[%get3A_669, %get3A_670] {strides = array<i32>} : memref<968x64xf32, #tpu.memory_space<vmem>>, vector<16xf32>,
          %mul3A_672 = arith.mulf %get3A_671, %get3A_344 : vector<16xf32>
          %get3A_673 = arith.index_cast %add3A_668 : i32 to index
          %get3A_674 = arith.constant 16 : index
          %get3A_675 = tpu.vector_load %arg17[%get3A_673, %get3A_674] {strides = array<i32>} : memref<968x64xf32, #tpu.memory_space<vmem>>, vector<16xf32>,
          %mul3A_676 = arith.mulf %get3A_675, %get3A_347 : vector<16xf32>
          %add3A_677 = arith.addf %mul3A_672, %mul3A_676 : vector<16xf32>
          %get3A_678 = arith.index_cast %add3A_668 : i32 to index
          %get3A_679 = arith.constant 32 : index
          %get3A_680 = tpu.vector_load %arg17[%get3A_678, %get3A_679] {strides = array<i32>} : memref<968x64xf32, #tpu.memory_space<vmem>>, vector<16xf32>,
          %mul3A_681 = arith.mulf %get3A_680, %get3A_350 : vector<16xf32>
          %get3A_682 = arith.index_cast %add3A_668 : i32 to index
          %get3A_683 = arith.constant 48 : index
          %get3A_684 = tpu.vector_load %arg17[%get3A_682, %get3A_683] {strides = array<i32>} : memref<968x64xf32, #tpu.memory_space<vmem>>, vector<16xf32>,
          %mul3A_685 = arith.mulf %get3A_684, %get3A_353 : vector<16xf32>
          %add3A_686 = arith.addf %mul3A_681, %mul3A_685 : vector<16xf32>
          %add3A_687 = arith.addf %add3A_677, %add3A_686 : vector<16xf32>
          %eq3A_688 = arith.constant 10 : i32
          %eq3A_689 = vector.broadcast %eq3A_688 : i32 to vector<16xi32>
          %eq3A_690 = arith.cmpi eq, %iota3A, %eq3A_689 : vector<16xi32>
          %reduce_sum3A_691 = arith.constant true
          %reduce_sum3A_692 = vector.broadcast %reduce_sum3A_691 : i1 to vector<16xi1>
          %reduce_sum3A_693 = tpu.scan <sum>, %add3A_687 masked %reduce_sum3A_692 : vector<16xf32>, vector<16xi1> -> vector<16xf32>
          %reduce_sum3A_694 = vector.extract %reduce_sum3A_693[15] : f32 from vector<16xf32>
          %broadcast_in_dim3A_695 = vector.broadcast %reduce_sum3A_694 : f32 to vector<16xf32>
          %select_n3A_696 = arith.select %eq3A_690, %broadcast_in_dim3A_695, %select_n3A_666 : vector<16xi1>, vector<16xf32>
          %add3A_697 = arith.constant 11 : i32
          %add3A_698 = arith.addi %add3A_368, %add3A_697 : i32
          %get3A_699 = arith.index_cast %add3A_698 : i32 to index
          %get3A_700 = arith.constant 0 : index
          %get3A_701 = tpu.vector_load %arg17[%get3A_699, %get3A_700] {strides = array<i32>} : memref<968x64xf32, #tpu.memory_space<vmem>>, vector<16xf32>,
          %mul3A_702 = arith.mulf %get3A_701, %get3A_344 : vector<16xf32>
          %get3A_703 = arith.index_cast %add3A_698 : i32 to index
          %get3A_704 = arith.constant 16 : index
          %get3A_705 = tpu.vector_load %arg17[%get3A_703, %get3A_704] {strides = array<i32>} : memref<968x64xf32, #tpu.memory_space<vmem>>, vector<16xf32>,
          %mul3A_706 = arith.mulf %get3A_705, %get3A_347 : vector<16xf32>
          %add3A_707 = arith.addf %mul3A_702, %mul3A_706 : vector<16xf32>
          %get3A_708 = arith.index_cast %add3A_698 : i32 to index
          %get3A_709 = arith.constant 32 : index
          %get3A_710 = tpu.vector_load %arg17[%get3A_708, %get3A_709] {strides = array<i32>} : memref<968x64xf32, #tpu.memory_space<vmem>>, vector<16xf32>,
          %mul3A_711 = arith.mulf %get3A_710, %get3A_350 : vector<16xf32>
          %get3A_712 = arith.index_cast %add3A_698 : i32 to index
          %get3A_713 = arith.constant 48 : index
          %get3A_714 = tpu.vector_load %arg17[%get3A_712, %get3A_713] {strides = array<i32>} : memref<968x64xf32, #tpu.memory_space<vmem>>, vector<16xf32>,
          %mul3A_715 = arith.mulf %get3A_714, %get3A_353 : vector<16xf32>
          %add3A_716 = arith.addf %mul3A_711, %mul3A_715 : vector<16xf32>
          %add3A_717 = arith.addf %add3A_707, %add3A_716 : vector<16xf32>
          %eq3A_718 = arith.constant 11 : i32
          %eq3A_719 = vector.broadcast %eq3A_718 : i32 to vector<16xi32>
          %eq3A_720 = arith.cmpi eq, %iota3A, %eq3A_719 : vector<16xi32>
          %reduce_sum3A_721 = arith.constant true
          %reduce_sum3A_722 = vector.broadcast %reduce_sum3A_721 : i1 to vector<16xi1>
          %reduce_sum3A_723 = tpu.scan <sum>, %add3A_717 masked %reduce_sum3A_722 : vector<16xf32>, vector<16xi1> -> vector<16xf32>
          %reduce_sum3A_724 = vector.extract %reduce_sum3A_723[15] : f32 from vector<16xf32>
          %broadcast_in_dim3A_725 = vector.broadcast %reduce_sum3A_724 : f32 to vector<16xf32>
          %select_n3A_726 = arith.select %eq3A_720, %broadcast_in_dim3A_725, %select_n3A_696 : vector<16xi1>, vector<16xf32>
          %add3A_727 = arith.constant 12 : i32
          %add3A_728 = arith.addi %add3A_368, %add3A_727 : i32
          %get3A_729 = arith.index_cast %add3A_728 : i32 to index
          %get3A_730 = arith.constant 0 : index
          %get3A_731 = tpu.vector_load %arg17[%get3A_729, %get3A_730] {strides = array<i32>} : memref<968x64xf32, #tpu.memory_space<vmem>>, vector<16xf32>,
          %mul3A_732 = arith.mulf %get3A_731, %get3A_344 : vector<16xf32>
          %get3A_733 = arith.index_cast %add3A_728 : i32 to index
          %get3A_734 = arith.constant 16 : index
          %get3A_735 = tpu.vector_load %arg17[%get3A_733, %get3A_734] {strides = array<i32>} : memref<968x64xf32, #tpu.memory_space<vmem>>, vector<16xf32>,
          %mul3A_736 = arith.mulf %get3A_735, %get3A_347 : vector<16xf32>
          %add3A_737 = arith.addf %mul3A_732, %mul3A_736 : vector<16xf32>
          %get3A_738 = arith.index_cast %add3A_728 : i32 to index
          %get3A_739 = arith.constant 32 : index
          %get3A_740 = tpu.vector_load %arg17[%get3A_738, %get3A_739] {strides = array<i32>} : memref<968x64xf32, #tpu.memory_space<vmem>>, vector<16xf32>,
          %mul3A_741 = arith.mulf %get3A_740, %get3A_350 : vector<16xf32>
          %get3A_742 = arith.index_cast %add3A_728 : i32 to index
          %get3A_743 = arith.constant 48 : index
          %get3A_744 = tpu.vector_load %arg17[%get3A_742, %get3A_743] {strides = array<i32>} : memref<968x64xf32, #tpu.memory_space<vmem>>, vector<16xf32>,
          %mul3A_745 = arith.mulf %get3A_744, %get3A_353 : vector<16xf32>
          %add3A_746 = arith.addf %mul3A_741, %mul3A_745 : vector<16xf32>
          %add3A_747 = arith.addf %add3A_737, %add3A_746 : vector<16xf32>
          %eq3A_748 = arith.constant 12 : i32
          %eq3A_749 = vector.broadcast %eq3A_748 : i32 to vector<16xi32>
          %eq3A_750 = arith.cmpi eq, %iota3A, %eq3A_749 : vector<16xi32>
          %reduce_sum3A_751 = arith.constant true
          %reduce_sum3A_752 = vector.broadcast %reduce_sum3A_751 : i1 to vector<16xi1>
          %reduce_sum3A_753 = tpu.scan <sum>, %add3A_747 masked %reduce_sum3A_752 : vector<16xf32>, vector<16xi1> -> vector<16xf32>
          %reduce_sum3A_754 = vector.extract %reduce_sum3A_753[15] : f32 from vector<16xf32>
          %broadcast_in_dim3A_755 = vector.broadcast %reduce_sum3A_754 : f32 to vector<16xf32>
          %select_n3A_756 = arith.select %eq3A_750, %broadcast_in_dim3A_755, %select_n3A_726 : vector<16xi1>, vector<16xf32>
          %add3A_757 = arith.constant 13 : i32
          %add3A_758 = arith.addi %add3A_368, %add3A_757 : i32
          %get3A_759 = arith.index_cast %add3A_758 : i32 to index
          %get3A_760 = arith.constant 0 : index
          %get3A_761 = tpu.vector_load %arg17[%get3A_759, %get3A_760] {strides = array<i32>} : memref<968x64xf32, #tpu.memory_space<vmem>>, vector<16xf32>,
          %mul3A_762 = arith.mulf %get3A_761, %get3A_344 : vector<16xf32>
          %get3A_763 = arith.index_cast %add3A_758 : i32 to index
          %get3A_764 = arith.constant 16 : index
          %get3A_765 = tpu.vector_load %arg17[%get3A_763, %get3A_764] {strides = array<i32>} : memref<968x64xf32, #tpu.memory_space<vmem>>, vector<16xf32>,
          %mul3A_766 = arith.mulf %get3A_765, %get3A_347 : vector<16xf32>
          %add3A_767 = arith.addf %mul3A_762, %mul3A_766 : vector<16xf32>
          %get3A_768 = arith.index_cast %add3A_758 : i32 to index
          %get3A_769 = arith.constant 32 : index
          %get3A_770 = tpu.vector_load %arg17[%get3A_768, %get3A_769] {strides = array<i32>} : memref<968x64xf32, #tpu.memory_space<vmem>>, vector<16xf32>,
          %mul3A_771 = arith.mulf %get3A_770, %get3A_350 : vector<16xf32>
          %get3A_772 = arith.index_cast %add3A_758 : i32 to index
          %get3A_773 = arith.constant 48 : index
          %get3A_774 = tpu.vector_load %arg17[%get3A_772, %get3A_773] {strides = array<i32>} : memref<968x64xf32, #tpu.memory_space<vmem>>, vector<16xf32>,
          %mul3A_775 = arith.mulf %get3A_774, %get3A_353 : vector<16xf32>
          %add3A_776 = arith.addf %mul3A_771, %mul3A_775 : vector<16xf32>
          %add3A_777 = arith.addf %add3A_767, %add3A_776 : vector<16xf32>
          %eq3A_778 = arith.constant 13 : i32
          %eq3A_779 = vector.broadcast %eq3A_778 : i32 to vector<16xi32>
          %eq3A_780 = arith.cmpi eq, %iota3A, %eq3A_779 : vector<16xi32>
          %reduce_sum3A_781 = arith.constant true
          %reduce_sum3A_782 = vector.broadcast %reduce_sum3A_781 : i1 to vector<16xi1>
          %reduce_sum3A_783 = tpu.scan <sum>, %add3A_777 masked %reduce_sum3A_782 : vector<16xf32>, vector<16xi1> -> vector<16xf32>
          %reduce_sum3A_784 = vector.extract %reduce_sum3A_783[15] : f32 from vector<16xf32>
          %broadcast_in_dim3A_785 = vector.broadcast %reduce_sum3A_784 : f32 to vector<16xf32>
          %select_n3A_786 = arith.select %eq3A_780, %broadcast_in_dim3A_785, %select_n3A_756 : vector<16xi1>, vector<16xf32>
          %add3A_787 = arith.constant 14 : i32
          %add3A_788 = arith.addi %add3A_368, %add3A_787 : i32
          %get3A_789 = arith.index_cast %add3A_788 : i32 to index
          %get3A_790 = arith.constant 0 : index
          %get3A_791 = tpu.vector_load %arg17[%get3A_789, %get3A_790] {strides = array<i32>} : memref<968x64xf32, #tpu.memory_space<vmem>>, vector<16xf32>,
          %mul3A_792 = arith.mulf %get3A_791, %get3A_344 : vector<16xf32>
          %get3A_793 = arith.index_cast %add3A_788 : i32 to index
          %get3A_794 = arith.constant 16 : index
          %get3A_795 = tpu.vector_load %arg17[%get3A_793, %get3A_794] {strides = array<i32>} : memref<968x64xf32, #tpu.memory_space<vmem>>, vector<16xf32>,
          %mul3A_796 = arith.mulf %get3A_795, %get3A_347 : vector<16xf32>
          %add3A_797 = arith.addf %mul3A_792, %mul3A_796 : vector<16xf32>
          %get3A_798 = arith.index_cast %add3A_788 : i32 to index
          %get3A_799 = arith.constant 32 : index
          %get3A_800 = tpu.vector_load %arg17[%get3A_798, %get3A_799] {strides = array<i32>} : memref<968x64xf32, #tpu.memory_space<vmem>>, vector<16xf32>,
          %mul3A_801 = arith.mulf %get3A_800, %get3A_350 : vector<16xf32>
          %get3A_802 = arith.index_cast %add3A_788 : i32 to index
          %get3A_803 = arith.constant 48 : index
          %get3A_804 = tpu.vector_load %arg17[%get3A_802, %get3A_803] {strides = array<i32>} : memref<968x64xf32, #tpu.memory_space<vmem>>, vector<16xf32>,
          %mul3A_805 = arith.mulf %get3A_804, %get3A_353 : vector<16xf32>
          %add3A_806 = arith.addf %mul3A_801, %mul3A_805 : vector<16xf32>
          %add3A_807 = arith.addf %add3A_797, %add3A_806 : vector<16xf32>
          %eq3A_808 = arith.constant 14 : i32
          %eq3A_809 = vector.broadcast %eq3A_808 : i32 to vector<16xi32>
          %eq3A_810 = arith.cmpi eq, %iota3A, %eq3A_809 : vector<16xi32>
          %reduce_sum3A_811 = arith.constant true
          %reduce_sum3A_812 = vector.broadcast %reduce_sum3A_811 : i1 to vector<16xi1>
          %reduce_sum3A_813 = tpu.scan <sum>, %add3A_807 masked %reduce_sum3A_812 : vector<16xf32>, vector<16xi1> -> vector<16xf32>
          %reduce_sum3A_814 = vector.extract %reduce_sum3A_813[15] : f32 from vector<16xf32>
          %broadcast_in_dim3A_815 = vector.broadcast %reduce_sum3A_814 : f32 to vector<16xf32>
          %select_n3A_816 = arith.select %eq3A_810, %broadcast_in_dim3A_815, %select_n3A_786 : vector<16xi1>, vector<16xf32>
          %add3A_817 = arith.constant 15 : i32
          %add3A_818 = arith.addi %add3A_368, %add3A_817 : i32
          %get3A_819 = arith.index_cast %add3A_818 : i32 to index
          %get3A_820 = arith.constant 0 : index
          %get3A_821 = tpu.vector_load %arg17[%get3A_819, %get3A_820] {strides = array<i32>} : memref<968x64xf32, #tpu.memory_space<vmem>>, vector<16xf32>,
          %mul3A_822 = arith.mulf %get3A_821, %get3A_344 : vector<16xf32>
          %get3A_823 = arith.index_cast %add3A_818 : i32 to index
          %get3A_824 = arith.constant 16 : index
          %get3A_825 = tpu.vector_load %arg17[%get3A_823, %get3A_824] {strides = array<i32>} : memref<968x64xf32, #tpu.memory_space<vmem>>, vector<16xf32>,
          %mul3A_826 = arith.mulf %get3A_825, %get3A_347 : vector<16xf32>
          %add3A_827 = arith.addf %mul3A_822, %mul3A_826 : vector<16xf32>
          %get3A_828 = arith.index_cast %add3A_818 : i32 to index
          %get3A_829 = arith.constant 32 : index
          %get3A_830 = tpu.vector_load %arg17[%get3A_828, %get3A_829] {strides = array<i32>} : memref<968x64xf32, #tpu.memory_space<vmem>>, vector<16xf32>,
          %mul3A_831 = arith.mulf %get3A_830, %get3A_350 : vector<16xf32>
          %get3A_832 = arith.index_cast %add3A_818 : i32 to index
          %get3A_833 = arith.constant 48 : index
          %get3A_834 = tpu.vector_load %arg17[%get3A_832, %get3A_833] {strides = array<i32>} : memref<968x64xf32, #tpu.memory_space<vmem>>, vector<16xf32>,
          %mul3A_835 = arith.mulf %get3A_834, %get3A_353 : vector<16xf32>
          %add3A_836 = arith.addf %mul3A_831, %mul3A_835 : vector<16xf32>
          %add3A_837 = arith.addf %add3A_827, %add3A_836 : vector<16xf32>
          %eq3A_838 = arith.constant 15 : i32
          %eq3A_839 = vector.broadcast %eq3A_838 : i32 to vector<16xi32>
          %eq3A_840 = arith.cmpi eq, %iota3A, %eq3A_839 : vector<16xi32>
          %reduce_sum3A_841 = arith.constant true
          %reduce_sum3A_842 = vector.broadcast %reduce_sum3A_841 : i1 to vector<16xi1>
          %reduce_sum3A_843 = tpu.scan <sum>, %add3A_837 masked %reduce_sum3A_842 : vector<16xf32>, vector<16xi1> -> vector<16xf32>
          %reduce_sum3A_844 = vector.extract %reduce_sum3A_843[15] : f32 from vector<16xf32>
          %broadcast_in_dim3A_845 = vector.broadcast %reduce_sum3A_844 : f32 to vector<16xf32>
          %select_n3A_846 = arith.select %eq3A_840, %broadcast_in_dim3A_845, %select_n3A_816 : vector<16xi1>, vector<16xf32>
          %mul3A_847 = arith.constant 16 : i32
          %mul3A_848 = arith.muli %scan3A_362, %mul3A_847 : i32
          %swap3A = arith.index_cast %scan3A_341 : i32 to index
          %swap3A_849 = arith.index_cast %mul3A_848 : i32 to index
          %swap3A_850 = tpu.vector_load %arg19[%swap3A, %swap3A_849] {strides = array<i32>} : memref<8x128xf32, #tpu.memory_space<vmem>>, vector<16xf32>,
          tpu.vector_store %arg19[%swap3A, %swap3A_849], %select_n3A_846 {strides = array<i32>} : memref<8x128xf32, #tpu.memory_space<vmem>>, vector<16xf32>,
          %scan3A_851 = arith.constant 0 : i32
          scf.yield %scan3A_851 : i32
        }
        %scan3A_360 = arith.constant 8 : i32
        %scan3A_361 = arith.constant 0 : i32
        scf.yield %scan3A_361 : i32
      }
      %scan3A_330 = arith.constant 8 : i32
      %mul3A_331 = arith.constant 512 : i32
      %mul3A_332 = arith.muli %add3A, %mul3A_331 : i32
      %mul3A_333 = arith.constant 8 : i32
      %mul3A_334 = arith.muli %add3A_286, %mul3A_333 : i32
      %add3A_335 = arith.addi %mul3A_332, %mul3A_334 : i32
      %dma_start3A_336 = arith.constant 0 : i32
      %dma_start3A_337 = tpu.memref_slice %arg7[%add3A_335, %dma_start3A_336] : memref<16384x128xf32, #tpu.memory_space<hbm>> -> memref<8x128xf32, #tpu.memory_space<hbm>>
      %dma_start3A_338 = arith.constant 0 : i32
      %dma_start3A_339 = tpu.memref_slice %arg7[%add3A_335, %dma_start3A_338] : memref<16384x128xf32, #tpu.memory_space<hbm>> -> memref<8x128xf32, #tpu.memory_space<hbm>>
      tpu.enqueue_dma source(%arg19 : memref<8x128xf32, #tpu.memory_space<vmem>>) target(%dma_start3A_339 : memref<8x128xf32, #tpu.memory_space<hbm>>) target_semaphore(%arg23 : memref<!tpu.dma_semaphore, #tpu.memory_space<semaphore_mem>>)
      %scan3A_340 = arith.constant 0 : i32
      scf.yield %scan3A_340 : i32
    }
    %scan3A_211 = arith.constant 32 : i32
    %mul3A_212 = arith.constant 512 : i32
    %mul3A_213 = arith.muli %add3A, %mul3A_212 : i32
    %add3A_214 = arith.constant 496 : i32
    %add3A_215 = arith.addi %mul3A_213, %add3A_214 : i32
    %dma_wait3A_216 = arith.constant 0 : i32
    %dma_wait3A_217 = tpu.memref_slice %arg7[%add3A_215, %dma_wait3A_216] : memref<16384x128xf32, #tpu.memory_space<hbm>> -> memref<8x128xf32, #tpu.memory_space<hbm>>
    %dma_wait3A_218 = arith.constant 0 : i32
    %dma_wait3A_219 = tpu.memref_slice %arg7[%add3A_215, %dma_wait3A_218] : memref<16384x128xf32, #tpu.memory_space<hbm>> -> memref<8x128xf32, #tpu.memory_space<hbm>>
    tpu.wait_dma2 semaphore(%arg22 : memref<!tpu.dma_semaphore, #tpu.memory_space<semaphore_mem>>) src(%arg18 : memref<8x128xf32, #tpu.memory_space<vmem>>) dst(%dma_wait3A_219 : memref<8x128xf32, #tpu.memory_space<hbm>>)
    %mul3A_220 = arith.constant 512 : i32
    %mul3A_221 = arith.muli %add3A, %mul3A_220 : i32
    %add3A_222 = arith.constant 504 : i32
    %add3A_223 = arith.addi %mul3A_221, %add3A_222 : i32
    %dma_wait3A_224 = arith.constant 0 : i32
    %dma_wait3A_225 = tpu.memref_slice %arg7[%add3A_223, %dma_wait3A_224] : memref<16384x128xf32, #tpu.memory_space<hbm>> -> memref<8x128xf32, #tpu.memory_space<hbm>>
    %dma_wait3A_226 = arith.constant 0 : i32
    %dma_wait3A_227 = tpu.memref_slice %arg7[%add3A_223, %dma_wait3A_226] : memref<16384x128xf32, #tpu.memory_space<hbm>> -> memref<8x128xf32, #tpu.memory_space<hbm>>
    tpu.wait_dma2 semaphore(%arg23 : memref<!tpu.dma_semaphore, #tpu.memory_space<semaphore_mem>>) src(%arg19 : memref<8x128xf32, #tpu.memory_space<vmem>>) dst(%dma_wait3A_227 : memref<8x128xf32, #tpu.memory_space<hbm>>)
    return
  }
}

module attributes {stable_mosaic.version = 14 : i64} {
  func.func @body(%arg0: i32, %arg1: memref<512x128xf32, #tpu.memory_space<vmem>>, %arg2: memref<512xf32, #tpu.memory_space<vmem>>) attributes {dimension_semantics = [#tpu.dimension_semantics<arbitrary>], iteration_bounds = array<i64: 32>, scalar_prefetch = 0 : i64, scratch_operands = 0 : i64, tpu.core_type = #tpu.core_type<tc>, window_params = [{transform_indices = @transform_0, window_bounds = array<i64: 512, 128>}, {transform_indices = @transform_1, window_bounds = array<i64: 512>}]} {
    %get3A = arith.constant 0 : index
    %get3A_0 = arith.constant 0 : index
    %get3A_1 = vector.load %arg1[%get3A, %get3A_0] : memref<512x128xf32, #tpu.memory_space<vmem>>, vector<512x128xf32>
    %iota3A = tpu.iota {dimensions = array<i32: 1>} : vector<512x128xi32>
    %lt3A = arith.constant 20 : i32
    %lt3A_2 = vector.broadcast %lt3A : i32 to vector<512x128xi32>
    %lt3A_3 = arith.cmpi slt, %iota3A, %lt3A_2 : vector<512x128xi32>
    %neg3A = arith.constant 0.000000e+00 : f32
    %neg3A_4 = vector.broadcast %neg3A : f32 to vector<512x128xf32>
    %neg3A_5 = arith.subf %neg3A_4, %get3A_1 : vector<512x128xf32>
    %select_n3A = arith.select %lt3A_3, %get3A_1, %neg3A_5 : vector<512x128xi1>, vector<512x128xf32>
    %lt3A_6 = arith.constant 120 : i32
    %lt3A_7 = vector.broadcast %lt3A_6 : i32 to vector<512x128xi32>
    %lt3A_8 = arith.cmpi slt, %iota3A, %lt3A_7 : vector<512x128xi32>
    %neg3A_9 = arith.constant 0.000000e+00 : f32
    %neg3A_10 = vector.broadcast %neg3A_9 : f32 to vector<512x128xf32>
    %neg3A_11 = arith.subf %neg3A_10, %select_n3A : vector<512x128xf32>
    %custom_jvp_call3A = arith.constant 0.000000e+00 : f32
    %max3A = vector.broadcast %custom_jvp_call3A : f32 to vector<512x128xf32>
    %max3A_12 = arith.maximumf %neg3A_11, %max3A : vector<512x128xf32>
    %sub3A = vector.broadcast %custom_jvp_call3A : f32 to vector<512x128xf32>
    %sub3A_13 = arith.subf %neg3A_11, %sub3A : vector<512x128xf32>
    %ne3A = arith.cmpf one, %sub3A_13, %sub3A_13 : vector<512x128xf32>
    %add3A = vector.broadcast %custom_jvp_call3A : f32 to vector<512x128xf32>
    %add3A_14 = arith.addf %neg3A_11, %add3A : vector<512x128xf32>
    %abs3A = math.absf %sub3A_13 : vector<512x128xf32>
    %neg3A_15 = arith.constant 0.000000e+00 : f32
    %neg3A_16 = vector.broadcast %neg3A_15 : f32 to vector<512x128xf32>
    %neg3A_17 = arith.subf %neg3A_16, %abs3A : vector<512x128xf32>
    %exp3A = math.exp %neg3A_17 : vector<512x128xf32>
    %log1p3A = math.log1p %exp3A : vector<512x128xf32>
    %add3A_18 = arith.addf %max3A_12, %log1p3A : vector<512x128xf32>
    %select_n3A_19 = arith.select %ne3A, %add3A_14, %add3A_18 : vector<512x128xi1>, vector<512x128xf32>
    %neg3A_20 = arith.constant 0.000000e+00 : f32
    %neg3A_21 = vector.broadcast %neg3A_20 : f32 to vector<512x128xf32>
    %neg3A_22 = arith.subf %neg3A_21, %select_n3A_19 : vector<512x128xf32>
    %jit3A = arith.constant 0.000000e+00 : f32
    %broadcast_in_dim3A = vector.broadcast %jit3A : f32 to vector<512x128xf32>
    %select_n3A_23 = arith.select %lt3A_8, %neg3A_22, %broadcast_in_dim3A : vector<512x128xi1>, vector<512x128xf32>
    %reduce_sum3A = arith.constant dense<0.000000e+00> : vector<512xf32>
    %reduce_sum3A_24 = vector.multi_reduction <add>, %select_n3A_23, %reduce_sum3A [1] : vector<512x128xf32> to vector<512xf32>
    %neg3A_25 = arith.constant 0.000000e+00 : f32
    %neg3A_26 = vector.broadcast %neg3A_25 : f32 to vector<512xf32>
    %neg3A_27 = arith.subf %neg3A_26, %reduce_sum3A_24 : vector<512xf32>
    %swap3A = arith.constant 0 : index
    %swap3A_28 = vector.load %arg2[%swap3A] : memref<512xf32, #tpu.memory_space<vmem>>, vector<512xf32>
    tpu.vector_store %arg2[%swap3A], %neg3A_27 {strides = array<i32>} : memref<512xf32, #tpu.memory_space<vmem>>, vector<512xf32>,
    return
  }
  func.func @transform_0(%arg0: i32) -> (i32, i32) {
    %c0_i32 = arith.constant 0 : i32
    %c0_i32_0 = arith.constant 0 : i32
    return %arg0, %c0_i32 : i32, i32
  }
  func.func @transform_1(%arg0: i32) -> i32 {
    %c0_i32 = arith.constant 0 : i32
    return %arg0 : i32
  }
}

</mosaic_0001>

<sc_bundles>
// kernel: kernel.4.cloned.1.call-start
scs
__scs_entry_jumppad:
0x0: {  	(pc) =	sbr.rel $0x88, $3  }
0x1: {  	(tag) =	ssettag $0x0;
	lr =	simm.s32 $0x1  }
0x2: {  	[smem:$0x3F9C] =	sst lr;
	_ =	strace $0xD0000000  }
0x3: {  	_ = 	snop  }
0x4: {  	_ = 	snop  }
0x5: {  	_ = 	snop  }
0x6: {  	_ = 	snop  }
0x7: {  	_ = 	snop  }
__scs_overlays_trampoline_lowered:
0x8: {  	[smem:$0x3FAB] =	sst s0  }
0x9: {  	[smem:$0x3FAC] =	sst s1  }
0xa: {  	[smem:$0x3FAD] =	sst s2  }
0xb: {  	[smem:$0x3FAE] =	sst s3  }
0xc: {  	[smem:$0x3FAF] =	sst s4  }
0xd: {  	[smem:$0x3FB0] =	sst s5  }
0xe: {  	[smem:$0x3FB1] =	sst s6  }
0xf: {  	[smem:$0x3FB2] =	sst s7  }
0x10: {  	[smem:$0x3FB3] =	sst s8  }
0x11: {  	[smem:$0x3FB4] =	sst s9;
	s0 =	simm.s32 @!p0 $0x0  }
0x12: {  	s1 =	sld [smem:$0x3F9A];
	s0 =	simm.s32 @p0 $0x1  }
0x13: {  	[smem:$0x3FB5] =	sst s0;
	s0 =	simm.s32 @!p1 $0x0  }
0x14: {  	s2 =	sld [smem:$0x3F99];
	s0 =	simm.s32 @p1 $0x1  }
0x15: {  	[smem:$0x3FB6] =	sst s0;
	s0 =	simm.s32 @!p2 $0x0  }
0x16: {  	s3 =	sld [smem:$0x3FDB];
	s0 =	simm.s32 @p2 $0x1  }
0x17: {  	s4 =	simm.s32 $0x1BF5;
	[smem:$0x3FB8] =	sst s0  }
0x18: {  	s0 =	sld [smem:$0x3F9B];
	_ =	swait.ge [sflag:s4], $0x0  }
0x19: {  	s7 =	sld [smem:$0x3F9C]  }
0x1a: {  	s8 =	sadd.s32 $0xFFFFE003, lr  }
0x1b: {  	s9 =	sadd.s32 $0xFFFFFEF7, lr;
	s5 =	simm.s32 $0xFFFFFFFF;
	p2 =	slt.u32 s8, $0xFFFFF086  }
0x1c: {  	p1 =	slt.u32 s9, $0xF7A;
	s5 =	simm.s32 @!p2 $0x0  }
0x1d: {  	s5 =	simm.s32 @p1 $0x1;
	p0 =	seq.s32 s7, s2  }
0x1e: {  	s7 =	smul.u32 @!p0 $0xF7A, s2;
	p2 =	seq.s32 @!p0 s5, $0x0  }
0x1f: {  	s9 =	smul.u32 $0xF7A, s1;
	s8 =	simm.s32 @!p0 $0x1BF5;
	p2 =	por !p2, p0  }
0x20: {  	[sflag:s8] =	ssyncset.s32 @!p0 $0xFFFFF086;
	s6 =	sadd.s32 @!p0 s3, s7;
	s7 =	simm.s32 @!p0 $0x108  }
0x21: {  	s3 =	sadd.s32 s3, s9;
	s6 =	sadd.s32 @!p0 $0x88, s6;
	s7 =	simm.s32 @p2 $0x1082  }
0x22: {  	[simem:s7], [sflag:s8] =	dma.local @!p0 [hbm:s6], $0xF7A  }
0x23: {  	s9 =	sor.u32 $0xD0000000, s2;
	s6 =	simm.s32 $0x108;
	_ =	swait.ge @!p0 [sflag:s8], $0x0  }
0x24: {  	s3 =	sadd.s32 $0x88, s3;
	s6 =	simm.s32 @!p1 $0x1082;
	[sflag:s4] =	ssyncset.s32 $0xFFFFF086  }
0x25: {  	[simem:s6], [sflag:s4] =	dma.local [hbm:s3], $0xF7A  }
0x26: {  	[smem:$0x3F9C] =	sst s1;
	(tag) =	ssettag s2;
	_ =	strace s9  }
0x27: {  	s1 =	sld [smem:$0x3FAC]  }
0x28: {  	s2 =	sld [smem:$0x3FAD]  }
0x29: {  	s4 =	sld [smem:$0x3FAF]  }
0x2a: {  	p0 =	seq.s32 s5, $0x0;
	s5 =	sld [smem:$0x3FB0]  }
0x2b: {  	s6 =	sld [smem:$0x3FB1]  }
0x2c: {  	s7 =	sld [smem:$0x3FB2]  }
0x2d: {  	s3 =	simm.s32 $0x108;
	s8 =	sld [smem:$0x3FB3]  }
0x2e: {  	s3 =	simm.s32 @!p0 $0x1082;
	s9 =	sld [smem:$0x3FB4]  }
0x2f: {  	lr =	sadd.s32 s0, s3;
	s0 =	sld [smem:$0x3FAB]  }
0x30: {  	s3 =	sld [smem:$0x3FAE]  }
0x31: {  	[smem:$0x3FB7] =	sst s10  }
0x32: {  	s10 =	sld [smem:$0x3FB5];
	_ =	sdelay $0x3  }
0x33: {  	p0 =	seq.s32 s10, $0x1;
	s10 =	sld [smem:$0x3FB7];
	_ =	sdelay $0x3  }
0x34: {  	[smem:$0x3FB7] =	sst s10  }
0x35: {  	s10 =	sld [smem:$0x3FB6];
	_ =	sdelay $0x3  }
0x36: {  	p1 =	seq.s32 s10, $0x1;
	s10 =	sld [smem:$0x3FB7];
	_ =	sdelay $0x3  }
0x37: {  	[smem:$0x3FB7] =	sst s10  }
0x38: {  	s10 =	sld [smem:$0x3FB8]  }
0x39: {  	_ = 	snop;
	(pc) =	sbr.ind lr, $3  }
0x3a: {  	_ = 	snop  }
0x3b: {  	_ = 	snop  }
0x3c: {  	p2 =	seq.s32 s10, $0x1;
	s10 =	sld [smem:$0x3FB7]  }
0x3d: {  	_ =	shalt  }
0x3e: {  	_ =	shalt  }
0x3f: {  	_ =	shalt  }
0x40: {  	_ =	shalt  }
0x41: {  	_ =	shalt  }
0x42: {  	_ =	shalt  }
0x43: {  	_ =	shalt  }
0x44: {  	_ =	shalt  }
0x45: {  	_ =	shalt  }
0x46: {  	_ =	shalt  }
0x47: {  	_ =	shalt  }
0x48: {  	_ =	shalt  }
0x49: {  	_ =	shalt  }
0x4a: {  	_ =	shalt  }
0x4b: {  	_ =	shalt  }
0x4c: {  	_ =	shalt  }
0x4d: {  	_ =	shalt  }
0x4e: {  	_ =	shalt  }
0x4f: {  	_ =	shalt  }
0x50: {  	_ =	shalt  }
0x51: {  	_ =	shalt  }
0x52: {  	_ =	shalt  }
0x53: {  	_ =	shalt  }
0x54: {  	_ =	shalt  }
0x55: {  	_ =	shalt  }
0x56: {  	_ =	shalt  }
0x57: {  	_ =	shalt  }
0x58: {  	_ =	shalt  }
0x59: {  	_ =	shalt  }
0x5a: {  	_ =	shalt  }
0x5b: {  	_ =	shalt  }
0x5c: {  	_ =	shalt  }
0x5d: {  	_ =	shalt  }
0x5e: {  	_ =	shalt  }
0x5f: {  	_ =	shalt  }
0x60: {  	_ =	shalt  }
0x61: {  	_ =	shalt  }
0x62: {  	_ =	shalt  }
0x63: {  	_ =	shalt  }
0x64: {  	_ =	shalt  }
0x65: {  	_ =	shalt  }
0x66: {  	_ =	shalt  }
0x67: {  	_ =	shalt  }
0x68: {  	_ =	shalt  }
0x69: {  	_ =	shalt  }
0x6a: {  	_ =	shalt  }
0x6b: {  	_ =	shalt  }
0x6c: {  	_ =	shalt  }
0x6d: {  	_ =	shalt  }
0x6e: {  	_ =	shalt  }
0x6f: {  	_ =	shalt  }
0x70: {  	_ =	shalt  }
0x71: {  	_ =	shalt  }
0x72: {  	_ =	shalt  }
0x73: {  	_ =	shalt  }
0x74: {  	_ =	shalt  }
0x75: {  	_ =	shalt  }
0x76: {  	_ =	shalt  }
0x77: {  	_ =	shalt  }
0x78: {  	_ =	shalt  }
0x79: {  	_ =	shalt  }
0x7a: {  	_ =	shalt  }
0x7b: {  	_ =	shalt  }
0x7c: {  	_ =	shalt  }
0x7d: {  	_ =	shalt  }
0x7e: {  	_ =	shalt  }
0x7f: {  	_ =	shalt  }
0x80: {  	_ =	shalt  }
0x81: {  	_ =	shalt  }
0x82: {  	_ =	shalt  }
0x83: {  	_ =	shalt  }
0x84: {  	_ =	shalt  }
0x85: {  	_ =	shalt  }
0x86: {  	_ =	shalt  }
0x87: {  	_ =	shalt  }
.Lfunc_end0:
.L_simem_size_0:
called_computation_lowered:
.L_overlay_start_0:
0x88: {  	s2 =	sld [smem:$0x3FD9]  }
0x89: {  	s3 =	sld [smem:$0x3FFE];
	_ =	sdelay $0x1  }
0x8a: {  	s1 =	srdreg.scid  }
0x8b: {  	s0 =	sand.u32 $0x1, s1  }
0x8c: {  	s17 =	sshll.u32 s0, $0xA;
	s2 =	sadd.s32 s3, s2  }
0x8d: {  	s2 =	sadd.s32 s2, s17  }
0x8e: {  	[smem:$0x3FC3] =	sst s2  }
0x8f: {  	_ = 	snop  }
0x90: {  	s2 =	sld [smem:$0x3FC9];
	(tm) =	ssettm $0x1  }
0x91: {  	s18 =	sld [smem:$0x3FFB];
	_ =	sdelay $0x3  }
0x92: {  	_ =	strace s18  }
0x93: {  	s3 =	sld [smem:$0x3FFC];
	_ =	sdelay $0x3  }
0x94: {  	_ =	strace s3  }
0x95: {  	s3 =	sld [smem:$0x3FFD];
	_ =	sdelay $0x3  }
0x96: {  	_ =	strace s3  }
0x97: {  	_ =	strace $0x8FFFFFFF  }
0x98: {  	s19 =	sld [smem:$0x3FDB];
	_ =	sdelay $0x1  }
0x99: {  	s4 =	simm.s32 $_scs_section_size  }
0x9a: {  	s5 =	simm.s32 $_size__tile_overlayer_lowered;
	s6 =	simm.s32 $_tile_overlayer_lowered  }
0x9b: {  	s22 =	simm.s32 $0x1BFF;
	s21 =	sshll.u32 s6, $0x1;
	s3 =	sadd.s32 s4, s19  }
0x9c: {  	s7 =	simm.s32 $0x0;
	s20 =	sshll.u32 s5, $0x1;
	s5 =	sadd.s32 s21, s3  }
0x9d: {  	[timem:s7], [sflag:s22] =	dma.local [hbm:s5], s20  }
0x9e: {  	_ =	swait.ge [sflag:s22], s20  }
0x9f: {  	s4 =	ssub.s32 $0x0, s20;
	[sflag:s22] =	ssyncset.done $0x0  }
0xa0: {  	[sflag:s22] =	ssyncadd.s32 s4;
	_ =	sdelay $0x1  }
0xa1: {  	s23 =	simm.s32 $0x1B8B  }
0xa2: {  	_ =	swait.ge [sflag:s23], $0x1  }
0xa3: {  	[sflag:s23] =	ssyncset.done $0x0  }
0xa4: {  	s25 =	simm.s32 $0x1B8E;
	s24 =	sld [smem:$0x3FFE];
	[sflag:s23] =	ssyncadd.s32 $0xFFFFFFFF  }
0xa5: {  	s26 =	simm.s32 $execute0_lowered;
	[smem:$0x3FD2] =	sst s25  }
0xa6: {  	s5 =	sshll.u32 s26, $0x1;
	_ =	strace $0x80000046;
	[dreg:$0x1] =	wrdreg $0xFFFFFFFF  }
0xa7: {  	s28 =	simm.s32 $_size_execute0_lowered;
	s3 =	sadd.s32 s3, s5;
	[dreg:$0x0] =	wrdreg $0x0  }
0xa8: {  	s5 =	sshll.u32 s28, $0x1;
	[dreg:$0x2] =	wrdreg s3  }
0xa9: {  	[dreg:$0x3] =	wrdreg s5  }
0xaa: {  	[dreg:$0x4] =	wrdreg $0xC0  }
0xab: {  	_ =	task [dreg:s7], $0x5FFFF  }
0xac: {  	[dreg:$0x1] =	wrdreg $0xFFFFFFFF  }
0xad: {  	[dreg:$0x0] =	wrdreg $0x60  }
0xae: {  	[dreg:$0x2] =	wrdreg s2  }
0xaf: {  	[dreg:$0x3] =	wrdreg s24  }
0xb0: {  	[dreg:$0x4] =	wrdreg $0x9  }
0xb1: {  	_ =	task.clear_ibuf [dreg:s7], $0x5FFFF;
	_ =	strace $0x90000046  }
0xb2: {  	s29 =	simm.s32 $0x9;
	_ =	strace $0x80000048  }
0xb3: {  	_ =	swait.ge [sflag:s29], $0x1  }
0xb4: {  	[sflag:s29] =	ssyncadd.s32 $0xFFFFFFFF  }
0xb5: {  	_ =	strace $0x90000048  }
0xb6: {  	_ =	sfence  }
0xb7: {  	s30 =	sld [smem:$0x0];
	_ =	sdelay $0x2  }
0xb8: {  	s31 =	sshll.u32 s1, $0xD;
	s1 =	sshrl.u32 s1, $0x2  }
0xb9: {  	s3 =	sand.u32 $0x4000, s31;
	s1 =	sadd.s32 s1, s30  }
0xba: {  	s0 =	sor.u32 s3, s0;
	s1 =	sshll.u32 s1, $0x11  }
0xbb: {  	s0 =	sor.u32 s1, s0  }
0xbc: {  	s0 =	sadd.s32 $0x8F2B, s0  }
0xbd: {  	[sflag:s0] =	ssyncadd.remote.s32 $0x1  }
0xbe: {  	_ =	sfence.sel $0xFFFF  }
0xbf: {  	[dreg:$0x0] =	wrdreg $0xFFFFFFFF;
	(pc) =	sbr.abs _section_cstart, $3  }
0xc0: {  	[dreg:$0x1] =	wrdreg $0xFFFFFFFF  }
0xc1: {  	_ =	task.clear_ibuf [dreg:s7], $0x2FFFF;
	_ =	strace $0x9FFFFFFF  }
0xc2: {  	(tm) =	ssettm $0x7FFFFFFF  }
0xc3: {  	_ =	shalt  }
tec
execute0_lowered:
.L_overlay_start_1:
0x0: {  	(tag) =	ssettag $0x1  }
0x1: {  	s1 =	rddreg [dreg:$0x0]  }
0x2: {  	s0 =	rddreg [dreg:$0x1];
	s2 =	simm.s32 $0x0;
	s3 =	srdreg.scid  }
0x3: {  	s7 =	stileid.u32;
	s28 =	simm.s32 $0x14;
	s30 =	simm.s32 $0x64  }
0x4: {  	s19 =	simm.s32 $0x1;
	s29 =	simm.s32 $0x2;
	s31 =	simm.s32 $0x4  }
0x5: {  	[smem:$0x7FF] =	sst s2;
	s4 =	sadd.s32 $0x34A00, s0;
	s5 =	sadd.s32 $0xA00, s0  }
0x6: {  	s3 =	sand.u32 $0x1, s3;
	s6 =	sadd.s32 $0x16E4000, s0;
	s8 =	sshll.u32 s7, $0xA  }
0x7: {  	s7 =	sadd.s32 $0xF42E00, s0;
	s18 =	sadd.s32 $0x40A80, s0;
	s9 =	sshll.u32 s3, $0x9  }
0x8: {  	_ =	strace $0x80000047;
	s3 =	ssub.s32 $0x2, s3;
	s9 =	sor.u32 s9, s8  }
0x9: {  	s8 =	sadd.s32 $0x40A00, s0;
	s10 =	sshrl.u32 s3, $0x1;
	s11 =	smul.u32 $0x3, s9  }
0xa: {  	s12 =	sshrl.u32 s9, $0x3;
	s13 =	smul.u32 $0xD, s9;
	s14 =	sor.u32 $0x8, s9  }
0xb: {  	s15 =	sor.u32 $0x10, s9;
	s16 =	sshll.u32 s9, $0x4;
	s9 =	sor.u32 $0x18, s9  }
0xc: {  	s3 =	ssub.s32 s3, s10;
	s21 =	sadd.s32 s1, s12;
	[dreg:$0x9] =	wrdreg s9  }
0xd: {  	s0 =	simm.s32 $0x1F410;
	s26 =	smax.u32 s3, $0x1;
	[dreg:$0x3] =	wrdreg s21  }
0xe: {  	s22 =	smul.u32 $0x3, s14;
	s11 =	sadd.s32 s4, s11;
	[dreg:$0xa] =	wrdreg s26  }
0xf: {  	s23 =	sshrl.u32 s14, $0x3;
	s13 =	sadd.s32 s5, s13;
	[dreg:$0x4] =	wrdreg s11  }
0x10: {  	vm0 =	vmmov $0x1;
	vm1 =	vmmov $0x3;
	vm2 =	vmmov $0x7;
	s24 =	smul.u32 $0xD, s14;
	[dreg:$0x5] =	wrdreg s13;
	s11 =	sadd.s32 s1, s23  }
0x11: {  	vm3 =	vmmov $0xf;
	vm4 =	vmmov $0x1f;
	vm5 =	vmmov $0x3f;
	s3 =	simm.s32 $0x3;
	s10 =	sadd.s32 s4, s22;
	[dreg:$0x6] =	wrdreg s11  }
0x12: {  	vm6 =	vmmov $0x7f;
	vm7 =	vmmov $0xff;
	vm8 =	vmmov $0x1ff;
	s25 =	sadd.s32 s5, s24;
	s22 =	simm.s32 $0x8;
	[dreg:$0x7] =	wrdreg s10  }
0x13: {  	vm9 =	vmmov $0x3ff;
	vm10 =	vmmov $0x7ff;
	vm11 =	vmmov $0xfff;
	s23 =	simm.s32 $0xD0;
	s24 =	simm.s32 $0x4D0;
	[dreg:$0x8] =	wrdreg s25  }
0x14: {  	vm12 =	vmmov $0x1fff;
	vm13 =	vmmov $0x3fff;
	vm14 =	vmmov $0x7fff;
	s25 =	simm.s32 $0x5;
	s11 =	simm.s32 $0x6;
	s10 =	simm.s32 $0x0  }
.LBB2_1:
0x15: {  	[dreg:$0xb] =	wrdreg s10  }
0x16: {  	s9 =	rddreg [dreg:$0x3]  }
0x17: {  	[tilespmem:s2], [sflag:$0x5] =	stream.linear.gather [hbm4b:s9+s2], $0x8, $0x38;
	[tilespmem:$0x1F810] =	vst v63  }
0x18: {  	s13 =	rddreg [dreg:$0x4];
	s10 =	simm.s32 $0x10  }
0x19: {  	[tilespmem:s10], [sflag:$0x5] =	stream.linear.gather [hbm4b:s13+s2], $0xC0, $0x38;
	[tilespmem:$0x1F810] =	vst v63  }
0x1a: {  	s14 =	rddreg [dreg:$0x5];
	s12 =	simm.s32 $0x190  }
0x1b: {  	[tilespmem:s12], [sflag:$0x5] =	stream.linear.gather [hbm4b:s14+s2], $0x340, $0x38;
	[tilespmem:$0x1F810] =	vst v63  }
0x1c: {  	s17 =	rddreg [dreg:$0x6]  }
0x1d: {  	[tilespmem:s22], [sflag:$0x6] =	stream.linear.gather [hbm4b:s17+s2], $0x8, $0x38;
	[tilespmem:$0x1F810] =	vst v63  }
0x1e: {  	s20 =	rddreg [dreg:$0x7]  }
0x1f: {  	[tilespmem:s23], [sflag:$0x6] =	stream.linear.gather [hbm4b:s20+s2], $0xC0, $0x38;
	[tilespmem:$0x1F810] =	vst v63  }
0x20: {  	s21 =	rddreg [dreg:$0x8]  }
0x21: {  	[tilespmem:s24], [sflag:$0x6] =	stream.linear.gather [hbm4b:s21+s2], $0x340, $0x38;
	[tilespmem:$0x1F810] =	vst v63  }
0x22: {  	_ =	swait.ge [sflag:s25], $0x8  }
0x23: {  	[sflag:s25] =	ssyncset.done $0x0  }
0x24: {  	[sflag:s25] =	ssyncadd.s32 $0xFFFFFFF8  }
0x25: {  	_ =	swait.ge [sflag:s25], $0xC0  }
0x26: {  	[sflag:s25] =	ssyncset.done $0x0  }
0x27: {  	[sflag:s25] =	ssyncadd.s32 $0xFFFFFF40  }
0x28: {  	_ =	swait.ge [sflag:s25], $0x340  }
0x29: {  	[sflag:s25] =	ssyncset.done $0x0  }
0x2a: {  	s26 =	simm.s32 $0x810;
	[sflag:s25] =	ssyncadd.s32 $0xFFFFFCC0  }
0x2b: {  	[tilespmem:s26], [sflag:$0x1] =	stream.indirect.gather [hbm4b:s6+s22], $0x40, s2, s22, $0xb8;
	[tilespmem:$0x1F810] =	vst v63  }
0x2c: {  	s13 =	simm.s32 $0xC10  }
0x2d: {  	[tilespmem:s13], [sflag:$0x1] =	stream.indirect.gather [hbm4b:s7+s28], $0x40, s10, s28, $0xb8;
	[tilespmem:$0x1F810] =	vst v63  }
0x2e: {  	s14 =	simm.s32 $0x1110  }
0x2f: {  	[tilespmem:s14], [sflag:$0x1] =	stream.indirect.gather [hbm4b:s7+s30], $0x40, s12, s30, $0xb8;
	[tilespmem:$0x1F810] =	vst v63  }
0x30: {  	s17 =	simm.s32 $0x28;
	s20 =	simm.s32 $0x2A10  }
0x31: {  	[tilespmem:s20], [sflag:$0x1] =	stream.indirect.gather [hbm4b:s7+s28], $0x40, s17, s28, $0xb8;
	[tilespmem:$0x1F810] =	vst v63  }
0x32: {  	s21 =	simm.s32 $0x1F8;
	s26 =	simm.s32 $0x2F10  }
0x33: {  	[tilespmem:s26], [sflag:$0x1] =	stream.indirect.gather [hbm4b:s7+s30], $0x40, s21, s30, $0xb8;
	[tilespmem:$0x1F810] =	vst v63  }
0x34: {  	s10 =	simm.s32 $0x40;
	s12 =	simm.s32 $0x4810  }
0x35: {  	[tilespmem:s12], [sflag:$0x1] =	stream.indirect.gather [hbm4b:s7+s28], $0x40, s10, s28, $0xb8;
	[tilespmem:$0x1F810] =	vst v63  }
0x36: {  	s13 =	simm.s32 $0x260;
	s14 =	simm.s32 $0x4D10  }
0x37: {  	[tilespmem:s14], [sflag:$0x1] =	stream.indirect.gather [hbm4b:s7+s30], $0x40, s13, s30, $0xb8;
	[tilespmem:$0x1F810] =	vst v63  }
0x38: {  	s17 =	simm.s32 $0x58;
	s20 =	simm.s32 $0x6610  }
0x39: {  	[tilespmem:s20], [sflag:$0x1] =	stream.indirect.gather [hbm4b:s7+s28], $0x40, s17, s28, $0xb8;
	[tilespmem:$0x1F810] =	vst v63  }
0x3a: {  	s21 =	simm.s32 $0x2C8;
	s26 =	simm.s32 $0x6B10  }
0x3b: {  	[tilespmem:s26], [sflag:$0x1] =	stream.indirect.gather [hbm4b:s7+s30], $0x40, s21, s30, $0xb8;
	[tilespmem:$0x1F810] =	vst v63  }
0x3c: {  	s10 =	simm.s32 $0x70;
	s12 =	simm.s32 $0x8410  }
0x3d: {  	[tilespmem:s12], [sflag:$0x1] =	stream.indirect.gather [hbm4b:s7+s28], $0x40, s10, s28, $0xb8;
	[tilespmem:$0x1F810] =	vst v63  }
0x3e: {  	s13 =	simm.s32 $0x330;
	s14 =	simm.s32 $0x8910  }
0x3f: {  	[tilespmem:s14], [sflag:$0x1] =	stream.indirect.gather [hbm4b:s7+s30], $0x40, s13, s30, $0xb8;
	[tilespmem:$0x1F810] =	vst v63  }
0x40: {  	s17 =	simm.s32 $0x88;
	s20 =	simm.s32 $0xA210  }
0x41: {  	[tilespmem:s20], [sflag:$0x1] =	stream.indirect.gather [hbm4b:s7+s28], $0x40, s17, s28, $0xb8;
	[tilespmem:$0x1F810] =	vst v63  }
0x42: {  	s21 =	simm.s32 $0x398;
	s26 =	simm.s32 $0xA710  }
0x43: {  	[tilespmem:s26], [sflag:$0x1] =	stream.indirect.gather [hbm4b:s7+s30], $0x40, s21, s30, $0xb8;
	[tilespmem:$0x1F810] =	vst v63  }
0x44: {  	s10 =	simm.s32 $0xA0;
	s12 =	simm.s32 $0xC010  }
0x45: {  	[tilespmem:s12], [sflag:$0x1] =	stream.indirect.gather [hbm4b:s7+s28], $0x40, s10, s28, $0xb8;
	[tilespmem:$0x1F810] =	vst v63  }
0x46: {  	s13 =	simm.s32 $0x400;
	s14 =	simm.s32 $0xC510  }
0x47: {  	[tilespmem:s14], [sflag:$0x1] =	stream.indirect.gather [hbm4b:s7+s30], $0x40, s13, s30, $0xb8;
	[tilespmem:$0x1F810] =	vst v63  }
0x48: {  	s17 =	simm.s32 $0xB8;
	s20 =	simm.s32 $0xDE10  }
0x49: {  	[tilespmem:s20], [sflag:$0x1] =	stream.indirect.gather [hbm4b:s7+s28], $0x40, s17, s28, $0xb8;
	[tilespmem:$0x1F810] =	vst v63  }
0x4a: {  	s9 =	simm.s32 $0x0;
	s21 =	simm.s32 $0x468;
	s26 =	simm.s32 $0xE310  }
0x4b: {  	[tilespmem:s26], [sflag:$0x1] =	stream.indirect.gather [hbm4b:s7+s30], $0x40, s21, s30, $0xb8;
	[tilespmem:$0x1F810] =	vst v63  }
.LBB2_2:
0x4c: {  	_ =	swait.ge [sflag:s11], $0x8  }
0x4d: {  	[sflag:s11] =	ssyncset.done $0x0  }
0x4e: {  	[sflag:s11] =	ssyncadd.s32 $0xFFFFFFF8  }
0x4f: {  	_ =	swait.ge [sflag:s11], $0xC0  }
0x50: {  	[sflag:s11] =	ssyncset.done $0x0  }
0x51: {  	[sflag:s11] =	ssyncadd.s32 $0xFFFFFF40  }
0x52: {  	_ =	swait.ge [sflag:s11], $0x340  }
0x53: {  	[sflag:s11] =	ssyncset.done $0x0  }
0x54: {  	s10 =	simm.s32 $0xA10;
	[sflag:s11] =	ssyncadd.s32 $0xFFFFFCC0  }
0x55: {  	[tilespmem:s10], [sflag:$0x2] =	stream.indirect.gather [hbm4b:s6+s22], $0x40, s22, s22, $0xb8;
	[tilespmem:$0x1F810] =	vst v63  }
0x56: {  	s14 =	simm.s32 $0xFE10  }
0x57: {  	[tilespmem:s14], [sflag:$0x2] =	stream.indirect.gather [hbm4b:s7+s28], $0x40, s23, s28, $0xb8;
	[tilespmem:$0x1F810] =	vst v63  }
0x58: {  	s17 =	simm.s32 $0x10310  }
0x59: {  	[tilespmem:s17], [sflag:$0x2] =	stream.indirect.gather [hbm4b:s7+s30], $0x40, s24, s30, $0xb8;
	[tilespmem:$0x1F810] =	vst v63  }
0x5a: {  	s20 =	simm.s32 $0xE8;
	s12 =	simm.s32 $0x11C10  }
0x5b: {  	[tilespmem:s12], [sflag:$0x2] =	stream.indirect.gather [hbm4b:s7+s28], $0x40, s20, s28, $0xb8;
	[tilespmem:$0x1F810] =	vst v63  }
0x5c: {  	s21 =	simm.s32 $0x538;
	s26 =	simm.s32 $0x12110  }
0x5d: {  	[tilespmem:s26], [sflag:$0x2] =	stream.indirect.gather [hbm4b:s7+s30], $0x40, s21, s30, $0xb8;
	[tilespmem:$0x1F810] =	vst v63  }
0x5e: {  	s13 =	simm.s32 $0x100;
	s14 =	simm.s32 $0x13A10  }
0x5f: {  	[tilespmem:s14], [sflag:$0x2] =	stream.indirect.gather [hbm4b:s7+s28], $0x40, s13, s28, $0xb8;
	[tilespmem:$0x1F810] =	vst v63  }
0x60: {  	s17 =	simm.s32 $0x5A0;
	s20 =	simm.s32 $0x13F10  }
0x61: {  	[tilespmem:s20], [sflag:$0x2] =	stream.indirect.gather [hbm4b:s7+s30], $0x40, s17, s30, $0xb8;
	[tilespmem:$0x1F810] =	vst v63  }
0x62: {  	s21 =	simm.s32 $0x118;
	s26 =	simm.s32 $0x15810  }
0x63: {  	[tilespmem:s26], [sflag:$0x2] =	stream.indirect.gather [hbm4b:s7+s28], $0x40, s21, s28, $0xb8;
	[tilespmem:$0x1F810] =	vst v63  }
0x64: {  	s13 =	simm.s32 $0x608;
	s14 =	simm.s32 $0x15D10  }
0x65: {  	[tilespmem:s14], [sflag:$0x2] =	stream.indirect.gather [hbm4b:s7+s30], $0x40, s13, s30, $0xb8;
	[tilespmem:$0x1F810] =	vst v63  }
0x66: {  	s17 =	simm.s32 $0x130;
	s20 =	simm.s32 $0x17610  }
0x67: {  	[tilespmem:s20], [sflag:$0x2] =	stream.indirect.gather [hbm4b:s7+s28], $0x40, s17, s28, $0xb8;
	[tilespmem:$0x1F810] =	vst v63  }
0x68: {  	s21 =	simm.s32 $0x670;
	s26 =	simm.s32 $0x17B10  }
0x69: {  	[tilespmem:s26], [sflag:$0x2] =	stream.indirect.gather [hbm4b:s7+s30], $0x40, s21, s30, $0xb8;
	[tilespmem:$0x1F810] =	vst v63  }
0x6a: {  	s13 =	simm.s32 $0x148;
	s14 =	simm.s32 $0x19410  }
0x6b: {  	[tilespmem:s14], [sflag:$0x2] =	stream.indirect.gather [hbm4b:s7+s28], $0x40, s13, s28, $0xb8;
	[tilespmem:$0x1F810] =	vst v63  }
0x6c: {  	s17 =	simm.s32 $0x6D8;
	s20 =	simm.s32 $0x19910  }
0x6d: {  	[tilespmem:s20], [sflag:$0x2] =	stream.indirect.gather [hbm4b:s7+s30], $0x40, s17, s30, $0xb8;
	[tilespmem:$0x1F810] =	vst v63  }
0x6e: {  	s21 =	simm.s32 $0x160;
	s26 =	simm.s32 $0x1B210  }
0x6f: {  	[tilespmem:s26], [sflag:$0x2] =	stream.indirect.gather [hbm4b:s7+s28], $0x40, s21, s28, $0xb8;
	[tilespmem:$0x1F810] =	vst v63  }
0x70: {  	s13 =	simm.s32 $0x740;
	s14 =	simm.s32 $0x1B710  }
0x71: {  	[tilespmem:s14], [sflag:$0x2] =	stream.indirect.gather [hbm4b:s7+s30], $0x40, s13, s30, $0xb8;
	[tilespmem:$0x1F810] =	vst v63  }
0x72: {  	s17 =	simm.s32 $0x178;
	s20 =	simm.s32 $0x1D010  }
0x73: {  	[tilespmem:s20], [sflag:$0x2] =	stream.indirect.gather [hbm4b:s7+s28], $0x40, s17, s28, $0xb8;
	[tilespmem:$0x1F810] =	vst v63  }
0x74: {  	s21 =	simm.s32 $0x7A8;
	s26 =	simm.s32 $0x1D510  }
0x75: {  	[tilespmem:s26], [sflag:$0x2] =	stream.indirect.gather [hbm4b:s7+s30], $0x40, s21, s30, $0xb8;
	[tilespmem:$0x1F810] =	vst v63  }
0x76: {  	p1 =	seq.s32 s9, $0x1F;
	_ =	swait.ge [sflag:s19], $0x200  }
0x77: {  	s10 =	sshll.u32 @!p1 s9, $0x4;
	[sflag:s19] =	ssyncset.done $0x0  }
0x78: {  	s10 =	sadd.s32 @!p1 s10, s15;
	[sflag:s19] =	ssyncadd.s32 $0xFFFFFE00  }
0x79: {  	p0 =	seq.s32 @!p1 s9, $0x0;
	s12 =	sshrl.u32 @!p1 s10, $0x3;
	_ =	swait.ge [sflag:s19], $0xF000  }
0x7a: {  	p0 =	por p1, !p0;
	s12 =	sadd.s32 @!p1 s1, s12;
	[sflag:s19] =	ssyncset.done $0x0  }
0x7b: {  	s13 =	simm.s32 @!p1 $0x0;
	s14 =	smul.u32 @!p1 $0x3, s10;
	[sflag:s19] =	ssyncadd.s32 $0xFFFF1000  }
0x7c: {  	[tilespmem:s13], [sflag:$0x5] =	stream.linear.gather @!p1 [hbm4b:s12+s13], $0x8, $0x38;
	[tilespmem:$0x1F810] =	vst v63  }
.Ltmp0:
0x7d: {  	_ = 	snop;
	(pc) =	sbr.rel @!p0 .LBB2_3-.Ltmp0, $4  }
0x7e: {  	s10 =	smul.u32 @!p1 $0xD, s10;
	s12 =	sadd.s32 @!p1 s4, s14;
	s14 =	simm.s32 @!p1 $0x10  }
0x7f: {  	[tilespmem:s14], [sflag:$0x5] =	stream.linear.gather @!p1 [hbm4b:s12+s13], $0xC0, $0x38;
	[tilespmem:$0x1F810] =	vst v63  }
0x80: {  	s10 =	sadd.s32 @!p1 s5, s10;
	s12 =	simm.s32 @!p1 $0x190  }
0x81: {  	[tilespmem:s12], [sflag:$0x5] =	stream.linear.gather @!p1 [hbm4b:s10+s13], $0x340, $0x38;
	[tilespmem:$0x1F810] =	vst v63  }
.Ltmp1:
0x82: {  	(pc) =	sbr.rel .LBB2_5-.Ltmp1, $4  }
0x83: {  	_ = 	snop  }
0x84: {  	_ =	swait.ge [sflag:s3], $0x400  }
0x85: {  	[sflag:s3] =	ssyncset.done $0x0  }
0x86: {  	p0 =	por $0x0, $0x0;
	[sflag:s3] =	ssyncadd.s32 $0xFFFFFC00  }
.LBB2_3:
0x87: {  	p0 =	por @!p1 $0x1, $0x1  }
.LBB2_5:
0x88: {  	s10 =	sshll.u32 s9, $0x8  }
0x89: {  	s20 =	simm.s32 $0x0;
	s21 =	simm.s32 $0x1F010;
	s13 =	simm.s32 $0xE10  }
.LBB2_6:
0x8a: {  	v4 =	vld [tilespmem:s13+$0x180]  }
0x8b: {  	v7 =	vld [tilespmem:s13+$0x190]  }
0x8c: {  	v8 =	vld [tilespmem:s13+$0x1A0]  }
0x8d: {  	v10 =	vld [tilespmem:s13+$0x1B0]  }
0x8e: {  	v5 =	vld [tilespmem:s13+$0x140]  }
0x8f: {  	v11 =	vld [tilespmem:s13+$0x100]  }
0x90: {  	v12 =	vld [tilespmem:s13+$0x110]  }
0x91: {  	v13 =	vld [tilespmem:s13+$0x120]  }
0x92: {  	v14 =	vld [tilespmem:s13+$0x130]  }
0x93: {  	v15 =	vld [tilespmem:s13+$0xC0]  }
0x94: {  	v16 =	vld [tilespmem:s13+$0xD0]  }
0x95: {  	v17 =	vld [tilespmem:s13+$0xE0]  }
0x96: {  	v18 =	vld [tilespmem:s13+$0xF0]  }
0x97: {  	v6 =	vld [tilespmem:s13+$0x80]  }
0x98: {  	v19 =	vld [tilespmem:s13+$0x40]  }
0x99: {  	v20 =	vld [tilespmem:s13+$0x50]  }
0x9a: {  	s12 =	sshll.u32 s20, $0x6;
	v21 =	vld [tilespmem:s13+$0x60]  }
0x9b: {  	v22 =	vld [tilespmem:s13+$0x70];
	s12 =	sand.u32 $0x3FFFFFC0, s12  }
0x9c: {  	v2 =	vld [tilespmem:s12+$0x810]  }
0x9d: {  	v3 =	vld [tilespmem:s12+$0x820]  }
0x9e: {  	v0 =	vld [tilespmem:s12+$0x830]  }
0x9f: {  	v1 =	vld [tilespmem:s12+$0x840]  }
0xa0: {  	v23 =	vld [tilespmem:s13+$0x0]  }
0xa1: {  	v24 =	vld [tilespmem:s13+$0x10]  }
0xa2: {  	v25 =	vld [tilespmem:s13+$0x20];
	v4 =	vmul.f32 v4, v2  }
0xa3: {  	v26 =	vld [tilespmem:s13+$0x30];
	v7 =	vmul.f32 v7, v3;
	v8 =	vmul.f32 v8, v0  }
0xa4: {  	v9 =	vld [tilespmem:s13+$0xFFFFFFC0];
	v10 =	vmul.f32 v10, v1;
	v19 =	vmul.f32 v19, v2  }
0xa5: {  	v27 =	vld [tilespmem:s13+$0xFFFFFF80];
	v20 =	vmul.f32 v20, v3;
	v4 =	vadd.f32 v7, v4;
	v7 =	vmul.f32 v11, v2  }
0xa6: {  	v28 =	vld [tilespmem:s13+$0xFFFFFF90];
	v11 =	vmul.f32 v12, v3;
	v8 =	vadd.f32 v10, v8;
	v10 =	vmul.f32 v13, v0  }
0xa7: {  	v29 =	vld [tilespmem:s13+$0xFFFFFFA0];
	v12 =	vmul.f32 v14, v1;
	v14 =	vmul.f32 v16, v3  }
0xa8: {  	v30 =	vld [tilespmem:s13+$0xFFFFFFB0];
	v16 =	vmul.f32 v18, v1;
	v7 =	vadd.f32 v11, v7;
	v11 =	vmul.f32 v15, v2  }
0xa9: {  	v13 =	vld [tilespmem:s13+$0xFFFFFF40];
	v4 =	vadd.f32 v8, v4;
	v8 =	vmul.f32 v17, v0;
	v10 =	vadd.f32 v12, v10  }
0xaa: {  	v18 =	vld [tilespmem:s13+$0xFFFFFF70];
	v11 =	vadd.f32 v14, v11;
	v14 =	vmul.f32 v21, v0;
	v21 =	vmul.f32 v22, v1  }
0xab: {  	v15 =	vld [tilespmem:s13+$0xFFFFFF50];
	v7 =	vadd.f32 v10, v7;
	v8 =	vadd.f32 v16, v8  }
0xac: {  	v17 =	vld [tilespmem:s13+$0xFFFFFF60];
	v16 =	vadd.f32 v20, v19;
	(xrf2) =	vadd.scan.msk.f32 $0xffff, v4;
	v14 =	vadd.f32 v21, v14  }
0xad: {  	v12 =	vld [tilespmem:s13+$0xFFFFFF00];
	v4 =	vadd.f32 v8, v11;
	(xrf2) =	vadd.scan.msk.f32 $0xffff, v7;
	v7 =	vmul.f32 v23, v2;
	v11 =	vmul.f32 v24, v3  }
0xae: {  	v10 =	vld [tilespmem:s13+$0xFFFFFEC0];
	v21 =	vmul.f32 v26, v1;
	v14 =	vadd.f32 v14, v16;
	v16 =	vmul.f32 v25, v0  }
0xaf: {  	v19 =	vld [tilespmem:s13+$0xFFFFFED0];
	(xrf2) =	vadd.scan.msk.f32 $0xffff, v4  }
0xb0: {  	v20 =	vld [tilespmem:s13+$0xFFFFFEF0];
	v7 =	vadd.f32 v11, v7;
	(xrf2) =	vadd.scan.msk.f32 $0xffff, v14;
	v14 =	vadd.f32 v21, v16  }
0xb1: {  	v22 =	vmul.f32 v28, v3;
	v8 =	vld [tilespmem:s13+$0xFFFFFEE0];
	v11 =	vmul.f32 v27, v2  }
0xb2: {  	v23 =	vld [tilespmem:s13+$0xFFFFFE90];
	v25 =	vmul.f32 v13, v2;
	v26 =	vadd.f32 v14, v7;
	v7 =	vmul.f32 v17, v0  }
0xb3: {  	v24 =	vld [tilespmem:s13+$0xFFFFFEA0];
	v16 =	vmul.f32 v29, v0;
	v21 =	vmul.f32 v30, v1  }
0xb4: {  	v4 =	vld [tilespmem:s13+$0xFFFFFE80];
	v10 =	vmul.f32 v10, v2;
	v17 =	vmul.f32 v18, v1  }
0xb5: {  	v13 =	vld [tilespmem:s13+$0xFFFFFE00];
	v19 =	vmul.f32 v19, v3;
	v11 =	vadd.f32 v22, v11;
	v16 =	vadd.f32 v21, v16  }
0xb6: {  	v15 =	vmul.f32 v15, v3;
	v22 =	vld [tilespmem:s13+$0xFFFFFEB0];
	v21 =	vadd.f32 v17, v7;
	v7, _, _ =	vpop (xrf2);
	(xrf2) =	vadd.scan.msk.f32 $0xffff, v26  }
0xb7: {  	v27 =	vadd.f32 v19, v10;
	v19 =	vld [tilespmem:s13+$0xFFFFFE60];
	v11 =	vadd.f32 v16, v11  }
0xb8: {  	v14 =	vld [tilespmem:s13+$0xFFFFFE10];
	v18 =	vadd.f32 v15, v25  }
0xb9: {  	v20 =	vmul.f32 v20, v1;
	v15 =	vld [tilespmem:s13+$0xFFFFFE20];
	v25 =	vmul.f32 v8, v0;
	v8, _, _ =	vpop (xrf2);
	(xrf2) =	vadd.scan.msk.f32 $0xffff, v11  }
0xba: {  	v17 =	vld [tilespmem:s13+$0xFFFFFE30];
	v21 =	vadd.f32 v21, v18  }
0xbb: {  	v63 =	vmul.f32 v23, v3;
	v16 =	vld [tilespmem:s13+$0xFFFFFE40];
	v25 =	vadd.f32 v20, v25;
	v26 =	vmul.f32 v4, v2  }
0xbc: {  	v23 =	vmul.f32 v24, v0;
	v24 =	vmul.f32 v22, v1;
	v18 =	vld [tilespmem:s13+$0xFFFFFE50];
	v10, _, _ =	vpop (xrf2);
	(xrf2) =	vadd.scan.msk.f32 $0xffff, v21  }
0xbd: {  	s14 =	simm.s32 $0x40;
	s17 =	smov.u32 s13;
	s12 =	simm.s32 $0x0;
	v20 =	vld [tilespmem:s13+$0xFFFFFE70];
	v4 =	vmov s21;
	v22 =	vadd.f32 v63, v26;
	v21 =	vadd.f32 v25, v27;
	v11, _, _ =	vpop (xrf2)  }
.LBB2_7:
0xbe: {  	p2 =	sne.s32 s14, $0x1C0;
	v13 =	vmul.f32 v13, v2;
	v14 =	vmul.f32 v14, v3;
	v23 =	vadd.f32 v24, v23;
	v24 =	vld [tilespmem:s17+$0xFFFFFF10]  }
0xbf: {  	v15 =	vmul.f32 v15, v0;
	v17 =	vmul.f32 v17, v1;
	v25 =	vld [tilespmem:s17+$0xFFFFFF20];
	(xrf2) =	vadd.scan.msk.f32 $0xffff, v21  }
0xc0: {  	v13 =	vadd.f32 v14, v13;
	v14 =	vadd.f32 v23, v22;
	v21 =	vld [tilespmem:s17+$0xFFFFFF30];
	v22, _, _ =	vpop (xrf2)  }
0xc1: {  	v16 =	vmul.f32 v16, v2;
	v26 =	vadd.f32 v17, v15;
	v17 =	vmul.f32 v18, v3;
	v18 =	vld [tilespmem:s17+$0xFFFFFFD0]  }
0xc2: {  	v19 =	vmul.f32 v19, v0;
	v20 =	vmul.f32 v20, v1;
	v23 =	vld [tilespmem:s17+$0xFFFFFFE0];
	(xrf2) =	vadd.scan.msk.f32 $0xffff, v14  }
0xc3: {  	v12 =	vmul.f32 v12, v2;
	v13 =	vadd.f32 v26, v13;
	v14 =	vld [tilespmem:s17+$0xFFFFFFF0];
	v15, _, _ =	vpop (xrf2)  }
0xc4: {  	v16 =	vadd.f32 v17, v16;
	v26 =	vadd.f32 v20, v19;
	v19 =	vmul.f32 v24, v3;
	v20 =	vld [tilespmem:s17+$0x90]  }
0xc5: {  	v24 =	vmul.f32 v25, v0;
	v21 =	vmul.f32 v21, v1;
	v25 =	vld [tilespmem:s17+$0xA0];
	(xrf2) =	vadd.scan.msk.f32 $0xffff, v13  }
0xc6: {  	v9 =	vmul.f32 v9, v2;
	v13 =	vadd.f32 v26, v16;
	v16 =	vld [tilespmem:s17+$0xB0];
	v17, _, _ =	vpop (xrf2)  }
0xc7: {  	v12 =	vadd.f32 v19, v12;
	v18 =	vmul.f32 v18, v3;
	v26 =	vadd.f32 v21, v24;
	v21 =	vld [tilespmem:s17+$0x150]  }
0xc8: {  	v23 =	vmul.f32 v23, v0;
	v14 =	vmul.f32 v14, v1;
	v24 =	vld [tilespmem:s17+$0x160];
	(xrf2) =	vadd.scan.msk.f32 $0xffff, v13  }
0xc9: {  	v6 =	vmul.f32 v6, v2;
	v12 =	vadd.f32 v26, v12;
	v13 =	vld [tilespmem:s17+$0x170];
	v19, _, _ =	vpop (xrf2)  }
0xca: {  	v9 =	vadd.f32 v18, v9;
	v18 =	vmul.f32 v20, v3;
	v26 =	vadd.f32 v14, v23;
	v20 =	vld [tilespmem:s17+$0x1C0]  }
0xcb: {  	v23 =	vmul.f32 v25, v0;
	v16 =	vmul.f32 v16, v1;
	v25 =	vld [tilespmem:s17+$0x1D0];
	(xrf2) =	vadd.scan.msk.f32 $0xffff, v12  }
0xcc: {  	v5 =	vmul.f32 v5, v2;
	v26 =	vadd.f32 v26, v9;
	v12 =	vld [tilespmem:s17+$0x1E0];
	v14, _, _ =	vpop (xrf2)  }
0xcd: {  	v6 =	vadd.f32 v18, v6;
	v18 =	vmul.f32 v21, v3;
	v16 =	vadd.f32 v16, v23;
	v21 =	vld [tilespmem:s17+$0x1F0]  }
0xce: {  	v23 =	vmul.f32 v24, v0;
	v13 =	vmul.f32 v13, v1;
	(xrf2) =	vadd.scan.msk.f32 $0xffff, v26  }
0xcf: {  	v6 =	vadd.f32 v16, v6;
	v9, _, _ =	vpop (xrf2)  }
0xd0: {  	v5 =	vadd.f32 v18, v5;
	v23 =	vadd.f32 v13, v23  }
0xd1: {  	v16 =	vmul.f32 v20, v2;
	v18 =	vmul.f32 v25, v3;
	(xrf2) =	vadd.scan.msk.f32 $0xffff, v6  }
0xd2: {  	v6 =	vmul.f32 v12, v0;
	v5 =	vadd.f32 v23, v5;
	v20 =	vmul.f32 v21, v1;
	v13, _, _ =	vpop (xrf2)  }
0xd3: {  	v9 =	vbroadcast v9, $0xF;
	v13 =	vbroadcast v13, $0xF  }
0xd4: {  	v14 =	vbroadcast v14, $0xF;
	v16 =	vadd.f32 v18, v16;
	v6 =	vadd.f32 v20, v6;
	(xrf2) =	vadd.scan.msk.f32 $0xffff, v5  }
0xd5: {  	v5 =	vsel vm0, v9, v13;
	v9 =	vbroadcast v19, $0xF;
	v12, _, _ =	vpop (xrf2)  }
0xd6: {  	v5 =	vsel vm1, v5, v14;
	v12 =	vbroadcast v12, $0xF;
	v6 =	vadd.f32 v6, v16  }
0xd7: {  	v5 =	vsel vm2, v5, v9;
	v9 =	vbroadcast v17, $0xF  }
0xd8: {  	v5 =	vsel vm3, v5, v12;
	v12 =	vbroadcast v15, $0xF;
	v13, _, _ =	vpop (xrf2);
	(xrf2) =	vadd.scan.msk.f32 $0xffff, v6  }
0xd9: {  	v5 =	vsel vm4, v5, v9;
	v6 =	vbroadcast v13, $0xF  }
0xda: {  	v9 =	vbroadcast v22, $0xF;
	v5 =	vsel vm5, v5, v12  }
0xdb: {  	v5 =	vsel vm6, v5, v6;
	v6 =	vbroadcast v11, $0xF;
	v11, _, _ =	vpop (xrf2)  }
0xdc: {  	v5 =	vsel vm7, v5, v9;
	v11 =	vbroadcast v11, $0xF  }
0xdd: {  	v5 =	vsel vm8, v5, v6;
	v6 =	vbroadcast v10, $0xF  }
0xde: {  	v8 =	vbroadcast v8, $0xF;
	v5 =	vsel vm9, v5, v11;
	v9, _, _ =	vpop (xrf2)  }
0xdf: {  	v5 =	vsel vm10, v5, v6;
	v9 =	vbroadcast v9, $0xF  }
0xe0: {  	v7 =	vbroadcast v7, $0xF;
	v5 =	vsel vm11, v5, v8  }
0xe1: {  	v5 =	vsel vm12, v5, v9  }
0xe2: {  	v5 =	vsel vm13, v5, v7;
	v6, _, _ =	vpop (xrf2)  }
0xe3: {  	s26 =	sshra.s32 s12, $0x2;
	s12 =	smov.u32 s14;
	v5 =	vsel vm14, v5, v6  }
0xe4: {  	s17 =	sadd.s32 $0x400, s17;
	[tilespmem:v4+s26+$0x0 ss:$0x1] =	vst.idx.msk $0xffff, v5  }
0xe5: {  	v7 =	vld [tilespmem:s17+$0x180]  }
0xe6: {  	v8 =	vld [tilespmem:s17+$0x190]  }
0xe7: {  	v10 =	vld [tilespmem:s17+$0x1A0]  }
0xe8: {  	v11 =	vld [tilespmem:s17+$0x1B0]  }
0xe9: {  	v5 =	vld [tilespmem:s17+$0x140]  }
0xea: {  	v12 =	vld [tilespmem:s17+$0x100]  }
0xeb: {  	v13 =	vld [tilespmem:s17+$0x110]  }
0xec: {  	v14 =	vld [tilespmem:s17+$0x120]  }
0xed: {  	v15 =	vld [tilespmem:s17+$0x130]  }
0xee: {  	v16 =	vld [tilespmem:s17+$0xC0]  }
0xef: {  	v17 =	vld [tilespmem:s17+$0xD0]  }
0xf0: {  	v18 =	vld [tilespmem:s17+$0xE0]  }
0xf1: {  	v19 =	vld [tilespmem:s17+$0xF0]  }
0xf2: {  	v6 =	vld [tilespmem:s17+$0x80]  }
0xf3: {  	v20 =	vld [tilespmem:s17+$0x40]  }
0xf4: {  	v21 =	vld [tilespmem:s17+$0x50]  }
0xf5: {  	v22 =	vld [tilespmem:s17+$0x60]  }
0xf6: {  	v23 =	vld [tilespmem:s17+$0x70]  }
0xf7: {  	v24 =	vld [tilespmem:s17+$0x0]  }
0xf8: {  	v25 =	vld [tilespmem:s17+$0x10]  }
0xf9: {  	v26 =	vld [tilespmem:s17+$0x20]  }
0xfa: {  	v7 =	vmul.f32 v7, v2;
	v8 =	vmul.f32 v8, v3;
	v27 =	vld [tilespmem:s17+$0x30]  }
0xfb: {  	v10 =	vmul.f32 v10, v0;
	v11 =	vmul.f32 v11, v1;
	v9 =	vld [tilespmem:s17+$0xFFFFFFC0]  }
0xfc: {  	v7 =	vadd.f32 v8, v7;
	v28 =	vld [tilespmem:s17+$0xFFFFFF80]  }
0xfd: {  	v12 =	vmul.f32 v12, v2;
	v10 =	vadd.f32 v11, v10;
	v13 =	vmul.f32 v13, v3;
	v8 =	vld [tilespmem:s17+$0xFFFFFF90]  }
0xfe: {  	v14 =	vmul.f32 v14, v0;
	v15 =	vmul.f32 v15, v1;
	v11 =	vld [tilespmem:s17+$0xFFFFFFA0]  }
0xff: {  	v7 =	vadd.f32 v10, v7;
	v12 =	vadd.f32 v13, v12;
	v29 =	vld [tilespmem:s17+$0xFFFFFFB0]  }
0x100: {  	v13 =	vmul.f32 v16, v2;
	v16 =	vmul.f32 v17, v3;
	v14 =	vadd.f32 v15, v14;
	v10 =	vld [tilespmem:s17+$0xFFFFFF40]  }
0x101: {  	v17 =	vmul.f32 v18, v0;
	v18 =	vmul.f32 v19, v1;
	v15 =	vld [tilespmem:s17+$0xFFFFFF50];
	(xrf2) =	vadd.scan.msk.f32 $0xffff, v7  }
0x102: {  	v7 =	vadd.f32 v16, v13;
	v13 =	vadd.f32 v14, v12;
	v19 =	vld [tilespmem:s17+$0xFFFFFF60]  }
0x103: {  	v17 =	vadd.f32 v18, v17;
	v16 =	vmul.f32 v20, v2;
	v20 =	vmul.f32 v21, v3;
	v14 =	vld [tilespmem:s17+$0xFFFFFF70]  }
0x104: {  	v18 =	vmul.f32 v22, v0;
	v21 =	vmul.f32 v23, v1;
	v12 =	vld [tilespmem:s17+$0xFFFFFF00];
	(xrf2) =	vadd.scan.msk.f32 $0xffff, v13  }
0x105: {  	v7 =	vadd.f32 v17, v7;
	v13 =	vadd.f32 v20, v16;
	v22 =	vld [tilespmem:s17+$0xFFFFFEC0]  }
0x106: {  	v17 =	vmul.f32 v24, v2;
	v18 =	vadd.f32 v21, v18;
	v20 =	vmul.f32 v25, v3;
	v16 =	vld [tilespmem:s17+$0xFFFFFED0]  }
0x107: {  	v23 =	vmul.f32 v26, v0;
	v24 =	vmul.f32 v27, v1;
	v21 =	vld [tilespmem:s17+$0xFFFFFEE0];
	(xrf2) =	vadd.scan.msk.f32 $0xffff, v7  }
0x108: {  	v27 =	vadd.f32 v20, v17;
	v13 =	vadd.f32 v18, v13;
	v25 =	vld [tilespmem:s17+$0xFFFFFEF0]  }
0x109: {  	v8 =	vmul.f32 v8, v3;
	v17 =	vmul.f32 v28, v2;
	v18 =	vadd.f32 v24, v23;
	v20 =	vld [tilespmem:s17+$0xFFFFFE80]  }
0x10a: {  	v11 =	vmul.f32 v11, v0;
	v24 =	vmul.f32 v29, v1;
	v23 =	vld [tilespmem:s17+$0xFFFFFE90];
	(xrf2) =	vadd.scan.msk.f32 $0xffff, v13  }
0x10b: {  	v28 =	vadd.f32 v8, v17;
	v17 =	vadd.f32 v18, v27;
	v26 =	vld [tilespmem:s17+$0xFFFFFEA0];
	v7, _, _ =	vpop (xrf2)  }
0x10c: {  	v10 =	vmul.f32 v10, v2;
	v15 =	vmul.f32 v15, v3;
	v11 =	vadd.f32 v24, v11;
	v27 =	vld [tilespmem:s17+$0xFFFFFEB0]  }
0x10d: {  	v18 =	vmul.f32 v19, v0;
	v19 =	vmul.f32 v14, v1;
	v13 =	vld [tilespmem:s17+$0xFFFFFE00];
	(xrf2) =	vadd.scan.msk.f32 $0xffff, v17  }
0x10e: {  	v29 =	vadd.f32 v15, v10;
	v11 =	vadd.f32 v11, v28;
	v14 =	vld [tilespmem:s17+$0xFFFFFE10];
	v8, _, _ =	vpop (xrf2)  }
0x10f: {  	v22 =	vmul.f32 v22, v2;
	v18 =	vadd.f32 v19, v18;
	v24 =	vmul.f32 v16, v3;
	v15 =	vld [tilespmem:s17+$0xFFFFFE20]  }
.Ltmp2:
0x110: {  	v19 =	vmul.f32 v21, v0;
	v21 =	vmul.f32 v25, v1;
	v17 =	vld [tilespmem:s17+$0xFFFFFE30];
	(xrf2) =	vadd.scan.msk.f32 $0xffff, v11;
	(pc) =	sbr.rel @p2 .LBB2_7-.Ltmp2, $4  }
0x111: {  	v30 =	vadd.f32 v24, v22;
	v22 =	vadd.f32 v18, v29;
	v16 =	vld [tilespmem:s17+$0xFFFFFE40];
	v10, _, _ =	vpop (xrf2)  }
0x112: {  	v25 =	vmul.f32 v20, v2;
	v28 =	vmul.f32 v23, v3;
	v21 =	vadd.f32 v21, v19;
	v18 =	vld [tilespmem:s17+$0xFFFFFE50]  }
0x113: {  	v23 =	vmul.f32 v26, v0;
	v24 =	vmul.f32 v27, v1;
	v19 =	vld [tilespmem:s17+$0xFFFFFE60];
	(xrf2) =	vadd.scan.msk.f32 $0xffff, v22  }
0x114: {  	s14 =	sadd.s32 $0x40, s14;
	v21 =	vadd.f32 v21, v30;
	v22 =	vadd.f32 v28, v25;
	v20 =	vld [tilespmem:s17+$0xFFFFFE70];
	v11, _, _ =	vpop (xrf2)  }
0x115: {  	v25 =	vld [tilespmem:s17+$0xFFFFFF10]  }
0x116: {  	v13 =	vmul.f32 v13, v2;
	v14 =	vmul.f32 v14, v3;
	v26 =	vld [tilespmem:s17+$0xFFFFFF20]  }
0x117: {  	v15 =	vmul.f32 v15, v0;
	v17 =	vmul.f32 v17, v1;
	v44 =	vld [tilespmem:s17+$0xFFFFFF30]  }
0x118: {  	v23 =	vadd.f32 v24, v23;
	v47 =	vld [tilespmem:s17+$0xFFFFFFD0];
	v45 =	vmul.f32 v16, v2;
	v46 =	vmul.f32 v18, v3  }
0x119: {  	v48 =	vld [tilespmem:s17+$0xFFFFFFE0];
	v13 =	vadd.f32 v14, v13;
	v19 =	vmul.f32 v19, v0;
	v20 =	vmul.f32 v20, v1  }
0x11a: {  	v49 =	vld [tilespmem:s17+$0xFFFFFFF0];
	v12 =	vmul.f32 v12, v2;
	v22 =	vadd.f32 v23, v22;
	v15 =	vadd.f32 v17, v15  }
0x11b: {  	v52 =	vld [tilespmem:s17+$0x90];
	v14 =	vadd.f32 v46, v45;
	v51 =	vmul.f32 v25, v3;
	v50 =	vadd.f32 v20, v19  }
0x11c: {  	v55 =	vld [tilespmem:s17+$0xA0];
	(xrf2) =	vadd.scan.msk.f32 $0xffff, v21;
	v13 =	vadd.f32 v15, v13;
	v53 =	vmul.f32 v26, v0;
	v54 =	vmul.f32 v44, v1  }
0x11d: {  	v9 =	vmul.f32 v9, v2;
	v56 =	vld [tilespmem:s17+$0xB0];
	(xrf2) =	vadd.scan.msk.f32 $0xffff, v22;
	v14 =	vadd.f32 v50, v14  }
0x11e: {  	v59 =	vld [tilespmem:s17+$0x150];
	v58 =	vmul.f32 v47, v3;
	(xrf2) =	vadd.scan.msk.f32 $0xffff, v13;
	v12 =	vadd.f32 v51, v12;
	v57 =	vadd.f32 v54, v53  }
0x11f: {  	v61 =	vld [tilespmem:s17+$0x160];
	v60 =	vmul.f32 v48, v0;
	v16 =	vmul.f32 v49, v1;
	(xrf2) =	vadd.scan.msk.f32 $0xffff, v14  }
0x120: {  	v6 =	vmul.f32 v6, v2;
	v62 =	vld [tilespmem:s17+$0x170];
	v12 =	vadd.f32 v57, v12  }
0x121: {  	v28 =	vld [tilespmem:s17+$0x1D0];
	v25 =	vmul.f32 v52, v3;
	v9 =	vadd.f32 v58, v9;
	v63 =	vadd.f32 v16, v60  }
0x122: {  	v30 =	vld [tilespmem:s17+$0x1E0];
	v27 =	vmul.f32 v55, v0;
	v17 =	vmul.f32 v56, v1;
	(xrf2) =	vadd.scan.msk.f32 $0xffff, v12  }
0x123: {  	v5 =	vmul.f32 v5, v2;
	v34 =	vld [tilespmem:s17+$0x1F0];
	v29, _, _ =	vpop (xrf2);
	v9 =	vadd.f32 v63, v9  }
0x124: {  	v26 =	vld [tilespmem:s17+$0x1C0];
	v31, _, _ =	vpop (xrf2);
	v33 =	vmul.f32 v59, v3;
	v6 =	vadd.f32 v25, v6;
	v32 =	vadd.f32 v17, v27  }
0x125: {  	v21 =	vmul.f32 v61, v0;
	v13 =	vmul.f32 v62, v1;
	v35, _, _ =	vpop (xrf2);
	(xrf2) =	vadd.scan.msk.f32 $0xffff, v9  }
0x126: {  	v6 =	vadd.f32 v32, v6;
	v36, _, _ =	vpop (xrf2)  }
0x127: {  	v5 =	vadd.f32 v33, v5;
	v13 =	vadd.f32 v13, v21;
	v37, _, _ =	vpop (xrf2)  }
0x128: {  	v40 =	vmul.f32 v28, v3;
	v41 =	vmul.f32 v30, v0;
	(xrf2) =	vadd.scan.msk.f32 $0xffff, v6;
	v38, _, _ =	vpop (xrf2)  }
0x129: {  	v42 =	vmul.f32 v34, v1;
	v39 =	vmul.f32 v26, v2;
	v5 =	vadd.f32 v13, v5;
	v43, _, _ =	vpop (xrf2)  }
0x12a: {  	v44 =	vbroadcast v38, $0xF;
	v6 =	vbroadcast v43, $0xF  }
0x12b: {  	v0 =	vadd.f32 v42, v41;
	v2 =	vadd.f32 v40, v39;
	(xrf2) =	vadd.scan.msk.f32 $0xffff, v5;
	v45 =	vbroadcast v37, $0xF  }
0x12c: {  	v47 =	vbroadcast v36, $0xF;
	v48, _, _ =	vpop (xrf2);
	v46 =	vsel vm0, v44, v6  }
0x12d: {  	v0 =	vadd.f32 v0, v2;
	v5 =	vbroadcast v48, $0xF;
	v1 =	vsel vm1, v46, v45  }
0x12e: {  	v49 =	vbroadcast v35, $0xF;
	v1 =	vsel vm2, v1, v47  }
0x12f: {  	v50 =	vbroadcast v31, $0xF;
	v51, _, _ =	vpop (xrf2);
	(xrf2) =	vadd.scan.msk.f32 $0xffff, v0;
	v1 =	vsel vm3, v1, v5  }
0x130: {  	v53 =	vbroadcast v51, $0xF;
	v52 =	vsel vm4, v1, v49  }
0x131: {  	v54 =	vbroadcast v29, $0xF;
	v0 =	vsel vm5, v52, v50  }
0x132: {  	v55 =	vbroadcast v11, $0xF;
	v56, _, _ =	vpop (xrf2);
	v0 =	vsel vm6, v0, v53  }
0x133: {  	v57 =	vbroadcast v56, $0xF;
	v0 =	vsel vm7, v0, v54  }
0x134: {  	v58 =	vbroadcast v10, $0xF;
	v0 =	vsel vm8, v0, v55  }
0x135: {  	s20 =	sadd.s32 $0x1, s20;
	v59 =	vbroadcast v8, $0xF;
	v60, _, _ =	vpop (xrf2);
	v0 =	vsel vm9, v0, v57  }
0x136: {  	p2 =	sne.s32 s20, $0x8;
	v61 =	vbroadcast v60, $0xF;
	v0 =	vsel vm10, v0, v58  }
.Ltmp3:
0x137: {  	v62 =	vbroadcast v7, $0xF;
	v0 =	vsel vm11, v0, v59;
	(pc) =	sbr.rel @p2 .LBB2_6-.Ltmp3, $4  }
0x138: {  	v0 =	vsel vm12, v0, v61  }
0x139: {  	v63, _, _ =	vpop (xrf2);
	v0 =	vsel vm13, v0, v62  }
0x13a: {  	s12 =	sshra.s32 s12, $0x2;
	v0 =	vsel vm14, v0, v63  }
0x13b: {  	s21 =	sadd.s32 $0x80, s21;
	s13 =	sadd.s32 $0x1E00, s13;
	[tilespmem:v4+s12+$0x0 ss:$0x1] =	vst.idx.msk $0xffff, v0  }
.Ltmp4:
0x13c: {  	(pc) =	sbr.rel @!p1 .LBB2_10-.Ltmp4, $4  }
0x13d: {  	_ = 	snop  }
0x13e: {  	s10 =	sadd.s32 s16, s10  }
0x13f: {  	s13 =	simm.s32 $0x1F010;
	s12 =	sadd.s32 s8, s10  }
0x140: {  	[hbm4b:s12+s2] =	stream.linear.scatter [tilespmem:s13], [sflag:$0x3], $0x400, $0x38;
	[tilespmem:$0x1F810] =	vst v63  }
0x141: {  	_ =	swait.ge [sflag:s29], $0x200  }
.Ltmp5:
0x142: {  	[sflag:s29] =	ssyncset.done $0x0;
	(pc) =	sbr.rel .LBB2_12-.Ltmp5, $4  }
0x143: {  	[sflag:s29] =	ssyncadd.s32 $0xFFFFFE00  }
0x144: {  	_ =	swait.ge [sflag:s29], $0xF000  }
0x145: {  	[sflag:s29] =	ssyncset.done $0x0  }
0x146: {  	[sflag:s29] =	ssyncadd.s32 $0xFFFF1000  }
.LBB2_10:
0x147: {  	_ =	swait.ge [sflag:s25], $0x8  }
0x148: {  	[sflag:s25] =	ssyncset.done $0x0  }
0x149: {  	[sflag:s25] =	ssyncadd.s32 $0xFFFFFFF8  }
0x14a: {  	_ =	swait.ge [sflag:s25], $0xC0  }
0x14b: {  	[sflag:s25] =	ssyncset.done $0x0  }
0x14c: {  	[sflag:s25] =	ssyncadd.s32 $0xFFFFFF40  }
0x14d: {  	_ =	swait.ge [sflag:s25], $0x340  }
0x14e: {  	[sflag:s25] =	ssyncset.done $0x0  }
0x14f: {  	s12 =	simm.s32 $0x810;
	[sflag:s25] =	ssyncadd.s32 $0xFFFFFCC0  }
0x150: {  	[tilespmem:s12], [sflag:$0x1] =	stream.indirect.gather [hbm4b:s6+s22], $0x40, s2, s22, $0xb8;
	[tilespmem:$0x1F810] =	vst v63  }
0x151: {  	s14 =	simm.s32 $0x10;
	s13 =	simm.s32 $0xC10  }
0x152: {  	[tilespmem:s13], [sflag:$0x1] =	stream.indirect.gather [hbm4b:s7+s28], $0x40, s14, s28, $0xb8;
	[tilespmem:$0x1F810] =	vst v63  }
0x153: {  	s17 =	simm.s32 $0x190;
	s20 =	simm.s32 $0x1110  }
0x154: {  	[tilespmem:s20], [sflag:$0x1] =	stream.indirect.gather [hbm4b:s7+s30], $0x40, s17, s30, $0xb8;
	[tilespmem:$0x1F810] =	vst v63  }
0x155: {  	s21 =	simm.s32 $0x28;
	s26 =	simm.s32 $0x2A10  }
0x156: {  	[tilespmem:s26], [sflag:$0x1] =	stream.indirect.gather [hbm4b:s7+s28], $0x40, s21, s28, $0xb8;
	[tilespmem:$0x1F810] =	vst v63  }
0x157: {  	s13 =	simm.s32 $0x1F8;
	s14 =	simm.s32 $0x2F10  }
0x158: {  	[tilespmem:s14], [sflag:$0x1] =	stream.indirect.gather [hbm4b:s7+s30], $0x40, s13, s30, $0xb8;
	[tilespmem:$0x1F810] =	vst v63  }
0x159: {  	s17 =	simm.s32 $0x40;
	s20 =	simm.s32 $0x4810  }
0x15a: {  	[tilespmem:s20], [sflag:$0x1] =	stream.indirect.gather [hbm4b:s7+s28], $0x40, s17, s28, $0xb8;
	[tilespmem:$0x1F810] =	vst v63  }
0x15b: {  	s21 =	simm.s32 $0x260;
	s26 =	simm.s32 $0x4D10  }
0x15c: {  	[tilespmem:s26], [sflag:$0x1] =	stream.indirect.gather [hbm4b:s7+s30], $0x40, s21, s30, $0xb8;
	[tilespmem:$0x1F810] =	vst v63  }
0x15d: {  	s13 =	simm.s32 $0x58;
	s14 =	simm.s32 $0x6610  }
0x15e: {  	[tilespmem:s14], [sflag:$0x1] =	stream.indirect.gather [hbm4b:s7+s28], $0x40, s13, s28, $0xb8;
	[tilespmem:$0x1F810] =	vst v63  }
0x15f: {  	s17 =	simm.s32 $0x2C8;
	s20 =	simm.s32 $0x6B10  }
0x160: {  	[tilespmem:s20], [sflag:$0x1] =	stream.indirect.gather [hbm4b:s7+s30], $0x40, s17, s30, $0xb8;
	[tilespmem:$0x1F810] =	vst v63  }
0x161: {  	s21 =	simm.s32 $0x70;
	s26 =	simm.s32 $0x8410  }
0x162: {  	[tilespmem:s26], [sflag:$0x1] =	stream.indirect.gather [hbm4b:s7+s28], $0x40, s21, s28, $0xb8;
	[tilespmem:$0x1F810] =	vst v63  }
0x163: {  	s13 =	simm.s32 $0x330;
	s14 =	simm.s32 $0x8910  }
0x164: {  	[tilespmem:s14], [sflag:$0x1] =	stream.indirect.gather [hbm4b:s7+s30], $0x40, s13, s30, $0xb8;
	[tilespmem:$0x1F810] =	vst v63  }
0x165: {  	s17 =	simm.s32 $0x88;
	s20 =	simm.s32 $0xA210  }
0x166: {  	[tilespmem:s20], [sflag:$0x1] =	stream.indirect.gather [hbm4b:s7+s28], $0x40, s17, s28, $0xb8;
	[tilespmem:$0x1F810] =	vst v63  }
0x167: {  	s21 =	simm.s32 $0x398;
	s26 =	simm.s32 $0xA710  }
0x168: {  	[tilespmem:s26], [sflag:$0x1] =	stream.indirect.gather [hbm4b:s7+s30], $0x40, s21, s30, $0xb8;
	[tilespmem:$0x1F810] =	vst v63  }
0x169: {  	s13 =	simm.s32 $0xA0;
	s14 =	simm.s32 $0xC010  }
0x16a: {  	[tilespmem:s14], [sflag:$0x1] =	stream.indirect.gather [hbm4b:s7+s28], $0x40, s13, s28, $0xb8;
	[tilespmem:$0x1F810] =	vst v63  }
0x16b: {  	s17 =	simm.s32 $0x400;
	s20 =	simm.s32 $0xC510  }
0x16c: {  	[tilespmem:s20], [sflag:$0x1] =	stream.indirect.gather [hbm4b:s7+s30], $0x40, s17, s30, $0xb8;
	[tilespmem:$0x1F810] =	vst v63  }
0x16d: {  	s21 =	simm.s32 $0xB8;
	s26 =	simm.s32 $0xDE10  }
0x16e: {  	[tilespmem:s26], [sflag:$0x1] =	stream.indirect.gather [hbm4b:s7+s28], $0x40, s21, s28, $0xb8;
	[tilespmem:$0x1F810] =	vst v63  }
0x16f: {  	s14 =	simm.s32 $0x468;
	s17 =	simm.s32 $0xE310  }
0x170: {  	[tilespmem:s17], [sflag:$0x1] =	stream.indirect.gather [hbm4b:s7+s30], $0x40, s14, s30, $0xb8;
	[tilespmem:$0x1F810] =	vst v63  }
0x171: {  	_ =	swait.ge [sflag:s29], $0x200  }
0x172: {  	[sflag:s29] =	ssyncset.done $0x0  }
0x173: {  	[sflag:s29] =	ssyncadd.s32 $0xFFFFFE00  }
0x174: {  	_ =	swait.ge [sflag:s29], $0xF000  }
0x175: {  	s20 =	sshll.u32 s9, $0x4;
	s21 =	rddreg [dreg:$0x9]  }
0x176: {  	s12 =	sadd.s32 s20, s21  }
0x177: {  	[sflag:s29] =	ssyncset.done $0x0;
	s13 =	sshrl.u32 s12, $0x3  }
0x178: {  	[sflag:s29] =	ssyncadd.s32 $0xFFFF1000;
	s14 =	smul.u32 $0x3, s12;
	s13 =	sadd.s32 s1, s13  }
0x179: {  	[tilespmem:s22], [sflag:$0x6] =	stream.linear.gather [hbm4b:s13+s2], $0x8, $0x38;
	[tilespmem:$0x1F810] =	vst v63  }
.Ltmp6:
0x17a: {  	_ = 	snop;
	(pc) =	sbr.rel @p0 .LBB2_13-.Ltmp6, $4  }
0x17b: {  	s12 =	smul.u32 $0xD, s12;
	s26 =	sadd.s32 s4, s14  }
0x17c: {  	[tilespmem:s23], [sflag:$0x6] =	stream.linear.gather [hbm4b:s26+s2], $0xC0, $0x38;
	[tilespmem:$0x1F810] =	vst v63  }
0x17d: {  	s12 =	sadd.s32 s5, s12  }
0x17e: {  	[tilespmem:s24], [sflag:$0x6] =	stream.linear.gather [hbm4b:s12+s2], $0x340, $0x38;
	[tilespmem:$0x1F810] =	vst v63  }
.LBB2_12:
0x17f: {  	_ =	swait.ge [sflag:s31], $0x400  }
0x180: {  	[sflag:s31] =	ssyncset.done $0x0  }
0x181: {  	[sflag:s31] =	ssyncadd.s32 $0xFFFFFC00  }
.LBB2_13:
0x182: {  	s20 =	simm.s32 $0x0;
	s21 =	simm.s32 $0x1F410;
	s17 =	simm.s32 $0x10010  }
.LBB2_14:
0x183: {  	v4 =	vld [tilespmem:s17+$0x180]  }
0x184: {  	v7 =	vld [tilespmem:s17+$0x190]  }
0x185: {  	v8 =	vld [tilespmem:s17+$0x1A0]  }
0x186: {  	v10 =	vld [tilespmem:s17+$0x1B0]  }
0x187: {  	v5 =	vld [tilespmem:s17+$0x140]  }
0x188: {  	v11 =	vld [tilespmem:s17+$0x100]  }
0x189: {  	v12 =	vld [tilespmem:s17+$0x110]  }
0x18a: {  	v13 =	vld [tilespmem:s17+$0x120]  }
0x18b: {  	v14 =	vld [tilespmem:s17+$0x130]  }
0x18c: {  	v15 =	vld [tilespmem:s17+$0xC0]  }
0x18d: {  	v16 =	vld [tilespmem:s17+$0xD0]  }
0x18e: {  	v17 =	vld [tilespmem:s17+$0xE0]  }
0x18f: {  	v18 =	vld [tilespmem:s17+$0xF0]  }
0x190: {  	v6 =	vld [tilespmem:s17+$0x80]  }
0x191: {  	v19 =	vld [tilespmem:s17+$0x40]  }
0x192: {  	v20 =	vld [tilespmem:s17+$0x50]  }
0x193: {  	s12 =	sshll.u32 s20, $0x6;
	v21 =	vld [tilespmem:s17+$0x60]  }
0x194: {  	v22 =	vld [tilespmem:s17+$0x70];
	s12 =	sand.u32 $0x3FFFFFC0, s12  }
0x195: {  	v2 =	vld [tilespmem:s12+$0xA10]  }
0x196: {  	v3 =	vld [tilespmem:s12+$0xA20]  }
0x197: {  	v0 =	vld [tilespmem:s12+$0xA30]  }
0x198: {  	v1 =	vld [tilespmem:s12+$0xA40]  }
0x199: {  	v23 =	vld [tilespmem:s17+$0x0]  }
0x19a: {  	v24 =	vld [tilespmem:s17+$0x10]  }
0x19b: {  	v25 =	vld [tilespmem:s17+$0x20];
	v4 =	vmul.f32 v4, v2  }
0x19c: {  	v26 =	vld [tilespmem:s17+$0x30];
	v7 =	vmul.f32 v7, v3;
	v8 =	vmul.f32 v8, v0  }
0x19d: {  	v9 =	vld [tilespmem:s17+$0xFFFFFFC0];
	v10 =	vmul.f32 v10, v1;
	v19 =	vmul.f32 v19, v2  }
0x19e: {  	v27 =	vld [tilespmem:s17+$0xFFFFFF80];
	v20 =	vmul.f32 v20, v3;
	v4 =	vadd.f32 v7, v4;
	v7 =	vmul.f32 v11, v2  }
0x19f: {  	v28 =	vld [tilespmem:s17+$0xFFFFFF90];
	v11 =	vmul.f32 v12, v3;
	v8 =	vadd.f32 v10, v8;
	v10 =	vmul.f32 v13, v0  }
0x1a0: {  	v29 =	vld [tilespmem:s17+$0xFFFFFFA0];
	v12 =	vmul.f32 v14, v1;
	v14 =	vmul.f32 v16, v3  }
0x1a1: {  	v30 =	vld [tilespmem:s17+$0xFFFFFFB0];
	v16 =	vmul.f32 v18, v1;
	v7 =	vadd.f32 v11, v7;
	v11 =	vmul.f32 v15, v2  }
0x1a2: {  	v13 =	vld [tilespmem:s17+$0xFFFFFF40];
	v4 =	vadd.f32 v8, v4;
	v8 =	vmul.f32 v17, v0;
	v10 =	vadd.f32 v12, v10  }
0x1a3: {  	v18 =	vld [tilespmem:s17+$0xFFFFFF70];
	v11 =	vadd.f32 v14, v11;
	v14 =	vmul.f32 v21, v0;
	v21 =	vmul.f32 v22, v1  }
0x1a4: {  	v15 =	vld [tilespmem:s17+$0xFFFFFF50];
	v7 =	vadd.f32 v10, v7;
	v8 =	vadd.f32 v16, v8  }
0x1a5: {  	v17 =	vld [tilespmem:s17+$0xFFFFFF60];
	v16 =	vadd.f32 v20, v19;
	(xrf2) =	vadd.scan.msk.f32 $0xffff, v4;
	v14 =	vadd.f32 v21, v14  }
0x1a6: {  	v12 =	vld [tilespmem:s17+$0xFFFFFF00];
	v4 =	vadd.f32 v8, v11;
	(xrf2) =	vadd.scan.msk.f32 $0xffff, v7;
	v7 =	vmul.f32 v23, v2;
	v11 =	vmul.f32 v24, v3  }
0x1a7: {  	v10 =	vld [tilespmem:s17+$0xFFFFFEC0];
	v21 =	vmul.f32 v26, v1;
	v14 =	vadd.f32 v14, v16;
	v16 =	vmul.f32 v25, v0  }
0x1a8: {  	v19 =	vld [tilespmem:s17+$0xFFFFFED0];
	(xrf2) =	vadd.scan.msk.f32 $0xffff, v4  }
0x1a9: {  	v20 =	vld [tilespmem:s17+$0xFFFFFEF0];
	v7 =	vadd.f32 v11, v7;
	(xrf2) =	vadd.scan.msk.f32 $0xffff, v14;
	v14 =	vadd.f32 v21, v16  }
0x1aa: {  	v22 =	vmul.f32 v28, v3;
	v8 =	vld [tilespmem:s17+$0xFFFFFEE0];
	v11 =	vmul.f32 v27, v2  }
0x1ab: {  	v23 =	vld [tilespmem:s17+$0xFFFFFE90];
	v25 =	vmul.f32 v13, v2;
	v26 =	vadd.f32 v14, v7;
	v7 =	vmul.f32 v17, v0  }
0x1ac: {  	v24 =	vld [tilespmem:s17+$0xFFFFFEA0];
	v16 =	vmul.f32 v29, v0;
	v21 =	vmul.f32 v30, v1  }
0x1ad: {  	v4 =	vld [tilespmem:s17+$0xFFFFFE80];
	v10 =	vmul.f32 v10, v2;
	v17 =	vmul.f32 v18, v1  }
0x1ae: {  	v13 =	vld [tilespmem:s17+$0xFFFFFE00];
	v19 =	vmul.f32 v19, v3;
	v11 =	vadd.f32 v22, v11;
	v16 =	vadd.f32 v21, v16  }
0x1af: {  	v15 =	vmul.f32 v15, v3;
	v22 =	vld [tilespmem:s17+$0xFFFFFEB0];
	v21 =	vadd.f32 v17, v7;
	v7, _, _ =	vpop (xrf2);
	(xrf2) =	vadd.scan.msk.f32 $0xffff, v26  }
0x1b0: {  	v27 =	vadd.f32 v19, v10;
	v19 =	vld [tilespmem:s17+$0xFFFFFE60];
	v11 =	vadd.f32 v16, v11  }
0x1b1: {  	v14 =	vld [tilespmem:s17+$0xFFFFFE10];
	v18 =	vadd.f32 v15, v25  }
0x1b2: {  	v20 =	vmul.f32 v20, v1;
	v15 =	vld [tilespmem:s17+$0xFFFFFE20];
	v25 =	vmul.f32 v8, v0;
	v8, _, _ =	vpop (xrf2);
	(xrf2) =	vadd.scan.msk.f32 $0xffff, v11  }
0x1b3: {  	v17 =	vld [tilespmem:s17+$0xFFFFFE30];
	v21 =	vadd.f32 v21, v18  }
0x1b4: {  	v63 =	vmul.f32 v23, v3;
	v16 =	vld [tilespmem:s17+$0xFFFFFE40];
	v25 =	vadd.f32 v20, v25;
	v26 =	vmul.f32 v4, v2  }
0x1b5: {  	v23 =	vmul.f32 v24, v0;
	v24 =	vmul.f32 v22, v1;
	v18 =	vld [tilespmem:s17+$0xFFFFFE50];
	v10, _, _ =	vpop (xrf2);
	(xrf2) =	vadd.scan.msk.f32 $0xffff, v21  }
0x1b6: {  	s14 =	simm.s32 $0x40;
	s13 =	smov.u32 s17;
	s12 =	simm.s32 $0x0;
	v20 =	vld [tilespmem:s17+$0xFFFFFE70];
	v4 =	vmov s21;
	v22 =	vadd.f32 v63, v26;
	v21 =	vadd.f32 v25, v27;
	v11, _, _ =	vpop (xrf2)  }
.LBB2_15:
0x1b7: {  	p0 =	sne.s32 s14, $0x1C0;
	v13 =	vmul.f32 v13, v2;
	v14 =	vmul.f32 v14, v3;
	v23 =	vadd.f32 v24, v23;
	v24 =	vld [tilespmem:s13+$0xFFFFFF10]  }
0x1b8: {  	v15 =	vmul.f32 v15, v0;
	v17 =	vmul.f32 v17, v1;
	v25 =	vld [tilespmem:s13+$0xFFFFFF20];
	(xrf2) =	vadd.scan.msk.f32 $0xffff, v21  }
0x1b9: {  	v13 =	vadd.f32 v14, v13;
	v14 =	vadd.f32 v23, v22;
	v21 =	vld [tilespmem:s13+$0xFFFFFF30];
	v22, _, _ =	vpop (xrf2)  }
0x1ba: {  	v16 =	vmul.f32 v16, v2;
	v26 =	vadd.f32 v17, v15;
	v17 =	vmul.f32 v18, v3;
	v18 =	vld [tilespmem:s13+$0xFFFFFFD0]  }
0x1bb: {  	v19 =	vmul.f32 v19, v0;
	v20 =	vmul.f32 v20, v1;
	v23 =	vld [tilespmem:s13+$0xFFFFFFE0];
	(xrf2) =	vadd.scan.msk.f32 $0xffff, v14  }
0x1bc: {  	v12 =	vmul.f32 v12, v2;
	v13 =	vadd.f32 v26, v13;
	v14 =	vld [tilespmem:s13+$0xFFFFFFF0];
	v15, _, _ =	vpop (xrf2)  }
0x1bd: {  	v16 =	vadd.f32 v17, v16;
	v26 =	vadd.f32 v20, v19;
	v19 =	vmul.f32 v24, v3;
	v20 =	vld [tilespmem:s13+$0x90]  }
0x1be: {  	v24 =	vmul.f32 v25, v0;
	v21 =	vmul.f32 v21, v1;
	v25 =	vld [tilespmem:s13+$0xA0];
	(xrf2) =	vadd.scan.msk.f32 $0xffff, v13  }
0x1bf: {  	v9 =	vmul.f32 v9, v2;
	v13 =	vadd.f32 v26, v16;
	v16 =	vld [tilespmem:s13+$0xB0];
	v17, _, _ =	vpop (xrf2)  }
0x1c0: {  	v12 =	vadd.f32 v19, v12;
	v18 =	vmul.f32 v18, v3;
	v26 =	vadd.f32 v21, v24;
	v21 =	vld [tilespmem:s13+$0x150]  }
0x1c1: {  	v23 =	vmul.f32 v23, v0;
	v14 =	vmul.f32 v14, v1;
	v24 =	vld [tilespmem:s13+$0x160];
	(xrf2) =	vadd.scan.msk.f32 $0xffff, v13  }
0x1c2: {  	v6 =	vmul.f32 v6, v2;
	v12 =	vadd.f32 v26, v12;
	v13 =	vld [tilespmem:s13+$0x170];
	v19, _, _ =	vpop (xrf2)  }
0x1c3: {  	v9 =	vadd.f32 v18, v9;
	v18 =	vmul.f32 v20, v3;
	v26 =	vadd.f32 v14, v23;
	v20 =	vld [tilespmem:s13+$0x1C0]  }
0x1c4: {  	v23 =	vmul.f32 v25, v0;
	v16 =	vmul.f32 v16, v1;
	v25 =	vld [tilespmem:s13+$0x1D0];
	(xrf2) =	vadd.scan.msk.f32 $0xffff, v12  }
0x1c5: {  	v5 =	vmul.f32 v5, v2;
	v26 =	vadd.f32 v26, v9;
	v12 =	vld [tilespmem:s13+$0x1E0];
	v14, _, _ =	vpop (xrf2)  }
0x1c6: {  	v6 =	vadd.f32 v18, v6;
	v18 =	vmul.f32 v21, v3;
	v16 =	vadd.f32 v16, v23;
	v21 =	vld [tilespmem:s13+$0x1F0]  }
0x1c7: {  	v23 =	vmul.f32 v24, v0;
	v13 =	vmul.f32 v13, v1;
	(xrf2) =	vadd.scan.msk.f32 $0xffff, v26  }
0x1c8: {  	v6 =	vadd.f32 v16, v6;
	v9, _, _ =	vpop (xrf2)  }
0x1c9: {  	v5 =	vadd.f32 v18, v5;
	v23 =	vadd.f32 v13, v23  }
0x1ca: {  	v16 =	vmul.f32 v20, v2;
	v18 =	vmul.f32 v25, v3;
	(xrf2) =	vadd.scan.msk.f32 $0xffff, v6  }
0x1cb: {  	v6 =	vmul.f32 v12, v0;
	v5 =	vadd.f32 v23, v5;
	v20 =	vmul.f32 v21, v1;
	v13, _, _ =	vpop (xrf2)  }
0x1cc: {  	v9 =	vbroadcast v9, $0xF;
	v13 =	vbroadcast v13, $0xF  }
0x1cd: {  	v14 =	vbroadcast v14, $0xF;
	v16 =	vadd.f32 v18, v16;
	v6 =	vadd.f32 v20, v6;
	(xrf2) =	vadd.scan.msk.f32 $0xffff, v5  }
0x1ce: {  	v5 =	vsel vm0, v9, v13;
	v9 =	vbroadcast v19, $0xF;
	v12, _, _ =	vpop (xrf2)  }
0x1cf: {  	v5 =	vsel vm1, v5, v14;
	v12 =	vbroadcast v12, $0xF;
	v6 =	vadd.f32 v6, v16  }
0x1d0: {  	v5 =	vsel vm2, v5, v9;
	v9 =	vbroadcast v17, $0xF  }
0x1d1: {  	v5 =	vsel vm3, v5, v12;
	v12 =	vbroadcast v15, $0xF;
	v13, _, _ =	vpop (xrf2);
	(xrf2) =	vadd.scan.msk.f32 $0xffff, v6  }
0x1d2: {  	v5 =	vsel vm4, v5, v9;
	v6 =	vbroadcast v13, $0xF  }
0x1d3: {  	v9 =	vbroadcast v22, $0xF;
	v5 =	vsel vm5, v5, v12  }
0x1d4: {  	v5 =	vsel vm6, v5, v6;
	v6 =	vbroadcast v11, $0xF;
	v11, _, _ =	vpop (xrf2)  }
0x1d5: {  	v5 =	vsel vm7, v5, v9;
	v11 =	vbroadcast v11, $0xF  }
0x1d6: {  	v5 =	vsel vm8, v5, v6;
	v6 =	vbroadcast v10, $0xF  }
0x1d7: {  	v8 =	vbroadcast v8, $0xF;
	v5 =	vsel vm9, v5, v11;
	v9, _, _ =	vpop (xrf2)  }
0x1d8: {  	v5 =	vsel vm10, v5, v6;
	v9 =	vbroadcast v9, $0xF  }
0x1d9: {  	v7 =	vbroadcast v7, $0xF;
	v5 =	vsel vm11, v5, v8  }
0x1da: {  	v5 =	vsel vm12, v5, v9  }
0x1db: {  	v5 =	vsel vm13, v5, v7;
	v6, _, _ =	vpop (xrf2)  }
0x1dc: {  	s26 =	sshra.s32 s12, $0x2;
	s12 =	smov.u32 s14;
	v5 =	vsel vm14, v5, v6  }
0x1dd: {  	s13 =	sadd.s32 $0x400, s13;
	[tilespmem:v4+s26+$0x0 ss:$0x1] =	vst.idx.msk $0xffff, v5  }
0x1de: {  	v7 =	vld [tilespmem:s13+$0x180]  }
0x1df: {  	v8 =	vld [tilespmem:s13+$0x190]  }
0x1e0: {  	v10 =	vld [tilespmem:s13+$0x1A0]  }
0x1e1: {  	v11 =	vld [tilespmem:s13+$0x1B0]  }
0x1e2: {  	v5 =	vld [tilespmem:s13+$0x140]  }
0x1e3: {  	v12 =	vld [tilespmem:s13+$0x100]  }
0x1e4: {  	v13 =	vld [tilespmem:s13+$0x110]  }
0x1e5: {  	v14 =	vld [tilespmem:s13+$0x120]  }
0x1e6: {  	v15 =	vld [tilespmem:s13+$0x130]  }
0x1e7: {  	v16 =	vld [tilespmem:s13+$0xC0]  }
0x1e8: {  	v17 =	vld [tilespmem:s13+$0xD0]  }
0x1e9: {  	v18 =	vld [tilespmem:s13+$0xE0]  }
0x1ea: {  	v19 =	vld [tilespmem:s13+$0xF0]  }
0x1eb: {  	v6 =	vld [tilespmem:s13+$0x80]  }
0x1ec: {  	v20 =	vld [tilespmem:s13+$0x40]  }
0x1ed: {  	v21 =	vld [tilespmem:s13+$0x50]  }
0x1ee: {  	v22 =	vld [tilespmem:s13+$0x60]  }
0x1ef: {  	v23 =	vld [tilespmem:s13+$0x70]  }
0x1f0: {  	v24 =	vld [tilespmem:s13+$0x0]  }
0x1f1: {  	v25 =	vld [tilespmem:s13+$0x10]  }
0x1f2: {  	v26 =	vld [tilespmem:s13+$0x20]  }
0x1f3: {  	v7 =	vmul.f32 v7, v2;
	v8 =	vmul.f32 v8, v3;
	v27 =	vld [tilespmem:s13+$0x30]  }
0x1f4: {  	v10 =	vmul.f32 v10, v0;
	v11 =	vmul.f32 v11, v1;
	v9 =	vld [tilespmem:s13+$0xFFFFFFC0]  }
0x1f5: {  	v7 =	vadd.f32 v8, v7;
	v28 =	vld [tilespmem:s13+$0xFFFFFF80]  }
0x1f6: {  	v12 =	vmul.f32 v12, v2;
	v10 =	vadd.f32 v11, v10;
	v13 =	vmul.f32 v13, v3;
	v8 =	vld [tilespmem:s13+$0xFFFFFF90]  }
0x1f7: {  	v14 =	vmul.f32 v14, v0;
	v15 =	vmul.f32 v15, v1;
	v11 =	vld [tilespmem:s13+$0xFFFFFFA0]  }
0x1f8: {  	v7 =	vadd.f32 v10, v7;
	v12 =	vadd.f32 v13, v12;
	v29 =	vld [tilespmem:s13+$0xFFFFFFB0]  }
0x1f9: {  	v13 =	vmul.f32 v16, v2;
	v16 =	vmul.f32 v17, v3;
	v14 =	vadd.f32 v15, v14;
	v10 =	vld [tilespmem:s13+$0xFFFFFF40]  }
0x1fa: {  	v17 =	vmul.f32 v18, v0;
	v18 =	vmul.f32 v19, v1;
	v15 =	vld [tilespmem:s13+$0xFFFFFF50];
	(xrf2) =	vadd.scan.msk.f32 $0xffff, v7  }
0x1fb: {  	v7 =	vadd.f32 v16, v13;
	v13 =	vadd.f32 v14, v12;
	v19 =	vld [tilespmem:s13+$0xFFFFFF60]  }
0x1fc: {  	v17 =	vadd.f32 v18, v17;
	v16 =	vmul.f32 v20, v2;
	v20 =	vmul.f32 v21, v3;
	v14 =	vld [tilespmem:s13+$0xFFFFFF70]  }
0x1fd: {  	v18 =	vmul.f32 v22, v0;
	v21 =	vmul.f32 v23, v1;
	v12 =	vld [tilespmem:s13+$0xFFFFFF00];
	(xrf2) =	vadd.scan.msk.f32 $0xffff, v13  }
0x1fe: {  	v7 =	vadd.f32 v17, v7;
	v13 =	vadd.f32 v20, v16;
	v22 =	vld [tilespmem:s13+$0xFFFFFEC0]  }
0x1ff: {  	v17 =	vmul.f32 v24, v2;
	v18 =	vadd.f32 v21, v18;
	v20 =	vmul.f32 v25, v3;
	v16 =	vld [tilespmem:s13+$0xFFFFFED0]  }
0x200: {  	v23 =	vmul.f32 v26, v0;
	v24 =	vmul.f32 v27, v1;
	v21 =	vld [tilespmem:s13+$0xFFFFFEE0];
	(xrf2) =	vadd.scan.msk.f32 $0xffff, v7  }
0x201: {  	v27 =	vadd.f32 v20, v17;
	v13 =	vadd.f32 v18, v13;
	v25 =	vld [tilespmem:s13+$0xFFFFFEF0]  }
0x202: {  	v8 =	vmul.f32 v8, v3;
	v17 =	vmul.f32 v28, v2;
	v18 =	vadd.f32 v24, v23;
	v20 =	vld [tilespmem:s13+$0xFFFFFE80]  }
0x203: {  	v11 =	vmul.f32 v11, v0;
	v24 =	vmul.f32 v29, v1;
	v23 =	vld [tilespmem:s13+$0xFFFFFE90];
	(xrf2) =	vadd.scan.msk.f32 $0xffff, v13  }
0x204: {  	v28 =	vadd.f32 v8, v17;
	v17 =	vadd.f32 v18, v27;
	v26 =	vld [tilespmem:s13+$0xFFFFFEA0];
	v7, _, _ =	vpop (xrf2)  }
0x205: {  	v10 =	vmul.f32 v10, v2;
	v15 =	vmul.f32 v15, v3;
	v11 =	vadd.f32 v24, v11;
	v27 =	vld [tilespmem:s13+$0xFFFFFEB0]  }
0x206: {  	v18 =	vmul.f32 v19, v0;
	v19 =	vmul.f32 v14, v1;
	v13 =	vld [tilespmem:s13+$0xFFFFFE00];
	(xrf2) =	vadd.scan.msk.f32 $0xffff, v17  }
0x207: {  	v29 =	vadd.f32 v15, v10;
	v11 =	vadd.f32 v11, v28;
	v14 =	vld [tilespmem:s13+$0xFFFFFE10];
	v8, _, _ =	vpop (xrf2)  }
0x208: {  	v22 =	vmul.f32 v22, v2;
	v18 =	vadd.f32 v19, v18;
	v24 =	vmul.f32 v16, v3;
	v15 =	vld [tilespmem:s13+$0xFFFFFE20]  }
.Ltmp7:
0x209: {  	v19 =	vmul.f32 v21, v0;
	v21 =	vmul.f32 v25, v1;
	v17 =	vld [tilespmem:s13+$0xFFFFFE30];
	(xrf2) =	vadd.scan.msk.f32 $0xffff, v11;
	(pc) =	sbr.rel @p0 .LBB2_15-.Ltmp7, $4  }
0x20a: {  	v30 =	vadd.f32 v24, v22;
	v22 =	vadd.f32 v18, v29;
	v16 =	vld [tilespmem:s13+$0xFFFFFE40];
	v10, _, _ =	vpop (xrf2)  }
0x20b: {  	v25 =	vmul.f32 v20, v2;
	v28 =	vmul.f32 v23, v3;
	v21 =	vadd.f32 v21, v19;
	v18 =	vld [tilespmem:s13+$0xFFFFFE50]  }
0x20c: {  	v23 =	vmul.f32 v26, v0;
	v24 =	vmul.f32 v27, v1;
	v19 =	vld [tilespmem:s13+$0xFFFFFE60];
	(xrf2) =	vadd.scan.msk.f32 $0xffff, v22  }
0x20d: {  	s14 =	sadd.s32 $0x40, s14;
	v21 =	vadd.f32 v21, v30;
	v22 =	vadd.f32 v28, v25;
	v20 =	vld [tilespmem:s13+$0xFFFFFE70];
	v11, _, _ =	vpop (xrf2)  }
0x20e: {  	v25 =	vld [tilespmem:s13+$0xFFFFFF10]  }
0x20f: {  	v13 =	vmul.f32 v13, v2;
	v14 =	vmul.f32 v14, v3;
	v26 =	vld [tilespmem:s13+$0xFFFFFF20]  }
0x210: {  	v15 =	vmul.f32 v15, v0;
	v17 =	vmul.f32 v17, v1;
	v44 =	vld [tilespmem:s13+$0xFFFFFF30]  }
0x211: {  	v23 =	vadd.f32 v24, v23;
	v47 =	vld [tilespmem:s13+$0xFFFFFFD0];
	v45 =	vmul.f32 v16, v2;
	v46 =	vmul.f32 v18, v3  }
0x212: {  	v48 =	vld [tilespmem:s13+$0xFFFFFFE0];
	v13 =	vadd.f32 v14, v13;
	v19 =	vmul.f32 v19, v0;
	v20 =	vmul.f32 v20, v1  }
0x213: {  	v49 =	vld [tilespmem:s13+$0xFFFFFFF0];
	v12 =	vmul.f32 v12, v2;
	v22 =	vadd.f32 v23, v22;
	v15 =	vadd.f32 v17, v15  }
0x214: {  	v52 =	vld [tilespmem:s13+$0x90];
	v14 =	vadd.f32 v46, v45;
	v51 =	vmul.f32 v25, v3;
	v50 =	vadd.f32 v20, v19  }
0x215: {  	v55 =	vld [tilespmem:s13+$0xA0];
	(xrf2) =	vadd.scan.msk.f32 $0xffff, v21;
	v13 =	vadd.f32 v15, v13;
	v53 =	vmul.f32 v26, v0;
	v54 =	vmul.f32 v44, v1  }
0x216: {  	v9 =	vmul.f32 v9, v2;
	v56 =	vld [tilespmem:s13+$0xB0];
	(xrf2) =	vadd.scan.msk.f32 $0xffff, v22;
	v14 =	vadd.f32 v50, v14  }
0x217: {  	v59 =	vld [tilespmem:s13+$0x150];
	v58 =	vmul.f32 v47, v3;
	(xrf2) =	vadd.scan.msk.f32 $0xffff, v13;
	v12 =	vadd.f32 v51, v12;
	v57 =	vadd.f32 v54, v53  }
0x218: {  	v61 =	vld [tilespmem:s13+$0x160];
	v60 =	vmul.f32 v48, v0;
	v16 =	vmul.f32 v49, v1;
	(xrf2) =	vadd.scan.msk.f32 $0xffff, v14  }
0x219: {  	v6 =	vmul.f32 v6, v2;
	v62 =	vld [tilespmem:s13+$0x170];
	v12 =	vadd.f32 v57, v12  }
0x21a: {  	v28 =	vld [tilespmem:s13+$0x1D0];
	v25 =	vmul.f32 v52, v3;
	v9 =	vadd.f32 v58, v9;
	v63 =	vadd.f32 v16, v60  }
0x21b: {  	v30 =	vld [tilespmem:s13+$0x1E0];
	v27 =	vmul.f32 v55, v0;
	v17 =	vmul.f32 v56, v1;
	(xrf2) =	vadd.scan.msk.f32 $0xffff, v12  }
0x21c: {  	v5 =	vmul.f32 v5, v2;
	v34 =	vld [tilespmem:s13+$0x1F0];
	v29, _, _ =	vpop (xrf2);
	v9 =	vadd.f32 v63, v9  }
0x21d: {  	v26 =	vld [tilespmem:s13+$0x1C0];
	v31, _, _ =	vpop (xrf2);
	v33 =	vmul.f32 v59, v3;
	v6 =	vadd.f32 v25, v6;
	v32 =	vadd.f32 v17, v27  }
0x21e: {  	v21 =	vmul.f32 v61, v0;
	v13 =	vmul.f32 v62, v1;
	v35, _, _ =	vpop (xrf2);
	(xrf2) =	vadd.scan.msk.f32 $0xffff, v9  }
0x21f: {  	v6 =	vadd.f32 v32, v6;
	v36, _, _ =	vpop (xrf2)  }
0x220: {  	v5 =	vadd.f32 v33, v5;
	v13 =	vadd.f32 v13, v21;
	v37, _, _ =	vpop (xrf2)  }
0x221: {  	v40 =	vmul.f32 v28, v3;
	v41 =	vmul.f32 v30, v0;
	(xrf2) =	vadd.scan.msk.f32 $0xffff, v6;
	v38, _, _ =	vpop (xrf2)  }
0x222: {  	v42 =	vmul.f32 v34, v1;
	v39 =	vmul.f32 v26, v2;
	v5 =	vadd.f32 v13, v5;
	v43, _, _ =	vpop (xrf2)  }
0x223: {  	v44 =	vbroadcast v38, $0xF;
	v6 =	vbroadcast v43, $0xF  }
0x224: {  	v0 =	vadd.f32 v42, v41;
	v2 =	vadd.f32 v40, v39;
	(xrf2) =	vadd.scan.msk.f32 $0xffff, v5;
	v45 =	vbroadcast v37, $0xF  }
0x225: {  	v47 =	vbroadcast v36, $0xF;
	v48, _, _ =	vpop (xrf2);
	v46 =	vsel vm0, v44, v6  }
0x226: {  	v0 =	vadd.f32 v0, v2;
	v5 =	vbroadcast v48, $0xF;
	v1 =	vsel vm1, v46, v45  }
0x227: {  	v49 =	vbroadcast v35, $0xF;
	v1 =	vsel vm2, v1, v47  }
0x228: {  	v50 =	vbroadcast v31, $0xF;
	v51, _, _ =	vpop (xrf2);
	(xrf2) =	vadd.scan.msk.f32 $0xffff, v0;
	v1 =	vsel vm3, v1, v5  }
0x229: {  	v53 =	vbroadcast v51, $0xF;
	v52 =	vsel vm4, v1, v49  }
0x22a: {  	v54 =	vbroadcast v29, $0xF;
	v0 =	vsel vm5, v52, v50  }
0x22b: {  	v55 =	vbroadcast v11, $0xF;
	v56, _, _ =	vpop (xrf2);
	v0 =	vsel vm6, v0, v53  }
0x22c: {  	v57 =	vbroadcast v56, $0xF;
	v0 =	vsel vm7, v0, v54  }
0x22d: {  	v58 =	vbroadcast v10, $0xF;
	v0 =	vsel vm8, v0, v55  }
0x22e: {  	s20 =	sadd.s32 $0x1, s20;
	v59 =	vbroadcast v8, $0xF;
	v60, _, _ =	vpop (xrf2);
	v0 =	vsel vm9, v0, v57  }
0x22f: {  	p0 =	sne.s32 s20, $0x8;
	v61 =	vbroadcast v60, $0xF;
	v0 =	vsel vm10, v0, v58  }
.Ltmp8:
0x230: {  	v62 =	vbroadcast v7, $0xF;
	v0 =	vsel vm11, v0, v59;
	(pc) =	sbr.rel @p0 .LBB2_14-.Ltmp8, $4  }
0x231: {  	v0 =	vsel vm12, v0, v61  }
0x232: {  	v63, _, _ =	vpop (xrf2);
	v0 =	vsel vm13, v0, v62  }
0x233: {  	s12 =	sshra.s32 s12, $0x2;
	v0 =	vsel vm14, v0, v63  }
0x234: {  	s21 =	sadd.s32 $0x80, s21;
	s17 =	sadd.s32 $0x1E00, s17;
	[tilespmem:v4+s12+$0x0 ss:$0x1] =	vst.idx.msk $0xffff, v0  }
0x235: {  	s9 =	sadd.s32 $0x1, s9  }
0x236: {  	p0 =	sne.s32 s9, $0x20  }
.Ltmp9:
0x237: {  	_ = 	snop;
	(pc) =	sbr.rel @p0 .LBB2_2-.Ltmp9, $3  }
0x238: {  	_ =	sdelay $0x1  }
0x239: {  	s10 =	sadd.s32 s10, s18  }
0x23a: {  	[hbm4b:s10+s2] =	stream.linear.scatter [tilespmem:s0], [sflag:$0x4], $0x400, $0x38;
	[tilespmem:$0x1F810] =	vst v63  }
0x23b: {  	_ =	swait.ge [sflag:s3], $0x400  }
0x23c: {  	[sflag:s3] =	ssyncset.done $0x0  }
0x23d: {  	[sflag:s3] =	ssyncadd.s32 $0xFFFFFC00  }
0x23e: {  	_ =	swait.ge [sflag:s31], $0x400  }
0x23f: {  	s10 =	rddreg [dreg:$0xb]  }
0x240: {  	s9 =	rddreg [dreg:$0xa];
	s10 =	sadd.s32 $0x1, s10  }
0x241: {  	p0 =	sne.s32 s10, s9  }
.Ltmp10:
0x242: {  	_ = 	snop;
	(pc) =	sbr.rel @p0 .LBB2_1-.Ltmp10, $3  }
0x243: {  	_ =	sdelay $0x1  }
0x244: {  	[sflag:s31] =	ssyncset.done $0x0  }
0x245: {  	[sflag:s31] =	ssyncadd.s32 $0xFFFFFC00  }
0x246: {  	_ =	sfence.sel $0x180000  }
0x247: {  	[bflag:$0x0] =	sbarrier.arrive $0xFFFF  }
0x248: {  	_ =	strace $0x90000047  }
0x249: {  	s0 =	stileid.u32;
	[bflag:$0x2] =	sbarrier.arrive $0xFFFF  }
0x24a: {  	p0 =	sne.s32 s0, $0x0;
	s0 =	rddreg [dreg:$0x2]  }
0x24b: {  	s0 =	sadd.s32 @!p0 $0x100000, s0  }
0x24c: {  	[sflag:s0] =	ssyncadd.tile.s32 @!p0 $0x1;
	_ =	shalt  }
.Lfunc_end2:
_tile_overlayer_lowered:
.L_overlay_start_2:
0x24d: {  	(tag) =	ssettag $0x2  }
0x24e: {  	s0 =	rddreg [dreg:$0x0];
	s2 =	stileid.u32  }
0x24f: {  	s1 =	rddreg [dreg:$0x1];
	p0 =	sne.s32 s2, $0x0  }
0x250: {  	s3 =	rddreg [dreg:$0x2];
	[bflag:$0x3] =	sbarrier.arrive $0xFFFF;
	s2 =	simm.s32 @!p0 $0x1C07  }
0x251: {  	[timem:s3], [sflag:s2] =	dma.local @!p0 [hbm:s0], s1  }
0x252: {  	s0 =	simm.s32 @!p0 $0x7  }
0x253: {  	_ =	swait.ge @!p0 [sflag:s0], s1  }
0x254: {  	s1 =	ssub.s32 @!p0 $0x0, s1;
	[sflag:s0] =	ssyncset.done @!p0 $0x0  }
0x255: {  	[sflag:s0] =	ssyncadd.s32 @!p0 s1  }
0x256: {  	[bflag:$0x3] =	sbarrier.arrive $0xFFFF  }
0x257: {  	_ =	shalt  }

</sc_bundles>
